<compile_context>
chip_gen: v7x
topology: tpu7x:2x2x1
jax: 0.10.2.dev20260603
libtpu: 0.0.44.dev20260713+nightly
codegen_flags: <defaults>
</compile_context>

<pallas_src>
import jax
import jax.numpy as jnp
from jax import lax
from jax.experimental import pallas as pl
from jax.experimental.pallas import tpu as pltpu
from jax.experimental.pallas import tpu_sc as plsc

_LOSS_W = 0.5
_ORTH_MU = 0.1
_NC = 2
_LANES = 16

_L = 12
_B = 64
_D = 768
_TOPK = 5
_NCH = _D // _LANES
_BH = _B // 2


def _splat(s):
    return lax.broadcast_in_dim(s, (_LANES,), ())


def _rsqrt_vec(v):
    i = plsc.bitcast(v, jnp.int32)
    i = jnp.int32(0x5F3759DF) - lax.shift_right_logical(
        i, jnp.full((_LANES,), 1, jnp.int32))
    y = plsc.bitcast(i, jnp.float32)
    for _ in range(3):
        y = y * (jnp.float32(1.5) - jnp.float32(0.5) * v * y * y)
    return y


def _lane_sum(v):
    return _splat(jnp.sum(v))


def _sc_loss_body(x_hbm, k_hbm, a_hbm, out_hbm,
                  xbuf, kbuf, abuf, akbuf, a2buf, numbuf, denbuf,
                  partbuf, gathbuf, outbuf, shared):
    c = lax.axis_index("c")
    s = lax.axis_index("s")
    zero = jnp.zeros((_LANES,), jnp.float32)

    @pl.when(s < _L)
    def _compute():
        b0 = c * _BH
        pltpu.sync_copy(x_hbm.at[pl.ds(b0, _BH), s], xbuf)
        pltpu.sync_copy(k_hbm.at[s], kbuf)
        pltpu.sync_copy(a_hbm.at[s], abuf)

        def prep(ci, kk):
            off = ci * _LANES
            new_kk = []
            for k in range(_TOPK):
                va = abuf[k, pl.ds(off, _LANES)]
                vk = kbuf[k, pl.ds(off, _LANES)]
                akbuf[k, pl.ds(off, _LANES)] = va * vk
                a2buf[k, pl.ds(off, _LANES)] = va * va
                new_kk.append(kk[k] + vk * vk)
            return tuple(new_kk)
        kkv = lax.fori_loop(0, _NCH, prep, tuple(zero for _ in range(_TOPK)))
        kk_v = [_lane_sum(kkv[k]) for k in range(_TOPK)]

        def bg_body(bg, _):
            bl = bg * 2

            def c_body(ci, accs):
                off = ci * _LANES
                vx0 = xbuf[bl, pl.ds(off, _LANES)]
                vx1 = xbuf[bl + 1, pl.ds(off, _LANES)]
                w0 = vx0 * vx0
                w1 = vx1 * vx1
                out = []
                for k in range(_TOPK):
                    vak = akbuf[k, pl.ds(off, _LANES)]
                    va2 = a2buf[k, pl.ds(off, _LANES)]
                    n0, n1, d0, d1 = accs[k]
                    out.append((n0 + vx0 * vak, n1 + vx1 * vak,
                                d0 + w0 * va2, d1 + w1 * va2))
                return tuple(out)

            init = tuple((zero, zero, zero, zero) for _ in range(_TOPK))
            accs = lax.fori_loop(0, _NCH, c_body, init)
            lane0 = lax.iota(jnp.int32, _LANES) == 0
            for k in range(_TOPK):
                n0, n1, d0, d1 = accs[k]
                base = k * _BH + bl
                plsc.store_scatter(numbuf, [_splat(base)],
                                   _lane_sum(n0), mask=lane0)
                plsc.store_scatter(numbuf, [_splat(base + 1)],
                                   _lane_sum(n1), mask=lane0)
                plsc.store_scatter(denbuf, [_splat(base)],
                                   _lane_sum(d0), mask=lane0)
                plsc.store_scatter(denbuf, [_splat(base + 1)],
                                   _lane_sum(d1), mask=lane0)
            return 0

        lax.fori_loop(0, _BH // 2, bg_body, 0)

        iota = lax.iota(jnp.int32, _LANES)
        loss_vec = zero
        for k in range(_TOPK):
            vkk = kk_v[k]
            for h in range(_BH // _LANES):
                off = k * _BH + h * _LANES
                vn = numbuf[pl.ds(off, _LANES)]
                vd = denbuf[pl.ds(off, _LANES)]
                t = jnp.maximum(vd * vkk, jnp.float32(1e-24))
                loss_vec = loss_vec + vn * _rsqrt_vec(t)

        def gram_penalty(buf):
            def gbody(ci, accs):
                off = ci * _LANES
                rows = [buf[k, pl.ds(off, _LANES)] for k in range(_TOPK)]
                out = []
                idx = 0
                for i in range(_TOPK):
                    for j in range(i, _TOPK):
                        out.append(accs[idx] + rows[i] * rows[j])
                        idx += 1
                return tuple(out)
            npair = (_TOPK * (_TOPK + 1)) // 2
            accs = lax.fori_loop(0, _NCH, gbody,
                                 tuple(zero for _ in range(npair)))
            sums = [_lane_sum(a) for a in accs]
            diag = {}
            off_pairs = []
            idx = 0
            for i in range(_TOPK):
                for j in range(i, _TOPK):
                    if i == j:
                        diag[i] = sums[idx]
                    else:
                        off_pairs.append((i, j, sums[idx]))
                    idx += 1
            o = zero
            for i, j, sij in off_pairs:
                o = o + jnp.float32(2.0) * (sij * sij) / (diag[i] * diag[j])
            return o / jnp.float32(_TOPK * _TOPK) * jnp.float32(1e-06)

        o_val = gram_penalty(kbuf) + gram_penalty(abuf)
        orth_gated = jnp.where(_splat(c) == 0, o_val, zero)

        orth_vec = jnp.where(iota == 0, orth_gated, zero)
        partbuf[pl.ds(0, _LANES)] = loss_vec
        partbuf[pl.ds(_LANES, _LANES)] = orth_vec
        pltpu.sync_copy(partbuf, shared.at[s])

    plsc.subcore_barrier()

    @pl.when(s == 0)
    def _reduce():
        pltpu.sync_copy(shared, gathbuf)
        lv = zero
        ov = zero
        for sl in range(_L):
            lv = lv + gathbuf[sl, pl.ds(0, _LANES)]
            ov = ov + gathbuf[sl, pl.ds(_LANES, _LANES)]
        cos_sum = _lane_sum(lv)
        orth_sum = _lane_sum(ov)
        p_part = jnp.float32(_LOSS_W) * (
            jnp.float32(_L * _BH * _TOPK) - cos_sum)
        o_part = jnp.float32(_ORTH_MU) * orth_sum
        iota = lax.iota(jnp.int32, _LANES)
        res = jnp.where(iota == 0, p_part,
                        jnp.where(iota == 1, o_part, zero))
        outbuf[...] = res
        pltpu.sync_copy(outbuf, out_hbm.at[c])


def _sc_losses(x_query, k0, a0):
    mesh = plsc.VectorSubcoreMesh(core_axis_name="c", subcore_axis_name="s")
    f32 = jnp.float32
    kern = pl.kernel(
        _sc_loss_body,
        mesh=mesh,
        compiler_params=pltpu.CompilerParams(needs_layout_passes=False),
        out_type=jax.ShapeDtypeStruct((_NC, _LANES), f32),
        scratch_types=[
            pltpu.VMEM((_BH, _D), f32),
            pltpu.VMEM((_TOPK, _D), f32),
            pltpu.VMEM((_TOPK, _D), f32),
            pltpu.VMEM((_TOPK, _D), f32),
            pltpu.VMEM((_TOPK, _D), f32),
            pltpu.VMEM((_TOPK * _BH,), f32),
            pltpu.VMEM((_TOPK * _BH,), f32),
            pltpu.VMEM((128,), f32),
            pltpu.VMEM((16, 128), f32),
            pltpu.VMEM((_LANES,), f32),
            pltpu.VMEM_SHARED((16, 128), f32),
        ],
    )
    return kern(x_query, k0, a0)


def _bcast_body(p_ref, out_ref):
    pb = p_ref[0, 0].reshape(1, p_ref.shape[2] * p_ref.shape[3],
                             p_ref.shape[4])
    out_ref[...] = jnp.broadcast_to(pb, out_ref.shape)


def kernel(x_query, vis_mark, train, e_p, e_k, e_a):
    L, T, topk, plen, D = e_p.shape
    Bq = x_query.shape[0]

    lv = _sc_losses(x_query, e_k[:, 0], e_a[:, 0])

    out = pl.pallas_call(
        _bcast_body,
        grid=(L,),
        in_specs=[pl.BlockSpec((1, 1, topk, plen, D),
                               lambda l: (l, 0, 0, 0, 0))],
        out_specs=pl.BlockSpec((1, Bq, topk * plen, D),
                               lambda l: (l, 0, 0, 0)),
        out_shape=jax.ShapeDtypeStruct((L, Bq, topk * plen, D), jnp.float32),
    )(e_p)
    p_loss = lv[0, 0] + lv[1, 0]
    orth_loss = lv[0, 1] + lv[1, 1]
    return out, p_loss, orth_loss

# --- scband reference (transcript-rebuilt; emitter-appended) ---
"""Pipeline reference for scband-l2-ppp-mask-se-orth-wd-84095459655769 (READ-ONLY COPY).

The authoritative reference and input builder live on the scoring server;
editing this copy changes nothing except your own understanding.
"""

import jax, jax.numpy as jnp
import numpy as np

B = 64
N_LAYERS = 12
EMB_D = 768
KEY_D = 768
N_TASKS = 20
TOPK = 5
P_LEN = 8
LOSS_W = 0.5
ORTH_MU = 0.1
TASK_COUNT = 0


def _normalize(x, axis):
    n = jnp.linalg.norm(x, axis=axis, keepdims=True)
    return x / jnp.maximum(n, 1e-12)


def _ortho_penalty(t):
    return jnp.mean((t @ t.T - jnp.eye(t.shape[0], dtype=t.dtype)) ** 2) * 1e-06


def setup_inputs(seed: int = 0):
    key = jax.random.key(seed)
    k1, k2, k3, k4 = jax.random.split(key, 4)
    x_query = jax.random.normal(k1, (B, N_LAYERS, KEY_D), dtype=jnp.float32)
    e_p = jax.random.uniform(k2, (N_LAYERS, N_TASKS, TOPK, P_LEN, EMB_D), dtype=jnp.float32)
    e_k = jax.random.uniform(k3, (N_LAYERS, N_TASKS, TOPK, KEY_D), dtype=jnp.float32)
    e_a = jax.random.uniform(k4, (N_LAYERS, N_TASKS, TOPK, KEY_D), dtype=jnp.float32)
    return {"x_query": x_query, "vis_mark": 0, "train": 1, "e_p": e_p, "e_k": e_k, "e_a": e_a}


def reference(x_query, vis_mark, train, e_p, e_k, e_a):
    Bq, nL, C = x_query.shape
    p_return = []
    p_loss = jnp.float32(0.0)
    orth_loss = jnp.float32(0.0)
    for l in range(nL):
        K = e_k[l, TASK_COUNT]
        p = e_p[l, TASK_COUNT]
        A = e_a[l, TASK_COUNT]
        n_A = _normalize(A, 1)
        a_query = jnp.einsum('bd,kd->bkd', x_query[:, l, :], A)
        n_K = _normalize(K, 1)
        q = _normalize(a_query, 2)
        cos_sim = jnp.einsum('bkd,kd->bk', q, n_K)
        K_all = e_k[l].reshape(N_TASKS * TOPK, KEY_D)
        A_all = e_a[l].reshape(N_TASKS * TOPK, KEY_D)
        a_query_all = jnp.einsum('bd,kd->bkd', x_query[:, l, :], A_all)
        n_K_all = _normalize(K_all, 1)
        q_all = _normalize(a_query_all, 2)
        cos_sim_all = jnp.einsum('bkd,kd->bk', q_all, n_K_all)  # vis only (vis_period=0)
        loss = jnp.sum(1.0 - cos_sim)
        o_loss = _ortho_penalty(n_K) + _ortho_penalty(n_A)
        P_ = jnp.broadcast_to(p.reshape(1, TOPK * P_LEN, EMB_D), (Bq, TOPK * P_LEN, EMB_D))
        p_loss = p_loss + loss
        orth_loss = orth_loss + o_loss
        p_return.append(P_)
    p_loss = p_loss * LOSS_W
    orth_loss = orth_loss * ORTH_MU
    return (jnp.stack(p_return, axis=0), p_loss, orth_loss)

if __name__ == "__main__":
    import jax
    _d = setup_inputs()
    print(jax.jit(kernel)(*tuple(_d.values())))

</pallas_src>

<mosaic_0001>
#map = affine_map<(d0, d1) -> (0, 0, 0)>
#map1 = affine_map<(d0, d1) -> (0, 0)>
module attributes {stable_mosaic.version = 14 : i64} {
  func.func @_sc_loss_body(%arg0: i32, %arg1: i32, %arg2: memref<64x12x768xf32, #tpu.memory_space<hbm>>, %arg3: memref<12x5x768xf32, #tpu.memory_space<hbm>>, %arg4: memref<12x5x768xf32, #tpu.memory_space<hbm>>, %arg5: memref<2x16xf32, #tpu.memory_space<hbm>>, %arg6: memref<32x768xf32, #tpu.memory_space<vmem>>, %arg7: memref<5x768xf32, #tpu.memory_space<vmem>>, %arg8: memref<5x768xf32, #tpu.memory_space<vmem>>, %arg9: memref<5x768xf32, #tpu.memory_space<vmem>>, %arg10: memref<5x768xf32, #tpu.memory_space<vmem>>, %arg11: memref<160xf32, #tpu.memory_space<vmem>>, %arg12: memref<160xf32, #tpu.memory_space<vmem>>, %arg13: memref<128xf32, #tpu.memory_space<vmem>>, %arg14: memref<16x128xf32, #tpu.memory_space<vmem>>, %arg15: memref<16xf32, #tpu.memory_space<vmem>>, %arg16: memref<16x128xf32, #tpu.memory_space<vmem_shared>>) attributes {dimension_semantics = [#tpu.dimension_semantics<core_parallel>, #tpu.dimension_semantics<subcore_parallel>], iteration_bounds = array<i64: 2, 16>, scalar_prefetch = 0 : i64, scratch_operands = 11 : i64, tpu.core_type = #tpu.core_type<sc_vector_subcore>, window_params = [{transform_indices = #map}, {transform_indices = #map}, {transform_indices = #map}, {transform_indices = #map1}]} {
    %broadcast_in_dim3A = arith.constant 0.000000e+00 : f32
    %broadcast_in_dim3A_0 = vector.broadcast %broadcast_in_dim3A : f32 to vector<16xf32>
    %lt3A = arith.constant 12 : i32
    %lt3A_1 = arith.cmpi slt, %arg1, %lt3A : i32
    %convert_element_type3A = arith.extui %lt3A_1 : i1 to i32
    %cond3A = arith.constant 0 : i32
    %cond3A_2 = arith.cmpi ne, %convert_element_type3A, %cond3A : i32
    scf.if %cond3A_2 {
      %mul3A = arith.constant 32 : i32
      %mul3A_7 = arith.muli %arg0, %mul3A : i32
      "tpu.region"() ({
        %run_scoped3A = tpu.sem_alloc : memref<!tpu.dma_semaphore, #tpu.memory_space<semaphore_mem>>
        %dma_start3A = arith.constant 0 : i32
        %dma_start3A_813 = tpu.memref_slice %arg2[%mul3A_7, %arg1, %dma_start3A] : memref<64x12x768xf32, #tpu.memory_space<hbm>> -> memref<32x1x768xf32, #tpu.memory_space<hbm>>
        %dma_start3A_814 = tpu.memref_squeeze %dma_start3A_813 : memref<32x1x768xf32, #tpu.memory_space<hbm>> -> memref<32x768xf32, #tpu.memory_space<hbm>>
        %dma_start3A_815 = arith.constant 0 : i32
        %dma_start3A_816 = tpu.memref_slice %arg2[%mul3A_7, %arg1, %dma_start3A_815] : memref<64x12x768xf32, #tpu.memory_space<hbm>> -> memref<32x1x768xf32, #tpu.memory_space<hbm>>
        %dma_start3A_817 = tpu.memref_squeeze %dma_start3A_816 : memref<32x1x768xf32, #tpu.memory_space<hbm>> -> memref<32x768xf32, #tpu.memory_space<hbm>>
        tpu.enqueue_dma source(%dma_start3A_817 : memref<32x768xf32, #tpu.memory_space<hbm>>) target(%arg6 : memref<32x768xf32, #tpu.memory_space<vmem>>) target_semaphore(%run_scoped3A : memref<!tpu.dma_semaphore, #tpu.memory_space<semaphore_mem>>)
        %dma_wait3A = arith.constant 0 : i32
        %dma_wait3A_818 = tpu.memref_slice %arg2[%mul3A_7, %arg1, %dma_wait3A] : memref<64x12x768xf32, #tpu.memory_space<hbm>> -> memref<32x1x768xf32, #tpu.memory_space<hbm>>
        %dma_wait3A_819 = tpu.memref_squeeze %dma_wait3A_818 : memref<32x1x768xf32, #tpu.memory_space<hbm>> -> memref<32x768xf32, #tpu.memory_space<hbm>>
        %dma_wait3A_820 = arith.constant 0 : i32
        %dma_wait3A_821 = tpu.memref_slice %arg2[%mul3A_7, %arg1, %dma_wait3A_820] : memref<64x12x768xf32, #tpu.memory_space<hbm>> -> memref<32x1x768xf32, #tpu.memory_space<hbm>>
        %dma_wait3A_822 = tpu.memref_squeeze %dma_wait3A_821 : memref<32x1x768xf32, #tpu.memory_space<hbm>> -> memref<32x768xf32, #tpu.memory_space<hbm>>
        tpu.wait_dma2 semaphore(%run_scoped3A : memref<!tpu.dma_semaphore, #tpu.memory_space<semaphore_mem>>) src(%dma_wait3A_822 : memref<32x768xf32, #tpu.memory_space<hbm>>) dst(%arg6 : memref<32x768xf32, #tpu.memory_space<vmem>>)
        tpu.yield
      }) : () -> ()
      "tpu.region"() ({
        %run_scoped3A = tpu.sem_alloc : memref<!tpu.dma_semaphore, #tpu.memory_space<semaphore_mem>>
        %dma_start3A = arith.constant 0 : i32
        %dma_start3A_813 = arith.constant 0 : i32
        %dma_start3A_814 = tpu.memref_slice %arg3[%arg1, %dma_start3A, %dma_start3A_813] : memref<12x5x768xf32, #tpu.memory_space<hbm>> -> memref<1x5x768xf32, #tpu.memory_space<hbm>>
        %dma_start3A_815 = tpu.memref_squeeze %dma_start3A_814 : memref<1x5x768xf32, #tpu.memory_space<hbm>> -> memref<5x768xf32, #tpu.memory_space<hbm>>
        %dma_start3A_816 = arith.constant 0 : i32
        %dma_start3A_817 = arith.constant 0 : i32
        %dma_start3A_818 = tpu.memref_slice %arg3[%arg1, %dma_start3A_816, %dma_start3A_817] : memref<12x5x768xf32, #tpu.memory_space<hbm>> -> memref<1x5x768xf32, #tpu.memory_space<hbm>>
        %dma_start3A_819 = tpu.memref_squeeze %dma_start3A_818 : memref<1x5x768xf32, #tpu.memory_space<hbm>> -> memref<5x768xf32, #tpu.memory_space<hbm>>
        tpu.enqueue_dma source(%dma_start3A_819 : memref<5x768xf32, #tpu.memory_space<hbm>>) target(%arg7 : memref<5x768xf32, #tpu.memory_space<vmem>>) target_semaphore(%run_scoped3A : memref<!tpu.dma_semaphore, #tpu.memory_space<semaphore_mem>>)
        %dma_wait3A = arith.constant 0 : i32
        %dma_wait3A_820 = arith.constant 0 : i32
        %dma_wait3A_821 = tpu.memref_slice %arg3[%arg1, %dma_wait3A, %dma_wait3A_820] : memref<12x5x768xf32, #tpu.memory_space<hbm>> -> memref<1x5x768xf32, #tpu.memory_space<hbm>>
        %dma_wait3A_822 = tpu.memref_squeeze %dma_wait3A_821 : memref<1x5x768xf32, #tpu.memory_space<hbm>> -> memref<5x768xf32, #tpu.memory_space<hbm>>
        %dma_wait3A_823 = arith.constant 0 : i32
        %dma_wait3A_824 = arith.constant 0 : i32
        %dma_wait3A_825 = tpu.memref_slice %arg3[%arg1, %dma_wait3A_823, %dma_wait3A_824] : memref<12x5x768xf32, #tpu.memory_space<hbm>> -> memref<1x5x768xf32, #tpu.memory_space<hbm>>
        %dma_wait3A_826 = tpu.memref_squeeze %dma_wait3A_825 : memref<1x5x768xf32, #tpu.memory_space<hbm>> -> memref<5x768xf32, #tpu.memory_space<hbm>>
        tpu.wait_dma2 semaphore(%run_scoped3A : memref<!tpu.dma_semaphore, #tpu.memory_space<semaphore_mem>>) src(%dma_wait3A_826 : memref<5x768xf32, #tpu.memory_space<hbm>>) dst(%arg7 : memref<5x768xf32, #tpu.memory_space<vmem>>)
        tpu.yield
      }) : () -> ()
      "tpu.region"() ({
        %run_scoped3A = tpu.sem_alloc : memref<!tpu.dma_semaphore, #tpu.memory_space<semaphore_mem>>
        %dma_start3A = arith.constant 0 : i32
        %dma_start3A_813 = arith.constant 0 : i32
        %dma_start3A_814 = tpu.memref_slice %arg4[%arg1, %dma_start3A, %dma_start3A_813] : memref<12x5x768xf32, #tpu.memory_space<hbm>> -> memref<1x5x768xf32, #tpu.memory_space<hbm>>
        %dma_start3A_815 = tpu.memref_squeeze %dma_start3A_814 : memref<1x5x768xf32, #tpu.memory_space<hbm>> -> memref<5x768xf32, #tpu.memory_space<hbm>>
        %dma_start3A_816 = arith.constant 0 : i32
        %dma_start3A_817 = arith.constant 0 : i32
        %dma_start3A_818 = tpu.memref_slice %arg4[%arg1, %dma_start3A_816, %dma_start3A_817] : memref<12x5x768xf32, #tpu.memory_space<hbm>> -> memref<1x5x768xf32, #tpu.memory_space<hbm>>
        %dma_start3A_819 = tpu.memref_squeeze %dma_start3A_818 : memref<1x5x768xf32, #tpu.memory_space<hbm>> -> memref<5x768xf32, #tpu.memory_space<hbm>>
        tpu.enqueue_dma source(%dma_start3A_819 : memref<5x768xf32, #tpu.memory_space<hbm>>) target(%arg8 : memref<5x768xf32, #tpu.memory_space<vmem>>) target_semaphore(%run_scoped3A : memref<!tpu.dma_semaphore, #tpu.memory_space<semaphore_mem>>)
        %dma_wait3A = arith.constant 0 : i32
        %dma_wait3A_820 = arith.constant 0 : i32
        %dma_wait3A_821 = tpu.memref_slice %arg4[%arg1, %dma_wait3A, %dma_wait3A_820] : memref<12x5x768xf32, #tpu.memory_space<hbm>> -> memref<1x5x768xf32, #tpu.memory_space<hbm>>
        %dma_wait3A_822 = tpu.memref_squeeze %dma_wait3A_821 : memref<1x5x768xf32, #tpu.memory_space<hbm>> -> memref<5x768xf32, #tpu.memory_space<hbm>>
        %dma_wait3A_823 = arith.constant 0 : i32
        %dma_wait3A_824 = arith.constant 0 : i32
        %dma_wait3A_825 = tpu.memref_slice %arg4[%arg1, %dma_wait3A_823, %dma_wait3A_824] : memref<12x5x768xf32, #tpu.memory_space<hbm>> -> memref<1x5x768xf32, #tpu.memory_space<hbm>>
        %dma_wait3A_826 = tpu.memref_squeeze %dma_wait3A_825 : memref<1x5x768xf32, #tpu.memory_space<hbm>> -> memref<5x768xf32, #tpu.memory_space<hbm>>
        tpu.wait_dma2 semaphore(%run_scoped3A : memref<!tpu.dma_semaphore, #tpu.memory_space<semaphore_mem>>) src(%dma_wait3A_826 : memref<5x768xf32, #tpu.memory_space<hbm>>) dst(%arg8 : memref<5x768xf32, #tpu.memory_space<vmem>>)
        tpu.yield
      }) : () -> ()
      %scan3A = arith.constant 0 : i32
      %scan3A_8 = arith.constant 48 : i32
      %scan3A_9 = arith.addi %scan3A, %scan3A_8 : i32
      %scan3A_10 = arith.constant 1 : i32
      %scan3A_11:5 = scf.for %scan3A_813 = %scan3A to %scan3A_9 step %scan3A_10 iter_args(%scan3A_814 = %broadcast_in_dim3A_0, %scan3A_815 = %broadcast_in_dim3A_0, %scan3A_816 = %broadcast_in_dim3A_0, %scan3A_817 = %broadcast_in_dim3A_0, %scan3A_818 = %broadcast_in_dim3A_0) -> (vector<16xf32>, vector<16xf32>, vector<16xf32>, vector<16xf32>, vector<16xf32>)  : i32 {
        %mul3A_819 = arith.constant 16 : i32
        %mul3A_820 = arith.muli %scan3A_813, %mul3A_819 : i32
        %get3A_821 = arith.constant 0 : i32
        %get3A_822 = arith.index_cast %get3A_821 : i32 to index
        %get3A_823 = arith.index_cast %mul3A_820 : i32 to index
        %get3A_824 = tpu.vector_load %arg8[%get3A_822, %get3A_823] {strides = array<i32>} : memref<5x768xf32, #tpu.memory_space<vmem>>, vector<16xf32>,
        %get3A_825 = arith.constant 0 : i32
        %get3A_826 = arith.index_cast %get3A_825 : i32 to index
        %get3A_827 = arith.index_cast %mul3A_820 : i32 to index
        %get3A_828 = tpu.vector_load %arg7[%get3A_826, %get3A_827] {strides = array<i32>} : memref<5x768xf32, #tpu.memory_space<vmem>>, vector<16xf32>,
        %mul3A_829 = arith.mulf %get3A_824, %get3A_828 : vector<16xf32>
        %swap3A_830 = arith.constant 0 : i32
        %swap3A_831 = arith.index_cast %swap3A_830 : i32 to index
        %swap3A_832 = arith.index_cast %mul3A_820 : i32 to index
        %swap3A_833 = tpu.vector_load %arg9[%swap3A_831, %swap3A_832] {strides = array<i32>} : memref<5x768xf32, #tpu.memory_space<vmem>>, vector<16xf32>,
        tpu.vector_store %arg9[%swap3A_831, %swap3A_832], %mul3A_829 {strides = array<i32>} : memref<5x768xf32, #tpu.memory_space<vmem>>, vector<16xf32>,
        %mul3A_834 = arith.mulf %get3A_824, %get3A_824 : vector<16xf32>
        %swap3A_835 = arith.constant 0 : i32
        %swap3A_836 = arith.index_cast %swap3A_835 : i32 to index
        %swap3A_837 = arith.index_cast %mul3A_820 : i32 to index
        %swap3A_838 = tpu.vector_load %arg10[%swap3A_836, %swap3A_837] {strides = array<i32>} : memref<5x768xf32, #tpu.memory_space<vmem>>, vector<16xf32>,
        tpu.vector_store %arg10[%swap3A_836, %swap3A_837], %mul3A_834 {strides = array<i32>} : memref<5x768xf32, #tpu.memory_space<vmem>>, vector<16xf32>,
        %mul3A_839 = arith.mulf %get3A_828, %get3A_828 : vector<16xf32>
        %add3A_840 = arith.addf %scan3A_814, %mul3A_839 : vector<16xf32>
        %get3A_841 = arith.constant 1 : i32
        %get3A_842 = arith.index_cast %get3A_841 : i32 to index
        %get3A_843 = arith.index_cast %mul3A_820 : i32 to index
        %get3A_844 = tpu.vector_load %arg8[%get3A_842, %get3A_843] {strides = array<i32>} : memref<5x768xf32, #tpu.memory_space<vmem>>, vector<16xf32>,
        %get3A_845 = arith.constant 1 : i32
        %get3A_846 = arith.index_cast %get3A_845 : i32 to index
        %get3A_847 = arith.index_cast %mul3A_820 : i32 to index
        %get3A_848 = tpu.vector_load %arg7[%get3A_846, %get3A_847] {strides = array<i32>} : memref<5x768xf32, #tpu.memory_space<vmem>>, vector<16xf32>,
        %mul3A_849 = arith.mulf %get3A_844, %get3A_848 : vector<16xf32>
        %swap3A_850 = arith.constant 1 : i32
        %swap3A_851 = arith.index_cast %swap3A_850 : i32 to index
        %swap3A_852 = arith.index_cast %mul3A_820 : i32 to index
        %swap3A_853 = tpu.vector_load %arg9[%swap3A_851, %swap3A_852] {strides = array<i32>} : memref<5x768xf32, #tpu.memory_space<vmem>>, vector<16xf32>,
        tpu.vector_store %arg9[%swap3A_851, %swap3A_852], %mul3A_849 {strides = array<i32>} : memref<5x768xf32, #tpu.memory_space<vmem>>, vector<16xf32>,
        %mul3A_854 = arith.mulf %get3A_844, %get3A_844 : vector<16xf32>
        %swap3A_855 = arith.constant 1 : i32
        %swap3A_856 = arith.index_cast %swap3A_855 : i32 to index
        %swap3A_857 = arith.index_cast %mul3A_820 : i32 to index
        %swap3A_858 = tpu.vector_load %arg10[%swap3A_856, %swap3A_857] {strides = array<i32>} : memref<5x768xf32, #tpu.memory_space<vmem>>, vector<16xf32>,
        tpu.vector_store %arg10[%swap3A_856, %swap3A_857], %mul3A_854 {strides = array<i32>} : memref<5x768xf32, #tpu.memory_space<vmem>>, vector<16xf32>,
        %mul3A_859 = arith.mulf %get3A_848, %get3A_848 : vector<16xf32>
        %add3A_860 = arith.addf %scan3A_815, %mul3A_859 : vector<16xf32>
        %get3A_861 = arith.constant 2 : i32
        %get3A_862 = arith.index_cast %get3A_861 : i32 to index
        %get3A_863 = arith.index_cast %mul3A_820 : i32 to index
        %get3A_864 = tpu.vector_load %arg8[%get3A_862, %get3A_863] {strides = array<i32>} : memref<5x768xf32, #tpu.memory_space<vmem>>, vector<16xf32>,
        %get3A_865 = arith.constant 2 : i32
        %get3A_866 = arith.index_cast %get3A_865 : i32 to index
        %get3A_867 = arith.index_cast %mul3A_820 : i32 to index
        %get3A_868 = tpu.vector_load %arg7[%get3A_866, %get3A_867] {strides = array<i32>} : memref<5x768xf32, #tpu.memory_space<vmem>>, vector<16xf32>,
        %mul3A_869 = arith.mulf %get3A_864, %get3A_868 : vector<16xf32>
        %swap3A_870 = arith.constant 2 : i32
        %swap3A_871 = arith.index_cast %swap3A_870 : i32 to index
        %swap3A_872 = arith.index_cast %mul3A_820 : i32 to index
        %swap3A_873 = tpu.vector_load %arg9[%swap3A_871, %swap3A_872] {strides = array<i32>} : memref<5x768xf32, #tpu.memory_space<vmem>>, vector<16xf32>,
        tpu.vector_store %arg9[%swap3A_871, %swap3A_872], %mul3A_869 {strides = array<i32>} : memref<5x768xf32, #tpu.memory_space<vmem>>, vector<16xf32>,
        %mul3A_874 = arith.mulf %get3A_864, %get3A_864 : vector<16xf32>
        %swap3A_875 = arith.constant 2 : i32
        %swap3A_876 = arith.index_cast %swap3A_875 : i32 to index
        %swap3A_877 = arith.index_cast %mul3A_820 : i32 to index
        %swap3A_878 = tpu.vector_load %arg10[%swap3A_876, %swap3A_877] {strides = array<i32>} : memref<5x768xf32, #tpu.memory_space<vmem>>, vector<16xf32>,
        tpu.vector_store %arg10[%swap3A_876, %swap3A_877], %mul3A_874 {strides = array<i32>} : memref<5x768xf32, #tpu.memory_space<vmem>>, vector<16xf32>,
        %mul3A_879 = arith.mulf %get3A_868, %get3A_868 : vector<16xf32>
        %add3A_880 = arith.addf %scan3A_816, %mul3A_879 : vector<16xf32>
        %get3A_881 = arith.constant 3 : i32
        %get3A_882 = arith.index_cast %get3A_881 : i32 to index
        %get3A_883 = arith.index_cast %mul3A_820 : i32 to index
        %get3A_884 = tpu.vector_load %arg8[%get3A_882, %get3A_883] {strides = array<i32>} : memref<5x768xf32, #tpu.memory_space<vmem>>, vector<16xf32>,
        %get3A_885 = arith.constant 3 : i32
        %get3A_886 = arith.index_cast %get3A_885 : i32 to index
        %get3A_887 = arith.index_cast %mul3A_820 : i32 to index
        %get3A_888 = tpu.vector_load %arg7[%get3A_886, %get3A_887] {strides = array<i32>} : memref<5x768xf32, #tpu.memory_space<vmem>>, vector<16xf32>,
        %mul3A_889 = arith.mulf %get3A_884, %get3A_888 : vector<16xf32>
        %swap3A_890 = arith.constant 3 : i32
        %swap3A_891 = arith.index_cast %swap3A_890 : i32 to index
        %swap3A_892 = arith.index_cast %mul3A_820 : i32 to index
        %swap3A_893 = tpu.vector_load %arg9[%swap3A_891, %swap3A_892] {strides = array<i32>} : memref<5x768xf32, #tpu.memory_space<vmem>>, vector<16xf32>,
        tpu.vector_store %arg9[%swap3A_891, %swap3A_892], %mul3A_889 {strides = array<i32>} : memref<5x768xf32, #tpu.memory_space<vmem>>, vector<16xf32>,
        %mul3A_894 = arith.mulf %get3A_884, %get3A_884 : vector<16xf32>
        %swap3A_895 = arith.constant 3 : i32
        %swap3A_896 = arith.index_cast %swap3A_895 : i32 to index
        %swap3A_897 = arith.index_cast %mul3A_820 : i32 to index
        %swap3A_898 = tpu.vector_load %arg10[%swap3A_896, %swap3A_897] {strides = array<i32>} : memref<5x768xf32, #tpu.memory_space<vmem>>, vector<16xf32>,
        tpu.vector_store %arg10[%swap3A_896, %swap3A_897], %mul3A_894 {strides = array<i32>} : memref<5x768xf32, #tpu.memory_space<vmem>>, vector<16xf32>,
        %mul3A_899 = arith.mulf %get3A_888, %get3A_888 : vector<16xf32>
        %add3A_900 = arith.addf %scan3A_817, %mul3A_899 : vector<16xf32>
        %get3A_901 = arith.constant 4 : i32
        %get3A_902 = arith.index_cast %get3A_901 : i32 to index
        %get3A_903 = arith.index_cast %mul3A_820 : i32 to index
        %get3A_904 = tpu.vector_load %arg8[%get3A_902, %get3A_903] {strides = array<i32>} : memref<5x768xf32, #tpu.memory_space<vmem>>, vector<16xf32>,
        %get3A_905 = arith.constant 4 : i32
        %get3A_906 = arith.index_cast %get3A_905 : i32 to index
        %get3A_907 = arith.index_cast %mul3A_820 : i32 to index
        %get3A_908 = tpu.vector_load %arg7[%get3A_906, %get3A_907] {strides = array<i32>} : memref<5x768xf32, #tpu.memory_space<vmem>>, vector<16xf32>,
        %mul3A_909 = arith.mulf %get3A_904, %get3A_908 : vector<16xf32>
        %swap3A_910 = arith.constant 4 : i32
        %swap3A_911 = arith.index_cast %swap3A_910 : i32 to index
        %swap3A_912 = arith.index_cast %mul3A_820 : i32 to index
        %swap3A_913 = tpu.vector_load %arg9[%swap3A_911, %swap3A_912] {strides = array<i32>} : memref<5x768xf32, #tpu.memory_space<vmem>>, vector<16xf32>,
        tpu.vector_store %arg9[%swap3A_911, %swap3A_912], %mul3A_909 {strides = array<i32>} : memref<5x768xf32, #tpu.memory_space<vmem>>, vector<16xf32>,
        %mul3A_914 = arith.mulf %get3A_904, %get3A_904 : vector<16xf32>
        %swap3A_915 = arith.constant 4 : i32
        %swap3A_916 = arith.index_cast %swap3A_915 : i32 to index
        %swap3A_917 = arith.index_cast %mul3A_820 : i32 to index
        %swap3A_918 = tpu.vector_load %arg10[%swap3A_916, %swap3A_917] {strides = array<i32>} : memref<5x768xf32, #tpu.memory_space<vmem>>, vector<16xf32>,
        tpu.vector_store %arg10[%swap3A_916, %swap3A_917], %mul3A_914 {strides = array<i32>} : memref<5x768xf32, #tpu.memory_space<vmem>>, vector<16xf32>,
        %mul3A_919 = arith.mulf %get3A_908, %get3A_908 : vector<16xf32>
        %add3A_920 = arith.addf %scan3A_818, %mul3A_919 : vector<16xf32>
        scf.yield %add3A_840, %add3A_860, %add3A_880, %add3A_900, %add3A_920 : vector<16xf32>, vector<16xf32>, vector<16xf32>, vector<16xf32>, vector<16xf32>
      }
      %scan3A_12 = arith.constant 48 : i32
      %reduce_sum3A = arith.constant true
      %reduce_sum3A_13 = vector.broadcast %reduce_sum3A : i1 to vector<16xi1>
      %reduce_sum3A_14 = tpu.scan <sum>, %scan3A_11#0 masked %reduce_sum3A_13 : vector<16xf32>, vector<16xi1> -> vector<16xf32>
      %reduce_sum3A_15 = vector.extract %reduce_sum3A_14[15] : f32 from vector<16xf32>
      %broadcast_in_dim3A_16 = vector.broadcast %reduce_sum3A_15 : f32 to vector<16xf32>
      %reduce_sum3A_17 = arith.constant true
      %reduce_sum3A_18 = vector.broadcast %reduce_sum3A_17 : i1 to vector<16xi1>
      %reduce_sum3A_19 = tpu.scan <sum>, %scan3A_11#1 masked %reduce_sum3A_18 : vector<16xf32>, vector<16xi1> -> vector<16xf32>
      %reduce_sum3A_20 = vector.extract %reduce_sum3A_19[15] : f32 from vector<16xf32>
      %broadcast_in_dim3A_21 = vector.broadcast %reduce_sum3A_20 : f32 to vector<16xf32>
      %reduce_sum3A_22 = arith.constant true
      %reduce_sum3A_23 = vector.broadcast %reduce_sum3A_22 : i1 to vector<16xi1>
      %reduce_sum3A_24 = tpu.scan <sum>, %scan3A_11#2 masked %reduce_sum3A_23 : vector<16xf32>, vector<16xi1> -> vector<16xf32>
      %reduce_sum3A_25 = vector.extract %reduce_sum3A_24[15] : f32 from vector<16xf32>
      %broadcast_in_dim3A_26 = vector.broadcast %reduce_sum3A_25 : f32 to vector<16xf32>
      %reduce_sum3A_27 = arith.constant true
      %reduce_sum3A_28 = vector.broadcast %reduce_sum3A_27 : i1 to vector<16xi1>
      %reduce_sum3A_29 = tpu.scan <sum>, %scan3A_11#3 masked %reduce_sum3A_28 : vector<16xf32>, vector<16xi1> -> vector<16xf32>
      %reduce_sum3A_30 = vector.extract %reduce_sum3A_29[15] : f32 from vector<16xf32>
      %broadcast_in_dim3A_31 = vector.broadcast %reduce_sum3A_30 : f32 to vector<16xf32>
      %reduce_sum3A_32 = arith.constant true
      %reduce_sum3A_33 = vector.broadcast %reduce_sum3A_32 : i1 to vector<16xi1>
      %reduce_sum3A_34 = tpu.scan <sum>, %scan3A_11#4 masked %reduce_sum3A_33 : vector<16xf32>, vector<16xi1> -> vector<16xf32>
      %reduce_sum3A_35 = vector.extract %reduce_sum3A_34[15] : f32 from vector<16xf32>
      %broadcast_in_dim3A_36 = vector.broadcast %reduce_sum3A_35 : f32 to vector<16xf32>
      %scan3A_37 = arith.constant 0 : i32
      %scan3A_38 = arith.constant 0 : i32
      %scan3A_39 = arith.constant 16 : i32
      %scan3A_40 = arith.addi %scan3A_38, %scan3A_39 : i32
      %scan3A_41 = arith.constant 1 : i32
      %scan3A_42 = scf.for %scan3A_813 = %scan3A_38 to %scan3A_40 step %scan3A_41 iter_args(%scan3A_814 = %scan3A_37) -> (i32)  : i32 {
        %mul3A_815 = arith.constant 2 : i32
        %mul3A_816 = arith.muli %scan3A_813, %mul3A_815 : i32
        %scan3A_817 = arith.constant 0 : i32
        %scan3A_818 = arith.constant 48 : i32
        %scan3A_819 = arith.addi %scan3A_817, %scan3A_818 : i32
        %scan3A_820 = arith.constant 1 : i32
        %scan3A_821:20 = scf.for %scan3A_978 = %scan3A_817 to %scan3A_819 step %scan3A_820 iter_args(%scan3A_979 = %broadcast_in_dim3A_0, %scan3A_980 = %broadcast_in_dim3A_0, %scan3A_981 = %broadcast_in_dim3A_0, %scan3A_982 = %broadcast_in_dim3A_0, %scan3A_983 = %broadcast_in_dim3A_0, %scan3A_984 = %broadcast_in_dim3A_0, %scan3A_985 = %broadcast_in_dim3A_0, %scan3A_986 = %broadcast_in_dim3A_0, %scan3A_987 = %broadcast_in_dim3A_0, %scan3A_988 = %broadcast_in_dim3A_0, %scan3A_989 = %broadcast_in_dim3A_0, %scan3A_990 = %broadcast_in_dim3A_0, %scan3A_991 = %broadcast_in_dim3A_0, %scan3A_992 = %broadcast_in_dim3A_0, %scan3A_993 = %broadcast_in_dim3A_0, %scan3A_994 = %broadcast_in_dim3A_0, %scan3A_995 = %broadcast_in_dim3A_0, %scan3A_996 = %broadcast_in_dim3A_0, %scan3A_997 = %broadcast_in_dim3A_0, %scan3A_998 = %broadcast_in_dim3A_0) -> (vector<16xf32>, vector<16xf32>, vector<16xf32>, vector<16xf32>, vector<16xf32>, vector<16xf32>, vector<16xf32>, vector<16xf32>, vector<16xf32>, vector<16xf32>, vector<16xf32>, vector<16xf32>, vector<16xf32>, vector<16xf32>, vector<16xf32>, vector<16xf32>, vector<16xf32>, vector<16xf32>, vector<16xf32>, vector<16xf32>)  : i32 {
          %mul3A_999 = arith.constant 16 : i32
          %mul3A_1000 = arith.muli %scan3A_978, %mul3A_999 : i32
          %get3A_1001 = arith.index_cast %mul3A_816 : i32 to index
          %get3A_1002 = arith.index_cast %mul3A_1000 : i32 to index
          %get3A_1003 = tpu.vector_load %arg6[%get3A_1001, %get3A_1002] {strides = array<i32>} : memref<32x768xf32, #tpu.memory_space<vmem>>, vector<16xf32>,
          %add3A_1004 = arith.constant 1 : i32
          %add3A_1005 = arith.addi %mul3A_816, %add3A_1004 : i32
          %get3A_1006 = arith.index_cast %add3A_1005 : i32 to index
          %get3A_1007 = arith.index_cast %mul3A_1000 : i32 to index
          %get3A_1008 = tpu.vector_load %arg6[%get3A_1006, %get3A_1007] {strides = array<i32>} : memref<32x768xf32, #tpu.memory_space<vmem>>, vector<16xf32>,
          %mul3A_1009 = arith.mulf %get3A_1003, %get3A_1003 : vector<16xf32>
          %mul3A_1010 = arith.mulf %get3A_1008, %get3A_1008 : vector<16xf32>
          %get3A_1011 = arith.constant 0 : i32
          %get3A_1012 = arith.index_cast %get3A_1011 : i32 to index
          %get3A_1013 = arith.index_cast %mul3A_1000 : i32 to index
          %get3A_1014 = tpu.vector_load %arg9[%get3A_1012, %get3A_1013] {strides = array<i32>} : memref<5x768xf32, #tpu.memory_space<vmem>>, vector<16xf32>,
          %get3A_1015 = arith.constant 0 : i32
          %get3A_1016 = arith.index_cast %get3A_1015 : i32 to index
          %get3A_1017 = arith.index_cast %mul3A_1000 : i32 to index
          %get3A_1018 = tpu.vector_load %arg10[%get3A_1016, %get3A_1017] {strides = array<i32>} : memref<5x768xf32, #tpu.memory_space<vmem>>, vector<16xf32>,
          %mul3A_1019 = arith.mulf %get3A_1003, %get3A_1014 : vector<16xf32>
          %add3A_1020 = arith.addf %scan3A_979, %mul3A_1019 : vector<16xf32>
          %mul3A_1021 = arith.mulf %get3A_1008, %get3A_1014 : vector<16xf32>
          %add3A_1022 = arith.addf %scan3A_980, %mul3A_1021 : vector<16xf32>
          %mul3A_1023 = arith.mulf %mul3A_1009, %get3A_1018 : vector<16xf32>
          %add3A_1024 = arith.addf %scan3A_981, %mul3A_1023 : vector<16xf32>
          %mul3A_1025 = arith.mulf %mul3A_1010, %get3A_1018 : vector<16xf32>
          %add3A_1026 = arith.addf %scan3A_982, %mul3A_1025 : vector<16xf32>
          %get3A_1027 = arith.constant 1 : i32
          %get3A_1028 = arith.index_cast %get3A_1027 : i32 to index
          %get3A_1029 = arith.index_cast %mul3A_1000 : i32 to index
          %get3A_1030 = tpu.vector_load %arg9[%get3A_1028, %get3A_1029] {strides = array<i32>} : memref<5x768xf32, #tpu.memory_space<vmem>>, vector<16xf32>,
          %get3A_1031 = arith.constant 1 : i32
          %get3A_1032 = arith.index_cast %get3A_1031 : i32 to index
          %get3A_1033 = arith.index_cast %mul3A_1000 : i32 to index
          %get3A_1034 = tpu.vector_load %arg10[%get3A_1032, %get3A_1033] {strides = array<i32>} : memref<5x768xf32, #tpu.memory_space<vmem>>, vector<16xf32>,
          %mul3A_1035 = arith.mulf %get3A_1003, %get3A_1030 : vector<16xf32>
          %add3A_1036 = arith.addf %scan3A_983, %mul3A_1035 : vector<16xf32>
          %mul3A_1037 = arith.mulf %get3A_1008, %get3A_1030 : vector<16xf32>
          %add3A_1038 = arith.addf %scan3A_984, %mul3A_1037 : vector<16xf32>
          %mul3A_1039 = arith.mulf %mul3A_1009, %get3A_1034 : vector<16xf32>
          %add3A_1040 = arith.addf %scan3A_985, %mul3A_1039 : vector<16xf32>
          %mul3A_1041 = arith.mulf %mul3A_1010, %get3A_1034 : vector<16xf32>
          %add3A_1042 = arith.addf %scan3A_986, %mul3A_1041 : vector<16xf32>
          %get3A_1043 = arith.constant 2 : i32
          %get3A_1044 = arith.index_cast %get3A_1043 : i32 to index
          %get3A_1045 = arith.index_cast %mul3A_1000 : i32 to index
          %get3A_1046 = tpu.vector_load %arg9[%get3A_1044, %get3A_1045] {strides = array<i32>} : memref<5x768xf32, #tpu.memory_space<vmem>>, vector<16xf32>,
          %get3A_1047 = arith.constant 2 : i32
          %get3A_1048 = arith.index_cast %get3A_1047 : i32 to index
          %get3A_1049 = arith.index_cast %mul3A_1000 : i32 to index
          %get3A_1050 = tpu.vector_load %arg10[%get3A_1048, %get3A_1049] {strides = array<i32>} : memref<5x768xf32, #tpu.memory_space<vmem>>, vector<16xf32>,
          %mul3A_1051 = arith.mulf %get3A_1003, %get3A_1046 : vector<16xf32>
          %add3A_1052 = arith.addf %scan3A_987, %mul3A_1051 : vector<16xf32>
          %mul3A_1053 = arith.mulf %get3A_1008, %get3A_1046 : vector<16xf32>
          %add3A_1054 = arith.addf %scan3A_988, %mul3A_1053 : vector<16xf32>
          %mul3A_1055 = arith.mulf %mul3A_1009, %get3A_1050 : vector<16xf32>
          %add3A_1056 = arith.addf %scan3A_989, %mul3A_1055 : vector<16xf32>
          %mul3A_1057 = arith.mulf %mul3A_1010, %get3A_1050 : vector<16xf32>
          %add3A_1058 = arith.addf %scan3A_990, %mul3A_1057 : vector<16xf32>
          %get3A_1059 = arith.constant 3 : i32
          %get3A_1060 = arith.index_cast %get3A_1059 : i32 to index
          %get3A_1061 = arith.index_cast %mul3A_1000 : i32 to index
          %get3A_1062 = tpu.vector_load %arg9[%get3A_1060, %get3A_1061] {strides = array<i32>} : memref<5x768xf32, #tpu.memory_space<vmem>>, vector<16xf32>,
          %get3A_1063 = arith.constant 3 : i32
          %get3A_1064 = arith.index_cast %get3A_1063 : i32 to index
          %get3A_1065 = arith.index_cast %mul3A_1000 : i32 to index
          %get3A_1066 = tpu.vector_load %arg10[%get3A_1064, %get3A_1065] {strides = array<i32>} : memref<5x768xf32, #tpu.memory_space<vmem>>, vector<16xf32>,
          %mul3A_1067 = arith.mulf %get3A_1003, %get3A_1062 : vector<16xf32>
          %add3A_1068 = arith.addf %scan3A_991, %mul3A_1067 : vector<16xf32>
          %mul3A_1069 = arith.mulf %get3A_1008, %get3A_1062 : vector<16xf32>
          %add3A_1070 = arith.addf %scan3A_992, %mul3A_1069 : vector<16xf32>
          %mul3A_1071 = arith.mulf %mul3A_1009, %get3A_1066 : vector<16xf32>
          %add3A_1072 = arith.addf %scan3A_993, %mul3A_1071 : vector<16xf32>
          %mul3A_1073 = arith.mulf %mul3A_1010, %get3A_1066 : vector<16xf32>
          %add3A_1074 = arith.addf %scan3A_994, %mul3A_1073 : vector<16xf32>
          %get3A_1075 = arith.constant 4 : i32
          %get3A_1076 = arith.index_cast %get3A_1075 : i32 to index
          %get3A_1077 = arith.index_cast %mul3A_1000 : i32 to index
          %get3A_1078 = tpu.vector_load %arg9[%get3A_1076, %get3A_1077] {strides = array<i32>} : memref<5x768xf32, #tpu.memory_space<vmem>>, vector<16xf32>,
          %get3A_1079 = arith.constant 4 : i32
          %get3A_1080 = arith.index_cast %get3A_1079 : i32 to index
          %get3A_1081 = arith.index_cast %mul3A_1000 : i32 to index
          %get3A_1082 = tpu.vector_load %arg10[%get3A_1080, %get3A_1081] {strides = array<i32>} : memref<5x768xf32, #tpu.memory_space<vmem>>, vector<16xf32>,
          %mul3A_1083 = arith.mulf %get3A_1003, %get3A_1078 : vector<16xf32>
          %add3A_1084 = arith.addf %scan3A_995, %mul3A_1083 : vector<16xf32>
          %mul3A_1085 = arith.mulf %get3A_1008, %get3A_1078 : vector<16xf32>
          %add3A_1086 = arith.addf %scan3A_996, %mul3A_1085 : vector<16xf32>
          %mul3A_1087 = arith.mulf %mul3A_1009, %get3A_1082 : vector<16xf32>
          %add3A_1088 = arith.addf %scan3A_997, %mul3A_1087 : vector<16xf32>
          %mul3A_1089 = arith.mulf %mul3A_1010, %get3A_1082 : vector<16xf32>
          %add3A_1090 = arith.addf %scan3A_998, %mul3A_1089 : vector<16xf32>
          scf.yield %add3A_1020, %add3A_1022, %add3A_1024, %add3A_1026, %add3A_1036, %add3A_1038, %add3A_1040, %add3A_1042, %add3A_1052, %add3A_1054, %add3A_1056, %add3A_1058, %add3A_1068, %add3A_1070, %add3A_1072, %add3A_1074, %add3A_1084, %add3A_1086, %add3A_1088, %add3A_1090 : vector<16xf32>, vector<16xf32>, vector<16xf32>, vector<16xf32>, vector<16xf32>, vector<16xf32>, vector<16xf32>, vector<16xf32>, vector<16xf32>, vector<16xf32>, vector<16xf32>, vector<16xf32>, vector<16xf32>, vector<16xf32>, vector<16xf32>, vector<16xf32>, vector<16xf32>, vector<16xf32>, vector<16xf32>, vector<16xf32>
        }
        %scan3A_822 = arith.constant 48 : i32
        %iota3A_823 = tpu.iota {dimensions = array<i32: 0>} : vector<16xi32>
        %eq3A_824 = arith.constant 0 : i32
        %eq3A_825 = vector.broadcast %eq3A_824 : i32 to vector<16xi32>
        %eq3A_826 = arith.cmpi eq, %iota3A_823, %eq3A_825 : vector<16xi32>
        %add3A_827 = arith.constant 0 : i32
        %add3A_828 = arith.addi %add3A_827, %mul3A_816 : i32
        %broadcast_in_dim3A_829 = vector.broadcast %add3A_828 : i32 to vector<16xi32>
        %reduce_sum3A_830 = arith.constant true
        %reduce_sum3A_831 = vector.broadcast %reduce_sum3A_830 : i1 to vector<16xi1>
        %reduce_sum3A_832 = tpu.scan <sum>, %scan3A_821#0 masked %reduce_sum3A_831 : vector<16xf32>, vector<16xi1> -> vector<16xf32>
        %reduce_sum3A_833 = vector.extract %reduce_sum3A_832[15] : f32 from vector<16xf32>
        %broadcast_in_dim3A_834 = vector.broadcast %reduce_sum3A_833 : f32 to vector<16xf32>
        tpu.vector_store_idx %arg11[%broadcast_in_dim3A_829], %broadcast_in_dim3A_834 masked %eq3A_826 : memref<160xf32, #tpu.memory_space<vmem>>[vector<16xi32>], vector<16xf32>, vector<16xi1>
        %add3A_835 = arith.constant 1 : i32
        %add3A_836 = arith.addi %add3A_828, %add3A_835 : i32
        %broadcast_in_dim3A_837 = vector.broadcast %add3A_836 : i32 to vector<16xi32>
        %reduce_sum3A_838 = arith.constant true
        %reduce_sum3A_839 = vector.broadcast %reduce_sum3A_838 : i1 to vector<16xi1>
        %reduce_sum3A_840 = tpu.scan <sum>, %scan3A_821#1 masked %reduce_sum3A_839 : vector<16xf32>, vector<16xi1> -> vector<16xf32>
        %reduce_sum3A_841 = vector.extract %reduce_sum3A_840[15] : f32 from vector<16xf32>
        %broadcast_in_dim3A_842 = vector.broadcast %reduce_sum3A_841 : f32 to vector<16xf32>
        tpu.vector_store_idx %arg11[%broadcast_in_dim3A_837], %broadcast_in_dim3A_842 masked %eq3A_826 : memref<160xf32, #tpu.memory_space<vmem>>[vector<16xi32>], vector<16xf32>, vector<16xi1>
        %broadcast_in_dim3A_843 = vector.broadcast %add3A_828 : i32 to vector<16xi32>
        %reduce_sum3A_844 = arith.constant true
        %reduce_sum3A_845 = vector.broadcast %reduce_sum3A_844 : i1 to vector<16xi1>
        %reduce_sum3A_846 = tpu.scan <sum>, %scan3A_821#2 masked %reduce_sum3A_845 : vector<16xf32>, vector<16xi1> -> vector<16xf32>
        %reduce_sum3A_847 = vector.extract %reduce_sum3A_846[15] : f32 from vector<16xf32>
        %broadcast_in_dim3A_848 = vector.broadcast %reduce_sum3A_847 : f32 to vector<16xf32>
        tpu.vector_store_idx %arg12[%broadcast_in_dim3A_843], %broadcast_in_dim3A_848 masked %eq3A_826 : memref<160xf32, #tpu.memory_space<vmem>>[vector<16xi32>], vector<16xf32>, vector<16xi1>
        %add3A_849 = arith.constant 1 : i32
        %add3A_850 = arith.addi %add3A_828, %add3A_849 : i32
        %broadcast_in_dim3A_851 = vector.broadcast %add3A_850 : i32 to vector<16xi32>
        %reduce_sum3A_852 = arith.constant true
        %reduce_sum3A_853 = vector.broadcast %reduce_sum3A_852 : i1 to vector<16xi1>
        %reduce_sum3A_854 = tpu.scan <sum>, %scan3A_821#3 masked %reduce_sum3A_853 : vector<16xf32>, vector<16xi1> -> vector<16xf32>
        %reduce_sum3A_855 = vector.extract %reduce_sum3A_854[15] : f32 from vector<16xf32>
        %broadcast_in_dim3A_856 = vector.broadcast %reduce_sum3A_855 : f32 to vector<16xf32>
        tpu.vector_store_idx %arg12[%broadcast_in_dim3A_851], %broadcast_in_dim3A_856 masked %eq3A_826 : memref<160xf32, #tpu.memory_space<vmem>>[vector<16xi32>], vector<16xf32>, vector<16xi1>
        %add3A_857 = arith.constant 32 : i32
        %add3A_858 = arith.addi %add3A_857, %mul3A_816 : i32
        %broadcast_in_dim3A_859 = vector.broadcast %add3A_858 : i32 to vector<16xi32>
        %reduce_sum3A_860 = arith.constant true
        %reduce_sum3A_861 = vector.broadcast %reduce_sum3A_860 : i1 to vector<16xi1>
        %reduce_sum3A_862 = tpu.scan <sum>, %scan3A_821#4 masked %reduce_sum3A_861 : vector<16xf32>, vector<16xi1> -> vector<16xf32>
        %reduce_sum3A_863 = vector.extract %reduce_sum3A_862[15] : f32 from vector<16xf32>
        %broadcast_in_dim3A_864 = vector.broadcast %reduce_sum3A_863 : f32 to vector<16xf32>
        tpu.vector_store_idx %arg11[%broadcast_in_dim3A_859], %broadcast_in_dim3A_864 masked %eq3A_826 : memref<160xf32, #tpu.memory_space<vmem>>[vector<16xi32>], vector<16xf32>, vector<16xi1>
        %add3A_865 = arith.constant 1 : i32
        %add3A_866 = arith.addi %add3A_858, %add3A_865 : i32
        %broadcast_in_dim3A_867 = vector.broadcast %add3A_866 : i32 to vector<16xi32>
        %reduce_sum3A_868 = arith.constant true
        %reduce_sum3A_869 = vector.broadcast %reduce_sum3A_868 : i1 to vector<16xi1>
        %reduce_sum3A_870 = tpu.scan <sum>, %scan3A_821#5 masked %reduce_sum3A_869 : vector<16xf32>, vector<16xi1> -> vector<16xf32>
        %reduce_sum3A_871 = vector.extract %reduce_sum3A_870[15] : f32 from vector<16xf32>
        %broadcast_in_dim3A_872 = vector.broadcast %reduce_sum3A_871 : f32 to vector<16xf32>
        tpu.vector_store_idx %arg11[%broadcast_in_dim3A_867], %broadcast_in_dim3A_872 masked %eq3A_826 : memref<160xf32, #tpu.memory_space<vmem>>[vector<16xi32>], vector<16xf32>, vector<16xi1>
        %broadcast_in_dim3A_873 = vector.broadcast %add3A_858 : i32 to vector<16xi32>
        %reduce_sum3A_874 = arith.constant true
        %reduce_sum3A_875 = vector.broadcast %reduce_sum3A_874 : i1 to vector<16xi1>
        %reduce_sum3A_876 = tpu.scan <sum>, %scan3A_821#6 masked %reduce_sum3A_875 : vector<16xf32>, vector<16xi1> -> vector<16xf32>
        %reduce_sum3A_877 = vector.extract %reduce_sum3A_876[15] : f32 from vector<16xf32>
        %broadcast_in_dim3A_878 = vector.broadcast %reduce_sum3A_877 : f32 to vector<16xf32>
        tpu.vector_store_idx %arg12[%broadcast_in_dim3A_873], %broadcast_in_dim3A_878 masked %eq3A_826 : memref<160xf32, #tpu.memory_space<vmem>>[vector<16xi32>], vector<16xf32>, vector<16xi1>
        %add3A_879 = arith.constant 1 : i32
        %add3A_880 = arith.addi %add3A_858, %add3A_879 : i32
        %broadcast_in_dim3A_881 = vector.broadcast %add3A_880 : i32 to vector<16xi32>
        %reduce_sum3A_882 = arith.constant true
        %reduce_sum3A_883 = vector.broadcast %reduce_sum3A_882 : i1 to vector<16xi1>
        %reduce_sum3A_884 = tpu.scan <sum>, %scan3A_821#7 masked %reduce_sum3A_883 : vector<16xf32>, vector<16xi1> -> vector<16xf32>
        %reduce_sum3A_885 = vector.extract %reduce_sum3A_884[15] : f32 from vector<16xf32>
        %broadcast_in_dim3A_886 = vector.broadcast %reduce_sum3A_885 : f32 to vector<16xf32>
        tpu.vector_store_idx %arg12[%broadcast_in_dim3A_881], %broadcast_in_dim3A_886 masked %eq3A_826 : memref<160xf32, #tpu.memory_space<vmem>>[vector<16xi32>], vector<16xf32>, vector<16xi1>
        %add3A_887 = arith.constant 64 : i32
        %add3A_888 = arith.addi %add3A_887, %mul3A_816 : i32
        %broadcast_in_dim3A_889 = vector.broadcast %add3A_888 : i32 to vector<16xi32>
        %reduce_sum3A_890 = arith.constant true
        %reduce_sum3A_891 = vector.broadcast %reduce_sum3A_890 : i1 to vector<16xi1>
        %reduce_sum3A_892 = tpu.scan <sum>, %scan3A_821#8 masked %reduce_sum3A_891 : vector<16xf32>, vector<16xi1> -> vector<16xf32>
        %reduce_sum3A_893 = vector.extract %reduce_sum3A_892[15] : f32 from vector<16xf32>
        %broadcast_in_dim3A_894 = vector.broadcast %reduce_sum3A_893 : f32 to vector<16xf32>
        tpu.vector_store_idx %arg11[%broadcast_in_dim3A_889], %broadcast_in_dim3A_894 masked %eq3A_826 : memref<160xf32, #tpu.memory_space<vmem>>[vector<16xi32>], vector<16xf32>, vector<16xi1>
        %add3A_895 = arith.constant 1 : i32
        %add3A_896 = arith.addi %add3A_888, %add3A_895 : i32
        %broadcast_in_dim3A_897 = vector.broadcast %add3A_896 : i32 to vector<16xi32>
        %reduce_sum3A_898 = arith.constant true
        %reduce_sum3A_899 = vector.broadcast %reduce_sum3A_898 : i1 to vector<16xi1>
        %reduce_sum3A_900 = tpu.scan <sum>, %scan3A_821#9 masked %reduce_sum3A_899 : vector<16xf32>, vector<16xi1> -> vector<16xf32>
        %reduce_sum3A_901 = vector.extract %reduce_sum3A_900[15] : f32 from vector<16xf32>
        %broadcast_in_dim3A_902 = vector.broadcast %reduce_sum3A_901 : f32 to vector<16xf32>
        tpu.vector_store_idx %arg11[%broadcast_in_dim3A_897], %broadcast_in_dim3A_902 masked %eq3A_826 : memref<160xf32, #tpu.memory_space<vmem>>[vector<16xi32>], vector<16xf32>, vector<16xi1>
        %broadcast_in_dim3A_903 = vector.broadcast %add3A_888 : i32 to vector<16xi32>
        %reduce_sum3A_904 = arith.constant true
        %reduce_sum3A_905 = vector.broadcast %reduce_sum3A_904 : i1 to vector<16xi1>
        %reduce_sum3A_906 = tpu.scan <sum>, %scan3A_821#10 masked %reduce_sum3A_905 : vector<16xf32>, vector<16xi1> -> vector<16xf32>
        %reduce_sum3A_907 = vector.extract %reduce_sum3A_906[15] : f32 from vector<16xf32>
        %broadcast_in_dim3A_908 = vector.broadcast %reduce_sum3A_907 : f32 to vector<16xf32>
        tpu.vector_store_idx %arg12[%broadcast_in_dim3A_903], %broadcast_in_dim3A_908 masked %eq3A_826 : memref<160xf32, #tpu.memory_space<vmem>>[vector<16xi32>], vector<16xf32>, vector<16xi1>
        %add3A_909 = arith.constant 1 : i32
        %add3A_910 = arith.addi %add3A_888, %add3A_909 : i32
        %broadcast_in_dim3A_911 = vector.broadcast %add3A_910 : i32 to vector<16xi32>
        %reduce_sum3A_912 = arith.constant true
        %reduce_sum3A_913 = vector.broadcast %reduce_sum3A_912 : i1 to vector<16xi1>
        %reduce_sum3A_914 = tpu.scan <sum>, %scan3A_821#11 masked %reduce_sum3A_913 : vector<16xf32>, vector<16xi1> -> vector<16xf32>
        %reduce_sum3A_915 = vector.extract %reduce_sum3A_914[15] : f32 from vector<16xf32>
        %broadcast_in_dim3A_916 = vector.broadcast %reduce_sum3A_915 : f32 to vector<16xf32>
        tpu.vector_store_idx %arg12[%broadcast_in_dim3A_911], %broadcast_in_dim3A_916 masked %eq3A_826 : memref<160xf32, #tpu.memory_space<vmem>>[vector<16xi32>], vector<16xf32>, vector<16xi1>
        %add3A_917 = arith.constant 96 : i32
        %add3A_918 = arith.addi %add3A_917, %mul3A_816 : i32
        %broadcast_in_dim3A_919 = vector.broadcast %add3A_918 : i32 to vector<16xi32>
        %reduce_sum3A_920 = arith.constant true
        %reduce_sum3A_921 = vector.broadcast %reduce_sum3A_920 : i1 to vector<16xi1>
        %reduce_sum3A_922 = tpu.scan <sum>, %scan3A_821#12 masked %reduce_sum3A_921 : vector<16xf32>, vector<16xi1> -> vector<16xf32>
        %reduce_sum3A_923 = vector.extract %reduce_sum3A_922[15] : f32 from vector<16xf32>
        %broadcast_in_dim3A_924 = vector.broadcast %reduce_sum3A_923 : f32 to vector<16xf32>
        tpu.vector_store_idx %arg11[%broadcast_in_dim3A_919], %broadcast_in_dim3A_924 masked %eq3A_826 : memref<160xf32, #tpu.memory_space<vmem>>[vector<16xi32>], vector<16xf32>, vector<16xi1>
        %add3A_925 = arith.constant 1 : i32
        %add3A_926 = arith.addi %add3A_918, %add3A_925 : i32
        %broadcast_in_dim3A_927 = vector.broadcast %add3A_926 : i32 to vector<16xi32>
        %reduce_sum3A_928 = arith.constant true
        %reduce_sum3A_929 = vector.broadcast %reduce_sum3A_928 : i1 to vector<16xi1>
        %reduce_sum3A_930 = tpu.scan <sum>, %scan3A_821#13 masked %reduce_sum3A_929 : vector<16xf32>, vector<16xi1> -> vector<16xf32>
        %reduce_sum3A_931 = vector.extract %reduce_sum3A_930[15] : f32 from vector<16xf32>
        %broadcast_in_dim3A_932 = vector.broadcast %reduce_sum3A_931 : f32 to vector<16xf32>
        tpu.vector_store_idx %arg11[%broadcast_in_dim3A_927], %broadcast_in_dim3A_932 masked %eq3A_826 : memref<160xf32, #tpu.memory_space<vmem>>[vector<16xi32>], vector<16xf32>, vector<16xi1>
        %broadcast_in_dim3A_933 = vector.broadcast %add3A_918 : i32 to vector<16xi32>
        %reduce_sum3A_934 = arith.constant true
        %reduce_sum3A_935 = vector.broadcast %reduce_sum3A_934 : i1 to vector<16xi1>
        %reduce_sum3A_936 = tpu.scan <sum>, %scan3A_821#14 masked %reduce_sum3A_935 : vector<16xf32>, vector<16xi1> -> vector<16xf32>
        %reduce_sum3A_937 = vector.extract %reduce_sum3A_936[15] : f32 from vector<16xf32>
        %broadcast_in_dim3A_938 = vector.broadcast %reduce_sum3A_937 : f32 to vector<16xf32>
        tpu.vector_store_idx %arg12[%broadcast_in_dim3A_933], %broadcast_in_dim3A_938 masked %eq3A_826 : memref<160xf32, #tpu.memory_space<vmem>>[vector<16xi32>], vector<16xf32>, vector<16xi1>
        %add3A_939 = arith.constant 1 : i32
        %add3A_940 = arith.addi %add3A_918, %add3A_939 : i32
        %broadcast_in_dim3A_941 = vector.broadcast %add3A_940 : i32 to vector<16xi32>
        %reduce_sum3A_942 = arith.constant true
        %reduce_sum3A_943 = vector.broadcast %reduce_sum3A_942 : i1 to vector<16xi1>
        %reduce_sum3A_944 = tpu.scan <sum>, %scan3A_821#15 masked %reduce_sum3A_943 : vector<16xf32>, vector<16xi1> -> vector<16xf32>
        %reduce_sum3A_945 = vector.extract %reduce_sum3A_944[15] : f32 from vector<16xf32>
        %broadcast_in_dim3A_946 = vector.broadcast %reduce_sum3A_945 : f32 to vector<16xf32>
        tpu.vector_store_idx %arg12[%broadcast_in_dim3A_941], %broadcast_in_dim3A_946 masked %eq3A_826 : memref<160xf32, #tpu.memory_space<vmem>>[vector<16xi32>], vector<16xf32>, vector<16xi1>
        %add3A_947 = arith.constant 128 : i32
        %add3A_948 = arith.addi %add3A_947, %mul3A_816 : i32
        %broadcast_in_dim3A_949 = vector.broadcast %add3A_948 : i32 to vector<16xi32>
        %reduce_sum3A_950 = arith.constant true
        %reduce_sum3A_951 = vector.broadcast %reduce_sum3A_950 : i1 to vector<16xi1>
        %reduce_sum3A_952 = tpu.scan <sum>, %scan3A_821#16 masked %reduce_sum3A_951 : vector<16xf32>, vector<16xi1> -> vector<16xf32>
        %reduce_sum3A_953 = vector.extract %reduce_sum3A_952[15] : f32 from vector<16xf32>
        %broadcast_in_dim3A_954 = vector.broadcast %reduce_sum3A_953 : f32 to vector<16xf32>
        tpu.vector_store_idx %arg11[%broadcast_in_dim3A_949], %broadcast_in_dim3A_954 masked %eq3A_826 : memref<160xf32, #tpu.memory_space<vmem>>[vector<16xi32>], vector<16xf32>, vector<16xi1>
        %add3A_955 = arith.constant 1 : i32
        %add3A_956 = arith.addi %add3A_948, %add3A_955 : i32
        %broadcast_in_dim3A_957 = vector.broadcast %add3A_956 : i32 to vector<16xi32>
        %reduce_sum3A_958 = arith.constant true
        %reduce_sum3A_959 = vector.broadcast %reduce_sum3A_958 : i1 to vector<16xi1>
        %reduce_sum3A_960 = tpu.scan <sum>, %scan3A_821#17 masked %reduce_sum3A_959 : vector<16xf32>, vector<16xi1> -> vector<16xf32>
        %reduce_sum3A_961 = vector.extract %reduce_sum3A_960[15] : f32 from vector<16xf32>
        %broadcast_in_dim3A_962 = vector.broadcast %reduce_sum3A_961 : f32 to vector<16xf32>
        tpu.vector_store_idx %arg11[%broadcast_in_dim3A_957], %broadcast_in_dim3A_962 masked %eq3A_826 : memref<160xf32, #tpu.memory_space<vmem>>[vector<16xi32>], vector<16xf32>, vector<16xi1>
        %broadcast_in_dim3A_963 = vector.broadcast %add3A_948 : i32 to vector<16xi32>
        %reduce_sum3A_964 = arith.constant true
        %reduce_sum3A_965 = vector.broadcast %reduce_sum3A_964 : i1 to vector<16xi1>
        %reduce_sum3A_966 = tpu.scan <sum>, %scan3A_821#18 masked %reduce_sum3A_965 : vector<16xf32>, vector<16xi1> -> vector<16xf32>
        %reduce_sum3A_967 = vector.extract %reduce_sum3A_966[15] : f32 from vector<16xf32>
        %broadcast_in_dim3A_968 = vector.broadcast %reduce_sum3A_967 : f32 to vector<16xf32>
        tpu.vector_store_idx %arg12[%broadcast_in_dim3A_963], %broadcast_in_dim3A_968 masked %eq3A_826 : memref<160xf32, #tpu.memory_space<vmem>>[vector<16xi32>], vector<16xf32>, vector<16xi1>
        %add3A_969 = arith.constant 1 : i32
        %add3A_970 = arith.addi %add3A_948, %add3A_969 : i32
        %broadcast_in_dim3A_971 = vector.broadcast %add3A_970 : i32 to vector<16xi32>
        %reduce_sum3A_972 = arith.constant true
        %reduce_sum3A_973 = vector.broadcast %reduce_sum3A_972 : i1 to vector<16xi1>
        %reduce_sum3A_974 = tpu.scan <sum>, %scan3A_821#19 masked %reduce_sum3A_973 : vector<16xf32>, vector<16xi1> -> vector<16xf32>
        %reduce_sum3A_975 = vector.extract %reduce_sum3A_974[15] : f32 from vector<16xf32>
        %broadcast_in_dim3A_976 = vector.broadcast %reduce_sum3A_975 : f32 to vector<16xf32>
        tpu.vector_store_idx %arg12[%broadcast_in_dim3A_971], %broadcast_in_dim3A_976 masked %eq3A_826 : memref<160xf32, #tpu.memory_space<vmem>>[vector<16xi32>], vector<16xf32>, vector<16xi1>
        %scan3A_977 = arith.constant 0 : i32
        scf.yield %scan3A_977 : i32
      }
      %scan3A_43 = arith.constant 16 : i32
      %iota3A = tpu.iota {dimensions = array<i32: 0>} : vector<16xi32>
      %get3A = arith.constant 0 : index
      %get3A_44 = tpu.vector_load %arg11[%get3A] {strides = array<i32>} : memref<160xf32, #tpu.memory_space<vmem>>, vector<16xf32>,
      %get3A_45 = arith.constant 0 : index
      %get3A_46 = tpu.vector_load %arg12[%get3A_45] {strides = array<i32>} : memref<160xf32, #tpu.memory_space<vmem>>, vector<16xf32>,
      %mul3A_47 = arith.mulf %get3A_46, %broadcast_in_dim3A_16 : vector<16xf32>
      %max3A = arith.constant 1.000000e-24 : f32
      %max3A_48 = vector.broadcast %max3A : f32 to vector<16xf32>
      %max3A_49 = arith.maximumf %mul3A_47, %max3A_48 : vector<16xf32>
      %bitcast3A = vector.bitcast %max3A_49 : vector<16xf32> to vector<16xi32>
      %broadcast_in_dim3A_50 = arith.constant 1 : i32
      %broadcast_in_dim3A_51 = vector.broadcast %broadcast_in_dim3A_50 : i32 to vector<16xi32>
      %shift_right_logical3A = arith.shrui %bitcast3A, %broadcast_in_dim3A_51 : vector<16xi32>
      %sub3A = arith.constant 1597463007 : i32
      %sub3A_52 = vector.broadcast %sub3A : i32 to vector<16xi32>
      %sub3A_53 = arith.subi %sub3A_52, %shift_right_logical3A : vector<16xi32>
      %bitcast3A_54 = vector.bitcast %sub3A_53 : vector<16xi32> to vector<16xf32>
      %mul3A_55 = arith.constant 5.000000e-01 : f32
      %mul3A_56 = vector.broadcast %mul3A_55 : f32 to vector<16xf32>
      %mul3A_57 = arith.mulf %mul3A_56, %max3A_49 : vector<16xf32>
      %mul3A_58 = arith.mulf %mul3A_57, %bitcast3A_54 : vector<16xf32>
      %mul3A_59 = arith.mulf %mul3A_58, %bitcast3A_54 : vector<16xf32>
      %sub3A_60 = arith.constant 1.500000e+00 : f32
      %sub3A_61 = vector.broadcast %sub3A_60 : f32 to vector<16xf32>
      %sub3A_62 = arith.subf %sub3A_61, %mul3A_59 : vector<16xf32>
      %mul3A_63 = arith.mulf %bitcast3A_54, %sub3A_62 : vector<16xf32>
      %mul3A_64 = arith.constant 5.000000e-01 : f32
      %mul3A_65 = vector.broadcast %mul3A_64 : f32 to vector<16xf32>
      %mul3A_66 = arith.mulf %mul3A_65, %max3A_49 : vector<16xf32>
      %mul3A_67 = arith.mulf %mul3A_66, %mul3A_63 : vector<16xf32>
      %mul3A_68 = arith.mulf %mul3A_67, %mul3A_63 : vector<16xf32>
      %sub3A_69 = arith.constant 1.500000e+00 : f32
      %sub3A_70 = vector.broadcast %sub3A_69 : f32 to vector<16xf32>
      %sub3A_71 = arith.subf %sub3A_70, %mul3A_68 : vector<16xf32>
      %mul3A_72 = arith.mulf %mul3A_63, %sub3A_71 : vector<16xf32>
      %mul3A_73 = arith.constant 5.000000e-01 : f32
      %mul3A_74 = vector.broadcast %mul3A_73 : f32 to vector<16xf32>
      %mul3A_75 = arith.mulf %mul3A_74, %max3A_49 : vector<16xf32>
      %mul3A_76 = arith.mulf %mul3A_75, %mul3A_72 : vector<16xf32>
      %mul3A_77 = arith.mulf %mul3A_76, %mul3A_72 : vector<16xf32>
      %sub3A_78 = arith.constant 1.500000e+00 : f32
      %sub3A_79 = vector.broadcast %sub3A_78 : f32 to vector<16xf32>
      %sub3A_80 = arith.subf %sub3A_79, %mul3A_77 : vector<16xf32>
      %mul3A_81 = arith.mulf %mul3A_72, %sub3A_80 : vector<16xf32>
      %mul3A_82 = arith.mulf %get3A_44, %mul3A_81 : vector<16xf32>
      %add3A = arith.addf %broadcast_in_dim3A_0, %mul3A_82 : vector<16xf32>
      %get3A_83 = arith.constant 16 : index
      %get3A_84 = tpu.vector_load %arg11[%get3A_83] {strides = array<i32>} : memref<160xf32, #tpu.memory_space<vmem>>, vector<16xf32>,
      %get3A_85 = arith.constant 16 : index
      %get3A_86 = tpu.vector_load %arg12[%get3A_85] {strides = array<i32>} : memref<160xf32, #tpu.memory_space<vmem>>, vector<16xf32>,
      %mul3A_87 = arith.mulf %get3A_86, %broadcast_in_dim3A_16 : vector<16xf32>
      %max3A_88 = arith.constant 1.000000e-24 : f32
      %max3A_89 = vector.broadcast %max3A_88 : f32 to vector<16xf32>
      %max3A_90 = arith.maximumf %mul3A_87, %max3A_89 : vector<16xf32>
      %bitcast3A_91 = vector.bitcast %max3A_90 : vector<16xf32> to vector<16xi32>
      %broadcast_in_dim3A_92 = arith.constant 1 : i32
      %broadcast_in_dim3A_93 = vector.broadcast %broadcast_in_dim3A_92 : i32 to vector<16xi32>
      %shift_right_logical3A_94 = arith.shrui %bitcast3A_91, %broadcast_in_dim3A_93 : vector<16xi32>
      %sub3A_95 = arith.constant 1597463007 : i32
      %sub3A_96 = vector.broadcast %sub3A_95 : i32 to vector<16xi32>
      %sub3A_97 = arith.subi %sub3A_96, %shift_right_logical3A_94 : vector<16xi32>
      %bitcast3A_98 = vector.bitcast %sub3A_97 : vector<16xi32> to vector<16xf32>
      %mul3A_99 = arith.constant 5.000000e-01 : f32
      %mul3A_100 = vector.broadcast %mul3A_99 : f32 to vector<16xf32>
      %mul3A_101 = arith.mulf %mul3A_100, %max3A_90 : vector<16xf32>
      %mul3A_102 = arith.mulf %mul3A_101, %bitcast3A_98 : vector<16xf32>
      %mul3A_103 = arith.mulf %mul3A_102, %bitcast3A_98 : vector<16xf32>
      %sub3A_104 = arith.constant 1.500000e+00 : f32
      %sub3A_105 = vector.broadcast %sub3A_104 : f32 to vector<16xf32>
      %sub3A_106 = arith.subf %sub3A_105, %mul3A_103 : vector<16xf32>
      %mul3A_107 = arith.mulf %bitcast3A_98, %sub3A_106 : vector<16xf32>
      %mul3A_108 = arith.constant 5.000000e-01 : f32
      %mul3A_109 = vector.broadcast %mul3A_108 : f32 to vector<16xf32>
      %mul3A_110 = arith.mulf %mul3A_109, %max3A_90 : vector<16xf32>
      %mul3A_111 = arith.mulf %mul3A_110, %mul3A_107 : vector<16xf32>
      %mul3A_112 = arith.mulf %mul3A_111, %mul3A_107 : vector<16xf32>
      %sub3A_113 = arith.constant 1.500000e+00 : f32
      %sub3A_114 = vector.broadcast %sub3A_113 : f32 to vector<16xf32>
      %sub3A_115 = arith.subf %sub3A_114, %mul3A_112 : vector<16xf32>
      %mul3A_116 = arith.mulf %mul3A_107, %sub3A_115 : vector<16xf32>
      %mul3A_117 = arith.constant 5.000000e-01 : f32
      %mul3A_118 = vector.broadcast %mul3A_117 : f32 to vector<16xf32>
      %mul3A_119 = arith.mulf %mul3A_118, %max3A_90 : vector<16xf32>
      %mul3A_120 = arith.mulf %mul3A_119, %mul3A_116 : vector<16xf32>
      %mul3A_121 = arith.mulf %mul3A_120, %mul3A_116 : vector<16xf32>
      %sub3A_122 = arith.constant 1.500000e+00 : f32
      %sub3A_123 = vector.broadcast %sub3A_122 : f32 to vector<16xf32>
      %sub3A_124 = arith.subf %sub3A_123, %mul3A_121 : vector<16xf32>
      %mul3A_125 = arith.mulf %mul3A_116, %sub3A_124 : vector<16xf32>
      %mul3A_126 = arith.mulf %get3A_84, %mul3A_125 : vector<16xf32>
      %add3A_127 = arith.addf %add3A, %mul3A_126 : vector<16xf32>
      %get3A_128 = arith.constant 32 : index
      %get3A_129 = tpu.vector_load %arg11[%get3A_128] {strides = array<i32>} : memref<160xf32, #tpu.memory_space<vmem>>, vector<16xf32>,
      %get3A_130 = arith.constant 32 : index
      %get3A_131 = tpu.vector_load %arg12[%get3A_130] {strides = array<i32>} : memref<160xf32, #tpu.memory_space<vmem>>, vector<16xf32>,
      %mul3A_132 = arith.mulf %get3A_131, %broadcast_in_dim3A_21 : vector<16xf32>
      %max3A_133 = arith.constant 1.000000e-24 : f32
      %max3A_134 = vector.broadcast %max3A_133 : f32 to vector<16xf32>
      %max3A_135 = arith.maximumf %mul3A_132, %max3A_134 : vector<16xf32>
      %bitcast3A_136 = vector.bitcast %max3A_135 : vector<16xf32> to vector<16xi32>
      %broadcast_in_dim3A_137 = arith.constant 1 : i32
      %broadcast_in_dim3A_138 = vector.broadcast %broadcast_in_dim3A_137 : i32 to vector<16xi32>
      %shift_right_logical3A_139 = arith.shrui %bitcast3A_136, %broadcast_in_dim3A_138 : vector<16xi32>
      %sub3A_140 = arith.constant 1597463007 : i32
      %sub3A_141 = vector.broadcast %sub3A_140 : i32 to vector<16xi32>
      %sub3A_142 = arith.subi %sub3A_141, %shift_right_logical3A_139 : vector<16xi32>
      %bitcast3A_143 = vector.bitcast %sub3A_142 : vector<16xi32> to vector<16xf32>
      %mul3A_144 = arith.constant 5.000000e-01 : f32
      %mul3A_145 = vector.broadcast %mul3A_144 : f32 to vector<16xf32>
      %mul3A_146 = arith.mulf %mul3A_145, %max3A_135 : vector<16xf32>
      %mul3A_147 = arith.mulf %mul3A_146, %bitcast3A_143 : vector<16xf32>
      %mul3A_148 = arith.mulf %mul3A_147, %bitcast3A_143 : vector<16xf32>
      %sub3A_149 = arith.constant 1.500000e+00 : f32
      %sub3A_150 = vector.broadcast %sub3A_149 : f32 to vector<16xf32>
      %sub3A_151 = arith.subf %sub3A_150, %mul3A_148 : vector<16xf32>
      %mul3A_152 = arith.mulf %bitcast3A_143, %sub3A_151 : vector<16xf32>
      %mul3A_153 = arith.constant 5.000000e-01 : f32
      %mul3A_154 = vector.broadcast %mul3A_153 : f32 to vector<16xf32>
      %mul3A_155 = arith.mulf %mul3A_154, %max3A_135 : vector<16xf32>
      %mul3A_156 = arith.mulf %mul3A_155, %mul3A_152 : vector<16xf32>
      %mul3A_157 = arith.mulf %mul3A_156, %mul3A_152 : vector<16xf32>
      %sub3A_158 = arith.constant 1.500000e+00 : f32
      %sub3A_159 = vector.broadcast %sub3A_158 : f32 to vector<16xf32>
      %sub3A_160 = arith.subf %sub3A_159, %mul3A_157 : vector<16xf32>
      %mul3A_161 = arith.mulf %mul3A_152, %sub3A_160 : vector<16xf32>
      %mul3A_162 = arith.constant 5.000000e-01 : f32
      %mul3A_163 = vector.broadcast %mul3A_162 : f32 to vector<16xf32>
      %mul3A_164 = arith.mulf %mul3A_163, %max3A_135 : vector<16xf32>
      %mul3A_165 = arith.mulf %mul3A_164, %mul3A_161 : vector<16xf32>
      %mul3A_166 = arith.mulf %mul3A_165, %mul3A_161 : vector<16xf32>
      %sub3A_167 = arith.constant 1.500000e+00 : f32
      %sub3A_168 = vector.broadcast %sub3A_167 : f32 to vector<16xf32>
      %sub3A_169 = arith.subf %sub3A_168, %mul3A_166 : vector<16xf32>
      %mul3A_170 = arith.mulf %mul3A_161, %sub3A_169 : vector<16xf32>
      %mul3A_171 = arith.mulf %get3A_129, %mul3A_170 : vector<16xf32>
      %add3A_172 = arith.addf %add3A_127, %mul3A_171 : vector<16xf32>
      %get3A_173 = arith.constant 48 : index
      %get3A_174 = tpu.vector_load %arg11[%get3A_173] {strides = array<i32>} : memref<160xf32, #tpu.memory_space<vmem>>, vector<16xf32>,
      %get3A_175 = arith.constant 48 : index
      %get3A_176 = tpu.vector_load %arg12[%get3A_175] {strides = array<i32>} : memref<160xf32, #tpu.memory_space<vmem>>, vector<16xf32>,
      %mul3A_177 = arith.mulf %get3A_176, %broadcast_in_dim3A_21 : vector<16xf32>
      %max3A_178 = arith.constant 1.000000e-24 : f32
      %max3A_179 = vector.broadcast %max3A_178 : f32 to vector<16xf32>
      %max3A_180 = arith.maximumf %mul3A_177, %max3A_179 : vector<16xf32>
      %bitcast3A_181 = vector.bitcast %max3A_180 : vector<16xf32> to vector<16xi32>
      %broadcast_in_dim3A_182 = arith.constant 1 : i32
      %broadcast_in_dim3A_183 = vector.broadcast %broadcast_in_dim3A_182 : i32 to vector<16xi32>
      %shift_right_logical3A_184 = arith.shrui %bitcast3A_181, %broadcast_in_dim3A_183 : vector<16xi32>
      %sub3A_185 = arith.constant 1597463007 : i32
      %sub3A_186 = vector.broadcast %sub3A_185 : i32 to vector<16xi32>
      %sub3A_187 = arith.subi %sub3A_186, %shift_right_logical3A_184 : vector<16xi32>
      %bitcast3A_188 = vector.bitcast %sub3A_187 : vector<16xi32> to vector<16xf32>
      %mul3A_189 = arith.constant 5.000000e-01 : f32
      %mul3A_190 = vector.broadcast %mul3A_189 : f32 to vector<16xf32>
      %mul3A_191 = arith.mulf %mul3A_190, %max3A_180 : vector<16xf32>
      %mul3A_192 = arith.mulf %mul3A_191, %bitcast3A_188 : vector<16xf32>
      %mul3A_193 = arith.mulf %mul3A_192, %bitcast3A_188 : vector<16xf32>
      %sub3A_194 = arith.constant 1.500000e+00 : f32
      %sub3A_195 = vector.broadcast %sub3A_194 : f32 to vector<16xf32>
      %sub3A_196 = arith.subf %sub3A_195, %mul3A_193 : vector<16xf32>
      %mul3A_197 = arith.mulf %bitcast3A_188, %sub3A_196 : vector<16xf32>
      %mul3A_198 = arith.constant 5.000000e-01 : f32
      %mul3A_199 = vector.broadcast %mul3A_198 : f32 to vector<16xf32>
      %mul3A_200 = arith.mulf %mul3A_199, %max3A_180 : vector<16xf32>
      %mul3A_201 = arith.mulf %mul3A_200, %mul3A_197 : vector<16xf32>
      %mul3A_202 = arith.mulf %mul3A_201, %mul3A_197 : vector<16xf32>
      %sub3A_203 = arith.constant 1.500000e+00 : f32
      %sub3A_204 = vector.broadcast %sub3A_203 : f32 to vector<16xf32>
      %sub3A_205 = arith.subf %sub3A_204, %mul3A_202 : vector<16xf32>
      %mul3A_206 = arith.mulf %mul3A_197, %sub3A_205 : vector<16xf32>
      %mul3A_207 = arith.constant 5.000000e-01 : f32
      %mul3A_208 = vector.broadcast %mul3A_207 : f32 to vector<16xf32>
      %mul3A_209 = arith.mulf %mul3A_208, %max3A_180 : vector<16xf32>
      %mul3A_210 = arith.mulf %mul3A_209, %mul3A_206 : vector<16xf32>
      %mul3A_211 = arith.mulf %mul3A_210, %mul3A_206 : vector<16xf32>
      %sub3A_212 = arith.constant 1.500000e+00 : f32
      %sub3A_213 = vector.broadcast %sub3A_212 : f32 to vector<16xf32>
      %sub3A_214 = arith.subf %sub3A_213, %mul3A_211 : vector<16xf32>
      %mul3A_215 = arith.mulf %mul3A_206, %sub3A_214 : vector<16xf32>
      %mul3A_216 = arith.mulf %get3A_174, %mul3A_215 : vector<16xf32>
      %add3A_217 = arith.addf %add3A_172, %mul3A_216 : vector<16xf32>
      %get3A_218 = arith.constant 64 : index
      %get3A_219 = tpu.vector_load %arg11[%get3A_218] {strides = array<i32>} : memref<160xf32, #tpu.memory_space<vmem>>, vector<16xf32>,
      %get3A_220 = arith.constant 64 : index
      %get3A_221 = tpu.vector_load %arg12[%get3A_220] {strides = array<i32>} : memref<160xf32, #tpu.memory_space<vmem>>, vector<16xf32>,
      %mul3A_222 = arith.mulf %get3A_221, %broadcast_in_dim3A_26 : vector<16xf32>
      %max3A_223 = arith.constant 1.000000e-24 : f32
      %max3A_224 = vector.broadcast %max3A_223 : f32 to vector<16xf32>
      %max3A_225 = arith.maximumf %mul3A_222, %max3A_224 : vector<16xf32>
      %bitcast3A_226 = vector.bitcast %max3A_225 : vector<16xf32> to vector<16xi32>
      %broadcast_in_dim3A_227 = arith.constant 1 : i32
      %broadcast_in_dim3A_228 = vector.broadcast %broadcast_in_dim3A_227 : i32 to vector<16xi32>
      %shift_right_logical3A_229 = arith.shrui %bitcast3A_226, %broadcast_in_dim3A_228 : vector<16xi32>
      %sub3A_230 = arith.constant 1597463007 : i32
      %sub3A_231 = vector.broadcast %sub3A_230 : i32 to vector<16xi32>
      %sub3A_232 = arith.subi %sub3A_231, %shift_right_logical3A_229 : vector<16xi32>
      %bitcast3A_233 = vector.bitcast %sub3A_232 : vector<16xi32> to vector<16xf32>
      %mul3A_234 = arith.constant 5.000000e-01 : f32
      %mul3A_235 = vector.broadcast %mul3A_234 : f32 to vector<16xf32>
      %mul3A_236 = arith.mulf %mul3A_235, %max3A_225 : vector<16xf32>
      %mul3A_237 = arith.mulf %mul3A_236, %bitcast3A_233 : vector<16xf32>
      %mul3A_238 = arith.mulf %mul3A_237, %bitcast3A_233 : vector<16xf32>
      %sub3A_239 = arith.constant 1.500000e+00 : f32
      %sub3A_240 = vector.broadcast %sub3A_239 : f32 to vector<16xf32>
      %sub3A_241 = arith.subf %sub3A_240, %mul3A_238 : vector<16xf32>
      %mul3A_242 = arith.mulf %bitcast3A_233, %sub3A_241 : vector<16xf32>
      %mul3A_243 = arith.constant 5.000000e-01 : f32
      %mul3A_244 = vector.broadcast %mul3A_243 : f32 to vector<16xf32>
      %mul3A_245 = arith.mulf %mul3A_244, %max3A_225 : vector<16xf32>
      %mul3A_246 = arith.mulf %mul3A_245, %mul3A_242 : vector<16xf32>
      %mul3A_247 = arith.mulf %mul3A_246, %mul3A_242 : vector<16xf32>
      %sub3A_248 = arith.constant 1.500000e+00 : f32
      %sub3A_249 = vector.broadcast %sub3A_248 : f32 to vector<16xf32>
      %sub3A_250 = arith.subf %sub3A_249, %mul3A_247 : vector<16xf32>
      %mul3A_251 = arith.mulf %mul3A_242, %sub3A_250 : vector<16xf32>
      %mul3A_252 = arith.constant 5.000000e-01 : f32
      %mul3A_253 = vector.broadcast %mul3A_252 : f32 to vector<16xf32>
      %mul3A_254 = arith.mulf %mul3A_253, %max3A_225 : vector<16xf32>
      %mul3A_255 = arith.mulf %mul3A_254, %mul3A_251 : vector<16xf32>
      %mul3A_256 = arith.mulf %mul3A_255, %mul3A_251 : vector<16xf32>
      %sub3A_257 = arith.constant 1.500000e+00 : f32
      %sub3A_258 = vector.broadcast %sub3A_257 : f32 to vector<16xf32>
      %sub3A_259 = arith.subf %sub3A_258, %mul3A_256 : vector<16xf32>
      %mul3A_260 = arith.mulf %mul3A_251, %sub3A_259 : vector<16xf32>
      %mul3A_261 = arith.mulf %get3A_219, %mul3A_260 : vector<16xf32>
      %add3A_262 = arith.addf %add3A_217, %mul3A_261 : vector<16xf32>
      %get3A_263 = arith.constant 80 : index
      %get3A_264 = tpu.vector_load %arg11[%get3A_263] {strides = array<i32>} : memref<160xf32, #tpu.memory_space<vmem>>, vector<16xf32>,
      %get3A_265 = arith.constant 80 : index
      %get3A_266 = tpu.vector_load %arg12[%get3A_265] {strides = array<i32>} : memref<160xf32, #tpu.memory_space<vmem>>, vector<16xf32>,
      %mul3A_267 = arith.mulf %get3A_266, %broadcast_in_dim3A_26 : vector<16xf32>
      %max3A_268 = arith.constant 1.000000e-24 : f32
      %max3A_269 = vector.broadcast %max3A_268 : f32 to vector<16xf32>
      %max3A_270 = arith.maximumf %mul3A_267, %max3A_269 : vector<16xf32>
      %bitcast3A_271 = vector.bitcast %max3A_270 : vector<16xf32> to vector<16xi32>
      %broadcast_in_dim3A_272 = arith.constant 1 : i32
      %broadcast_in_dim3A_273 = vector.broadcast %broadcast_in_dim3A_272 : i32 to vector<16xi32>
      %shift_right_logical3A_274 = arith.shrui %bitcast3A_271, %broadcast_in_dim3A_273 : vector<16xi32>
      %sub3A_275 = arith.constant 1597463007 : i32
      %sub3A_276 = vector.broadcast %sub3A_275 : i32 to vector<16xi32>
      %sub3A_277 = arith.subi %sub3A_276, %shift_right_logical3A_274 : vector<16xi32>
      %bitcast3A_278 = vector.bitcast %sub3A_277 : vector<16xi32> to vector<16xf32>
      %mul3A_279 = arith.constant 5.000000e-01 : f32
      %mul3A_280 = vector.broadcast %mul3A_279 : f32 to vector<16xf32>
      %mul3A_281 = arith.mulf %mul3A_280, %max3A_270 : vector<16xf32>
      %mul3A_282 = arith.mulf %mul3A_281, %bitcast3A_278 : vector<16xf32>
      %mul3A_283 = arith.mulf %mul3A_282, %bitcast3A_278 : vector<16xf32>
      %sub3A_284 = arith.constant 1.500000e+00 : f32
      %sub3A_285 = vector.broadcast %sub3A_284 : f32 to vector<16xf32>
      %sub3A_286 = arith.subf %sub3A_285, %mul3A_283 : vector<16xf32>
      %mul3A_287 = arith.mulf %bitcast3A_278, %sub3A_286 : vector<16xf32>
      %mul3A_288 = arith.constant 5.000000e-01 : f32
      %mul3A_289 = vector.broadcast %mul3A_288 : f32 to vector<16xf32>
      %mul3A_290 = arith.mulf %mul3A_289, %max3A_270 : vector<16xf32>
      %mul3A_291 = arith.mulf %mul3A_290, %mul3A_287 : vector<16xf32>
      %mul3A_292 = arith.mulf %mul3A_291, %mul3A_287 : vector<16xf32>
      %sub3A_293 = arith.constant 1.500000e+00 : f32
      %sub3A_294 = vector.broadcast %sub3A_293 : f32 to vector<16xf32>
      %sub3A_295 = arith.subf %sub3A_294, %mul3A_292 : vector<16xf32>
      %mul3A_296 = arith.mulf %mul3A_287, %sub3A_295 : vector<16xf32>
      %mul3A_297 = arith.constant 5.000000e-01 : f32
      %mul3A_298 = vector.broadcast %mul3A_297 : f32 to vector<16xf32>
      %mul3A_299 = arith.mulf %mul3A_298, %max3A_270 : vector<16xf32>
      %mul3A_300 = arith.mulf %mul3A_299, %mul3A_296 : vector<16xf32>
      %mul3A_301 = arith.mulf %mul3A_300, %mul3A_296 : vector<16xf32>
      %sub3A_302 = arith.constant 1.500000e+00 : f32
      %sub3A_303 = vector.broadcast %sub3A_302 : f32 to vector<16xf32>
      %sub3A_304 = arith.subf %sub3A_303, %mul3A_301 : vector<16xf32>
      %mul3A_305 = arith.mulf %mul3A_296, %sub3A_304 : vector<16xf32>
      %mul3A_306 = arith.mulf %get3A_264, %mul3A_305 : vector<16xf32>
      %add3A_307 = arith.addf %add3A_262, %mul3A_306 : vector<16xf32>
      %get3A_308 = arith.constant 96 : index
      %get3A_309 = tpu.vector_load %arg11[%get3A_308] {strides = array<i32>} : memref<160xf32, #tpu.memory_space<vmem>>, vector<16xf32>,
      %get3A_310 = arith.constant 96 : index
      %get3A_311 = tpu.vector_load %arg12[%get3A_310] {strides = array<i32>} : memref<160xf32, #tpu.memory_space<vmem>>, vector<16xf32>,
      %mul3A_312 = arith.mulf %get3A_311, %broadcast_in_dim3A_31 : vector<16xf32>
      %max3A_313 = arith.constant 1.000000e-24 : f32
      %max3A_314 = vector.broadcast %max3A_313 : f32 to vector<16xf32>
      %max3A_315 = arith.maximumf %mul3A_312, %max3A_314 : vector<16xf32>
      %bitcast3A_316 = vector.bitcast %max3A_315 : vector<16xf32> to vector<16xi32>
      %broadcast_in_dim3A_317 = arith.constant 1 : i32
      %broadcast_in_dim3A_318 = vector.broadcast %broadcast_in_dim3A_317 : i32 to vector<16xi32>
      %shift_right_logical3A_319 = arith.shrui %bitcast3A_316, %broadcast_in_dim3A_318 : vector<16xi32>
      %sub3A_320 = arith.constant 1597463007 : i32
      %sub3A_321 = vector.broadcast %sub3A_320 : i32 to vector<16xi32>
      %sub3A_322 = arith.subi %sub3A_321, %shift_right_logical3A_319 : vector<16xi32>
      %bitcast3A_323 = vector.bitcast %sub3A_322 : vector<16xi32> to vector<16xf32>
      %mul3A_324 = arith.constant 5.000000e-01 : f32
      %mul3A_325 = vector.broadcast %mul3A_324 : f32 to vector<16xf32>
      %mul3A_326 = arith.mulf %mul3A_325, %max3A_315 : vector<16xf32>
      %mul3A_327 = arith.mulf %mul3A_326, %bitcast3A_323 : vector<16xf32>
      %mul3A_328 = arith.mulf %mul3A_327, %bitcast3A_323 : vector<16xf32>
      %sub3A_329 = arith.constant 1.500000e+00 : f32
      %sub3A_330 = vector.broadcast %sub3A_329 : f32 to vector<16xf32>
      %sub3A_331 = arith.subf %sub3A_330, %mul3A_328 : vector<16xf32>
      %mul3A_332 = arith.mulf %bitcast3A_323, %sub3A_331 : vector<16xf32>
      %mul3A_333 = arith.constant 5.000000e-01 : f32
      %mul3A_334 = vector.broadcast %mul3A_333 : f32 to vector<16xf32>
      %mul3A_335 = arith.mulf %mul3A_334, %max3A_315 : vector<16xf32>
      %mul3A_336 = arith.mulf %mul3A_335, %mul3A_332 : vector<16xf32>
      %mul3A_337 = arith.mulf %mul3A_336, %mul3A_332 : vector<16xf32>
      %sub3A_338 = arith.constant 1.500000e+00 : f32
      %sub3A_339 = vector.broadcast %sub3A_338 : f32 to vector<16xf32>
      %sub3A_340 = arith.subf %sub3A_339, %mul3A_337 : vector<16xf32>
      %mul3A_341 = arith.mulf %mul3A_332, %sub3A_340 : vector<16xf32>
      %mul3A_342 = arith.constant 5.000000e-01 : f32
      %mul3A_343 = vector.broadcast %mul3A_342 : f32 to vector<16xf32>
      %mul3A_344 = arith.mulf %mul3A_343, %max3A_315 : vector<16xf32>
      %mul3A_345 = arith.mulf %mul3A_344, %mul3A_341 : vector<16xf32>
      %mul3A_346 = arith.mulf %mul3A_345, %mul3A_341 : vector<16xf32>
      %sub3A_347 = arith.constant 1.500000e+00 : f32
      %sub3A_348 = vector.broadcast %sub3A_347 : f32 to vector<16xf32>
      %sub3A_349 = arith.subf %sub3A_348, %mul3A_346 : vector<16xf32>
      %mul3A_350 = arith.mulf %mul3A_341, %sub3A_349 : vector<16xf32>
      %mul3A_351 = arith.mulf %get3A_309, %mul3A_350 : vector<16xf32>
      %add3A_352 = arith.addf %add3A_307, %mul3A_351 : vector<16xf32>
      %get3A_353 = arith.constant 112 : index
      %get3A_354 = tpu.vector_load %arg11[%get3A_353] {strides = array<i32>} : memref<160xf32, #tpu.memory_space<vmem>>, vector<16xf32>,
      %get3A_355 = arith.constant 112 : index
      %get3A_356 = tpu.vector_load %arg12[%get3A_355] {strides = array<i32>} : memref<160xf32, #tpu.memory_space<vmem>>, vector<16xf32>,
      %mul3A_357 = arith.mulf %get3A_356, %broadcast_in_dim3A_31 : vector<16xf32>
      %max3A_358 = arith.constant 1.000000e-24 : f32
      %max3A_359 = vector.broadcast %max3A_358 : f32 to vector<16xf32>
      %max3A_360 = arith.maximumf %mul3A_357, %max3A_359 : vector<16xf32>
      %bitcast3A_361 = vector.bitcast %max3A_360 : vector<16xf32> to vector<16xi32>
      %broadcast_in_dim3A_362 = arith.constant 1 : i32
      %broadcast_in_dim3A_363 = vector.broadcast %broadcast_in_dim3A_362 : i32 to vector<16xi32>
      %shift_right_logical3A_364 = arith.shrui %bitcast3A_361, %broadcast_in_dim3A_363 : vector<16xi32>
      %sub3A_365 = arith.constant 1597463007 : i32
      %sub3A_366 = vector.broadcast %sub3A_365 : i32 to vector<16xi32>
      %sub3A_367 = arith.subi %sub3A_366, %shift_right_logical3A_364 : vector<16xi32>
      %bitcast3A_368 = vector.bitcast %sub3A_367 : vector<16xi32> to vector<16xf32>
      %mul3A_369 = arith.constant 5.000000e-01 : f32
      %mul3A_370 = vector.broadcast %mul3A_369 : f32 to vector<16xf32>
      %mul3A_371 = arith.mulf %mul3A_370, %max3A_360 : vector<16xf32>
      %mul3A_372 = arith.mulf %mul3A_371, %bitcast3A_368 : vector<16xf32>
      %mul3A_373 = arith.mulf %mul3A_372, %bitcast3A_368 : vector<16xf32>
      %sub3A_374 = arith.constant 1.500000e+00 : f32
      %sub3A_375 = vector.broadcast %sub3A_374 : f32 to vector<16xf32>
      %sub3A_376 = arith.subf %sub3A_375, %mul3A_373 : vector<16xf32>
      %mul3A_377 = arith.mulf %bitcast3A_368, %sub3A_376 : vector<16xf32>
      %mul3A_378 = arith.constant 5.000000e-01 : f32
      %mul3A_379 = vector.broadcast %mul3A_378 : f32 to vector<16xf32>
      %mul3A_380 = arith.mulf %mul3A_379, %max3A_360 : vector<16xf32>
      %mul3A_381 = arith.mulf %mul3A_380, %mul3A_377 : vector<16xf32>
      %mul3A_382 = arith.mulf %mul3A_381, %mul3A_377 : vector<16xf32>
      %sub3A_383 = arith.constant 1.500000e+00 : f32
      %sub3A_384 = vector.broadcast %sub3A_383 : f32 to vector<16xf32>
      %sub3A_385 = arith.subf %sub3A_384, %mul3A_382 : vector<16xf32>
      %mul3A_386 = arith.mulf %mul3A_377, %sub3A_385 : vector<16xf32>
      %mul3A_387 = arith.constant 5.000000e-01 : f32
      %mul3A_388 = vector.broadcast %mul3A_387 : f32 to vector<16xf32>
      %mul3A_389 = arith.mulf %mul3A_388, %max3A_360 : vector<16xf32>
      %mul3A_390 = arith.mulf %mul3A_389, %mul3A_386 : vector<16xf32>
      %mul3A_391 = arith.mulf %mul3A_390, %mul3A_386 : vector<16xf32>
      %sub3A_392 = arith.constant 1.500000e+00 : f32
      %sub3A_393 = vector.broadcast %sub3A_392 : f32 to vector<16xf32>
      %sub3A_394 = arith.subf %sub3A_393, %mul3A_391 : vector<16xf32>
      %mul3A_395 = arith.mulf %mul3A_386, %sub3A_394 : vector<16xf32>
      %mul3A_396 = arith.mulf %get3A_354, %mul3A_395 : vector<16xf32>
      %add3A_397 = arith.addf %add3A_352, %mul3A_396 : vector<16xf32>
      %get3A_398 = arith.constant 128 : index
      %get3A_399 = tpu.vector_load %arg11[%get3A_398] {strides = array<i32>} : memref<160xf32, #tpu.memory_space<vmem>>, vector<16xf32>,
      %get3A_400 = arith.constant 128 : index
      %get3A_401 = tpu.vector_load %arg12[%get3A_400] {strides = array<i32>} : memref<160xf32, #tpu.memory_space<vmem>>, vector<16xf32>,
      %mul3A_402 = arith.mulf %get3A_401, %broadcast_in_dim3A_36 : vector<16xf32>
      %max3A_403 = arith.constant 1.000000e-24 : f32
      %max3A_404 = vector.broadcast %max3A_403 : f32 to vector<16xf32>
      %max3A_405 = arith.maximumf %mul3A_402, %max3A_404 : vector<16xf32>
      %bitcast3A_406 = vector.bitcast %max3A_405 : vector<16xf32> to vector<16xi32>
      %broadcast_in_dim3A_407 = arith.constant 1 : i32
      %broadcast_in_dim3A_408 = vector.broadcast %broadcast_in_dim3A_407 : i32 to vector<16xi32>
      %shift_right_logical3A_409 = arith.shrui %bitcast3A_406, %broadcast_in_dim3A_408 : vector<16xi32>
      %sub3A_410 = arith.constant 1597463007 : i32
      %sub3A_411 = vector.broadcast %sub3A_410 : i32 to vector<16xi32>
      %sub3A_412 = arith.subi %sub3A_411, %shift_right_logical3A_409 : vector<16xi32>
      %bitcast3A_413 = vector.bitcast %sub3A_412 : vector<16xi32> to vector<16xf32>
      %mul3A_414 = arith.constant 5.000000e-01 : f32
      %mul3A_415 = vector.broadcast %mul3A_414 : f32 to vector<16xf32>
      %mul3A_416 = arith.mulf %mul3A_415, %max3A_405 : vector<16xf32>
      %mul3A_417 = arith.mulf %mul3A_416, %bitcast3A_413 : vector<16xf32>
      %mul3A_418 = arith.mulf %mul3A_417, %bitcast3A_413 : vector<16xf32>
      %sub3A_419 = arith.constant 1.500000e+00 : f32
      %sub3A_420 = vector.broadcast %sub3A_419 : f32 to vector<16xf32>
      %sub3A_421 = arith.subf %sub3A_420, %mul3A_418 : vector<16xf32>
      %mul3A_422 = arith.mulf %bitcast3A_413, %sub3A_421 : vector<16xf32>
      %mul3A_423 = arith.constant 5.000000e-01 : f32
      %mul3A_424 = vector.broadcast %mul3A_423 : f32 to vector<16xf32>
      %mul3A_425 = arith.mulf %mul3A_424, %max3A_405 : vector<16xf32>
      %mul3A_426 = arith.mulf %mul3A_425, %mul3A_422 : vector<16xf32>
      %mul3A_427 = arith.mulf %mul3A_426, %mul3A_422 : vector<16xf32>
      %sub3A_428 = arith.constant 1.500000e+00 : f32
      %sub3A_429 = vector.broadcast %sub3A_428 : f32 to vector<16xf32>
      %sub3A_430 = arith.subf %sub3A_429, %mul3A_427 : vector<16xf32>
      %mul3A_431 = arith.mulf %mul3A_422, %sub3A_430 : vector<16xf32>
      %mul3A_432 = arith.constant 5.000000e-01 : f32
      %mul3A_433 = vector.broadcast %mul3A_432 : f32 to vector<16xf32>
      %mul3A_434 = arith.mulf %mul3A_433, %max3A_405 : vector<16xf32>
      %mul3A_435 = arith.mulf %mul3A_434, %mul3A_431 : vector<16xf32>
      %mul3A_436 = arith.mulf %mul3A_435, %mul3A_431 : vector<16xf32>
      %sub3A_437 = arith.constant 1.500000e+00 : f32
      %sub3A_438 = vector.broadcast %sub3A_437 : f32 to vector<16xf32>
      %sub3A_439 = arith.subf %sub3A_438, %mul3A_436 : vector<16xf32>
      %mul3A_440 = arith.mulf %mul3A_431, %sub3A_439 : vector<16xf32>
      %mul3A_441 = arith.mulf %get3A_399, %mul3A_440 : vector<16xf32>
      %add3A_442 = arith.addf %add3A_397, %mul3A_441 : vector<16xf32>
      %get3A_443 = arith.constant 144 : index
      %get3A_444 = tpu.vector_load %arg11[%get3A_443] {strides = array<i32>} : memref<160xf32, #tpu.memory_space<vmem>>, vector<16xf32>,
      %get3A_445 = arith.constant 144 : index
      %get3A_446 = tpu.vector_load %arg12[%get3A_445] {strides = array<i32>} : memref<160xf32, #tpu.memory_space<vmem>>, vector<16xf32>,
      %mul3A_447 = arith.mulf %get3A_446, %broadcast_in_dim3A_36 : vector<16xf32>
      %max3A_448 = arith.constant 1.000000e-24 : f32
      %max3A_449 = vector.broadcast %max3A_448 : f32 to vector<16xf32>
      %max3A_450 = arith.maximumf %mul3A_447, %max3A_449 : vector<16xf32>
      %bitcast3A_451 = vector.bitcast %max3A_450 : vector<16xf32> to vector<16xi32>
      %broadcast_in_dim3A_452 = arith.constant 1 : i32
      %broadcast_in_dim3A_453 = vector.broadcast %broadcast_in_dim3A_452 : i32 to vector<16xi32>
      %shift_right_logical3A_454 = arith.shrui %bitcast3A_451, %broadcast_in_dim3A_453 : vector<16xi32>
      %sub3A_455 = arith.constant 1597463007 : i32
      %sub3A_456 = vector.broadcast %sub3A_455 : i32 to vector<16xi32>
      %sub3A_457 = arith.subi %sub3A_456, %shift_right_logical3A_454 : vector<16xi32>
      %bitcast3A_458 = vector.bitcast %sub3A_457 : vector<16xi32> to vector<16xf32>
      %mul3A_459 = arith.constant 5.000000e-01 : f32
      %mul3A_460 = vector.broadcast %mul3A_459 : f32 to vector<16xf32>
      %mul3A_461 = arith.mulf %mul3A_460, %max3A_450 : vector<16xf32>
      %mul3A_462 = arith.mulf %mul3A_461, %bitcast3A_458 : vector<16xf32>
      %mul3A_463 = arith.mulf %mul3A_462, %bitcast3A_458 : vector<16xf32>
      %sub3A_464 = arith.constant 1.500000e+00 : f32
      %sub3A_465 = vector.broadcast %sub3A_464 : f32 to vector<16xf32>
      %sub3A_466 = arith.subf %sub3A_465, %mul3A_463 : vector<16xf32>
      %mul3A_467 = arith.mulf %bitcast3A_458, %sub3A_466 : vector<16xf32>
      %mul3A_468 = arith.constant 5.000000e-01 : f32
      %mul3A_469 = vector.broadcast %mul3A_468 : f32 to vector<16xf32>
      %mul3A_470 = arith.mulf %mul3A_469, %max3A_450 : vector<16xf32>
      %mul3A_471 = arith.mulf %mul3A_470, %mul3A_467 : vector<16xf32>
      %mul3A_472 = arith.mulf %mul3A_471, %mul3A_467 : vector<16xf32>
      %sub3A_473 = arith.constant 1.500000e+00 : f32
      %sub3A_474 = vector.broadcast %sub3A_473 : f32 to vector<16xf32>
      %sub3A_475 = arith.subf %sub3A_474, %mul3A_472 : vector<16xf32>
      %mul3A_476 = arith.mulf %mul3A_467, %sub3A_475 : vector<16xf32>
      %mul3A_477 = arith.constant 5.000000e-01 : f32
      %mul3A_478 = vector.broadcast %mul3A_477 : f32 to vector<16xf32>
      %mul3A_479 = arith.mulf %mul3A_478, %max3A_450 : vector<16xf32>
      %mul3A_480 = arith.mulf %mul3A_479, %mul3A_476 : vector<16xf32>
      %mul3A_481 = arith.mulf %mul3A_480, %mul3A_476 : vector<16xf32>
      %sub3A_482 = arith.constant 1.500000e+00 : f32
      %sub3A_483 = vector.broadcast %sub3A_482 : f32 to vector<16xf32>
      %sub3A_484 = arith.subf %sub3A_483, %mul3A_481 : vector<16xf32>
      %mul3A_485 = arith.mulf %mul3A_476, %sub3A_484 : vector<16xf32>
      %mul3A_486 = arith.mulf %get3A_444, %mul3A_485 : vector<16xf32>
      %add3A_487 = arith.addf %add3A_442, %mul3A_486 : vector<16xf32>
      %scan3A_488 = arith.constant 0 : i32
      %scan3A_489 = arith.constant 48 : i32
      %scan3A_490 = arith.addi %scan3A_488, %scan3A_489 : i32
      %scan3A_491 = arith.constant 1 : i32
      %scan3A_492:15 = scf.for %scan3A_813 = %scan3A_488 to %scan3A_490 step %scan3A_491 iter_args(%scan3A_814 = %broadcast_in_dim3A_0, %scan3A_815 = %broadcast_in_dim3A_0, %scan3A_816 = %broadcast_in_dim3A_0, %scan3A_817 = %broadcast_in_dim3A_0, %scan3A_818 = %broadcast_in_dim3A_0, %scan3A_819 = %broadcast_in_dim3A_0, %scan3A_820 = %broadcast_in_dim3A_0, %scan3A_821 = %broadcast_in_dim3A_0, %scan3A_822 = %broadcast_in_dim3A_0, %scan3A_823 = %broadcast_in_dim3A_0, %scan3A_824 = %broadcast_in_dim3A_0, %scan3A_825 = %broadcast_in_dim3A_0, %scan3A_826 = %broadcast_in_dim3A_0, %scan3A_827 = %broadcast_in_dim3A_0, %scan3A_828 = %broadcast_in_dim3A_0) -> (vector<16xf32>, vector<16xf32>, vector<16xf32>, vector<16xf32>, vector<16xf32>, vector<16xf32>, vector<16xf32>, vector<16xf32>, vector<16xf32>, vector<16xf32>, vector<16xf32>, vector<16xf32>, vector<16xf32>, vector<16xf32>, vector<16xf32>)  : i32 {
        %mul3A_829 = arith.constant 16 : i32
        %mul3A_830 = arith.muli %scan3A_813, %mul3A_829 : i32
        %get3A_831 = arith.constant 0 : i32
        %get3A_832 = arith.index_cast %get3A_831 : i32 to index
        %get3A_833 = arith.index_cast %mul3A_830 : i32 to index
        %get3A_834 = tpu.vector_load %arg7[%get3A_832, %get3A_833] {strides = array<i32>} : memref<5x768xf32, #tpu.memory_space<vmem>>, vector<16xf32>,
        %get3A_835 = arith.constant 1 : i32
        %get3A_836 = arith.index_cast %get3A_835 : i32 to index
        %get3A_837 = arith.index_cast %mul3A_830 : i32 to index
        %get3A_838 = tpu.vector_load %arg7[%get3A_836, %get3A_837] {strides = array<i32>} : memref<5x768xf32, #tpu.memory_space<vmem>>, vector<16xf32>,
        %get3A_839 = arith.constant 2 : i32
        %get3A_840 = arith.index_cast %get3A_839 : i32 to index
        %get3A_841 = arith.index_cast %mul3A_830 : i32 to index
        %get3A_842 = tpu.vector_load %arg7[%get3A_840, %get3A_841] {strides = array<i32>} : memref<5x768xf32, #tpu.memory_space<vmem>>, vector<16xf32>,
        %get3A_843 = arith.constant 3 : i32
        %get3A_844 = arith.index_cast %get3A_843 : i32 to index
        %get3A_845 = arith.index_cast %mul3A_830 : i32 to index
        %get3A_846 = tpu.vector_load %arg7[%get3A_844, %get3A_845] {strides = array<i32>} : memref<5x768xf32, #tpu.memory_space<vmem>>, vector<16xf32>,
        %get3A_847 = arith.constant 4 : i32
        %get3A_848 = arith.index_cast %get3A_847 : i32 to index
        %get3A_849 = arith.index_cast %mul3A_830 : i32 to index
        %get3A_850 = tpu.vector_load %arg7[%get3A_848, %get3A_849] {strides = array<i32>} : memref<5x768xf32, #tpu.memory_space<vmem>>, vector<16xf32>,
        %mul3A_851 = arith.mulf %get3A_834, %get3A_834 : vector<16xf32>
        %add3A_852 = arith.addf %scan3A_814, %mul3A_851 : vector<16xf32>
        %mul3A_853 = arith.mulf %get3A_834, %get3A_838 : vector<16xf32>
        %add3A_854 = arith.addf %scan3A_815, %mul3A_853 : vector<16xf32>
        %mul3A_855 = arith.mulf %get3A_834, %get3A_842 : vector<16xf32>
        %add3A_856 = arith.addf %scan3A_816, %mul3A_855 : vector<16xf32>
        %mul3A_857 = arith.mulf %get3A_834, %get3A_846 : vector<16xf32>
        %add3A_858 = arith.addf %scan3A_817, %mul3A_857 : vector<16xf32>
        %mul3A_859 = arith.mulf %get3A_834, %get3A_850 : vector<16xf32>
        %add3A_860 = arith.addf %scan3A_818, %mul3A_859 : vector<16xf32>
        %mul3A_861 = arith.mulf %get3A_838, %get3A_838 : vector<16xf32>
        %add3A_862 = arith.addf %scan3A_819, %mul3A_861 : vector<16xf32>
        %mul3A_863 = arith.mulf %get3A_838, %get3A_842 : vector<16xf32>
        %add3A_864 = arith.addf %scan3A_820, %mul3A_863 : vector<16xf32>
        %mul3A_865 = arith.mulf %get3A_838, %get3A_846 : vector<16xf32>
        %add3A_866 = arith.addf %scan3A_821, %mul3A_865 : vector<16xf32>
        %mul3A_867 = arith.mulf %get3A_838, %get3A_850 : vector<16xf32>
        %add3A_868 = arith.addf %scan3A_822, %mul3A_867 : vector<16xf32>
        %mul3A_869 = arith.mulf %get3A_842, %get3A_842 : vector<16xf32>
        %add3A_870 = arith.addf %scan3A_823, %mul3A_869 : vector<16xf32>
        %mul3A_871 = arith.mulf %get3A_842, %get3A_846 : vector<16xf32>
        %add3A_872 = arith.addf %scan3A_824, %mul3A_871 : vector<16xf32>
        %mul3A_873 = arith.mulf %get3A_842, %get3A_850 : vector<16xf32>
        %add3A_874 = arith.addf %scan3A_825, %mul3A_873 : vector<16xf32>
        %mul3A_875 = arith.mulf %get3A_846, %get3A_846 : vector<16xf32>
        %add3A_876 = arith.addf %scan3A_826, %mul3A_875 : vector<16xf32>
        %mul3A_877 = arith.mulf %get3A_846, %get3A_850 : vector<16xf32>
        %add3A_878 = arith.addf %scan3A_827, %mul3A_877 : vector<16xf32>
        %mul3A_879 = arith.mulf %get3A_850, %get3A_850 : vector<16xf32>
        %add3A_880 = arith.addf %scan3A_828, %mul3A_879 : vector<16xf32>
        scf.yield %add3A_852, %add3A_854, %add3A_856, %add3A_858, %add3A_860, %add3A_862, %add3A_864, %add3A_866, %add3A_868, %add3A_870, %add3A_872, %add3A_874, %add3A_876, %add3A_878, %add3A_880 : vector<16xf32>, vector<16xf32>, vector<16xf32>, vector<16xf32>, vector<16xf32>, vector<16xf32>, vector<16xf32>, vector<16xf32>, vector<16xf32>, vector<16xf32>, vector<16xf32>, vector<16xf32>, vector<16xf32>, vector<16xf32>, vector<16xf32>
      }
      %scan3A_493 = arith.constant 48 : i32
      %reduce_sum3A_494 = arith.constant true
      %reduce_sum3A_495 = vector.broadcast %reduce_sum3A_494 : i1 to vector<16xi1>
      %reduce_sum3A_496 = tpu.scan <sum>, %scan3A_492#0 masked %reduce_sum3A_495 : vector<16xf32>, vector<16xi1> -> vector<16xf32>
      %reduce_sum3A_497 = vector.extract %reduce_sum3A_496[15] : f32 from vector<16xf32>
      %broadcast_in_dim3A_498 = vector.broadcast %reduce_sum3A_497 : f32 to vector<16xf32>
      %reduce_sum3A_499 = arith.constant true
      %reduce_sum3A_500 = vector.broadcast %reduce_sum3A_499 : i1 to vector<16xi1>
      %reduce_sum3A_501 = tpu.scan <sum>, %scan3A_492#1 masked %reduce_sum3A_500 : vector<16xf32>, vector<16xi1> -> vector<16xf32>
      %reduce_sum3A_502 = vector.extract %reduce_sum3A_501[15] : f32 from vector<16xf32>
      %broadcast_in_dim3A_503 = vector.broadcast %reduce_sum3A_502 : f32 to vector<16xf32>
      %reduce_sum3A_504 = arith.constant true
      %reduce_sum3A_505 = vector.broadcast %reduce_sum3A_504 : i1 to vector<16xi1>
      %reduce_sum3A_506 = tpu.scan <sum>, %scan3A_492#2 masked %reduce_sum3A_505 : vector<16xf32>, vector<16xi1> -> vector<16xf32>
      %reduce_sum3A_507 = vector.extract %reduce_sum3A_506[15] : f32 from vector<16xf32>
      %broadcast_in_dim3A_508 = vector.broadcast %reduce_sum3A_507 : f32 to vector<16xf32>
      %reduce_sum3A_509 = arith.constant true
      %reduce_sum3A_510 = vector.broadcast %reduce_sum3A_509 : i1 to vector<16xi1>
      %reduce_sum3A_511 = tpu.scan <sum>, %scan3A_492#3 masked %reduce_sum3A_510 : vector<16xf32>, vector<16xi1> -> vector<16xf32>
      %reduce_sum3A_512 = vector.extract %reduce_sum3A_511[15] : f32 from vector<16xf32>
      %broadcast_in_dim3A_513 = vector.broadcast %reduce_sum3A_512 : f32 to vector<16xf32>
      %reduce_sum3A_514 = arith.constant true
      %reduce_sum3A_515 = vector.broadcast %reduce_sum3A_514 : i1 to vector<16xi1>
      %reduce_sum3A_516 = tpu.scan <sum>, %scan3A_492#4 masked %reduce_sum3A_515 : vector<16xf32>, vector<16xi1> -> vector<16xf32>
      %reduce_sum3A_517 = vector.extract %reduce_sum3A_516[15] : f32 from vector<16xf32>
      %broadcast_in_dim3A_518 = vector.broadcast %reduce_sum3A_517 : f32 to vector<16xf32>
      %reduce_sum3A_519 = arith.constant true
      %reduce_sum3A_520 = vector.broadcast %reduce_sum3A_519 : i1 to vector<16xi1>
      %reduce_sum3A_521 = tpu.scan <sum>, %scan3A_492#5 masked %reduce_sum3A_520 : vector<16xf32>, vector<16xi1> -> vector<16xf32>
      %reduce_sum3A_522 = vector.extract %reduce_sum3A_521[15] : f32 from vector<16xf32>
      %broadcast_in_dim3A_523 = vector.broadcast %reduce_sum3A_522 : f32 to vector<16xf32>
      %reduce_sum3A_524 = arith.constant true
      %reduce_sum3A_525 = vector.broadcast %reduce_sum3A_524 : i1 to vector<16xi1>
      %reduce_sum3A_526 = tpu.scan <sum>, %scan3A_492#6 masked %reduce_sum3A_525 : vector<16xf32>, vector<16xi1> -> vector<16xf32>
      %reduce_sum3A_527 = vector.extract %reduce_sum3A_526[15] : f32 from vector<16xf32>
      %broadcast_in_dim3A_528 = vector.broadcast %reduce_sum3A_527 : f32 to vector<16xf32>
      %reduce_sum3A_529 = arith.constant true
      %reduce_sum3A_530 = vector.broadcast %reduce_sum3A_529 : i1 to vector<16xi1>
      %reduce_sum3A_531 = tpu.scan <sum>, %scan3A_492#7 masked %reduce_sum3A_530 : vector<16xf32>, vector<16xi1> -> vector<16xf32>
      %reduce_sum3A_532 = vector.extract %reduce_sum3A_531[15] : f32 from vector<16xf32>
      %broadcast_in_dim3A_533 = vector.broadcast %reduce_sum3A_532 : f32 to vector<16xf32>
      %reduce_sum3A_534 = arith.constant true
      %reduce_sum3A_535 = vector.broadcast %reduce_sum3A_534 : i1 to vector<16xi1>
      %reduce_sum3A_536 = tpu.scan <sum>, %scan3A_492#8 masked %reduce_sum3A_535 : vector<16xf32>, vector<16xi1> -> vector<16xf32>
      %reduce_sum3A_537 = vector.extract %reduce_sum3A_536[15] : f32 from vector<16xf32>
      %broadcast_in_dim3A_538 = vector.broadcast %reduce_sum3A_537 : f32 to vector<16xf32>
      %reduce_sum3A_539 = arith.constant true
      %reduce_sum3A_540 = vector.broadcast %reduce_sum3A_539 : i1 to vector<16xi1>
      %reduce_sum3A_541 = tpu.scan <sum>, %scan3A_492#9 masked %reduce_sum3A_540 : vector<16xf32>, vector<16xi1> -> vector<16xf32>
      %reduce_sum3A_542 = vector.extract %reduce_sum3A_541[15] : f32 from vector<16xf32>
      %broadcast_in_dim3A_543 = vector.broadcast %reduce_sum3A_542 : f32 to vector<16xf32>
      %reduce_sum3A_544 = arith.constant true
      %reduce_sum3A_545 = vector.broadcast %reduce_sum3A_544 : i1 to vector<16xi1>
      %reduce_sum3A_546 = tpu.scan <sum>, %scan3A_492#10 masked %reduce_sum3A_545 : vector<16xf32>, vector<16xi1> -> vector<16xf32>
      %reduce_sum3A_547 = vector.extract %reduce_sum3A_546[15] : f32 from vector<16xf32>
      %broadcast_in_dim3A_548 = vector.broadcast %reduce_sum3A_547 : f32 to vector<16xf32>
      %reduce_sum3A_549 = arith.constant true
      %reduce_sum3A_550 = vector.broadcast %reduce_sum3A_549 : i1 to vector<16xi1>
      %reduce_sum3A_551 = tpu.scan <sum>, %scan3A_492#11 masked %reduce_sum3A_550 : vector<16xf32>, vector<16xi1> -> vector<16xf32>
      %reduce_sum3A_552 = vector.extract %reduce_sum3A_551[15] : f32 from vector<16xf32>
      %broadcast_in_dim3A_553 = vector.broadcast %reduce_sum3A_552 : f32 to vector<16xf32>
      %reduce_sum3A_554 = arith.constant true
      %reduce_sum3A_555 = vector.broadcast %reduce_sum3A_554 : i1 to vector<16xi1>
      %reduce_sum3A_556 = tpu.scan <sum>, %scan3A_492#12 masked %reduce_sum3A_555 : vector<16xf32>, vector<16xi1> -> vector<16xf32>
      %reduce_sum3A_557 = vector.extract %reduce_sum3A_556[15] : f32 from vector<16xf32>
      %broadcast_in_dim3A_558 = vector.broadcast %reduce_sum3A_557 : f32 to vector<16xf32>
      %reduce_sum3A_559 = arith.constant true
      %reduce_sum3A_560 = vector.broadcast %reduce_sum3A_559 : i1 to vector<16xi1>
      %reduce_sum3A_561 = tpu.scan <sum>, %scan3A_492#13 masked %reduce_sum3A_560 : vector<16xf32>, vector<16xi1> -> vector<16xf32>
      %reduce_sum3A_562 = vector.extract %reduce_sum3A_561[15] : f32 from vector<16xf32>
      %broadcast_in_dim3A_563 = vector.broadcast %reduce_sum3A_562 : f32 to vector<16xf32>
      %reduce_sum3A_564 = arith.constant true
      %reduce_sum3A_565 = vector.broadcast %reduce_sum3A_564 : i1 to vector<16xi1>
      %reduce_sum3A_566 = tpu.scan <sum>, %scan3A_492#14 masked %reduce_sum3A_565 : vector<16xf32>, vector<16xi1> -> vector<16xf32>
      %reduce_sum3A_567 = vector.extract %reduce_sum3A_566[15] : f32 from vector<16xf32>
      %broadcast_in_dim3A_568 = vector.broadcast %reduce_sum3A_567 : f32 to vector<16xf32>
      %mul3A_569 = arith.mulf %broadcast_in_dim3A_503, %broadcast_in_dim3A_503 : vector<16xf32>
      %mul3A_570 = arith.constant 2.000000e+00 : f32
      %mul3A_571 = vector.broadcast %mul3A_570 : f32 to vector<16xf32>
      %mul3A_572 = arith.mulf %mul3A_571, %mul3A_569 : vector<16xf32>
      %mul3A_573 = arith.mulf %broadcast_in_dim3A_498, %broadcast_in_dim3A_523 : vector<16xf32>
      %div3A = arith.divf %mul3A_572, %mul3A_573 : vector<16xf32>
      %add3A_574 = arith.addf %broadcast_in_dim3A_0, %div3A : vector<16xf32>
      %mul3A_575 = arith.mulf %broadcast_in_dim3A_508, %broadcast_in_dim3A_508 : vector<16xf32>
      %mul3A_576 = arith.constant 2.000000e+00 : f32
      %mul3A_577 = vector.broadcast %mul3A_576 : f32 to vector<16xf32>
      %mul3A_578 = arith.mulf %mul3A_577, %mul3A_575 : vector<16xf32>
      %mul3A_579 = arith.mulf %broadcast_in_dim3A_498, %broadcast_in_dim3A_543 : vector<16xf32>
      %div3A_580 = arith.divf %mul3A_578, %mul3A_579 : vector<16xf32>
      %add3A_581 = arith.addf %add3A_574, %div3A_580 : vector<16xf32>
      %mul3A_582 = arith.mulf %broadcast_in_dim3A_513, %broadcast_in_dim3A_513 : vector<16xf32>
      %mul3A_583 = arith.constant 2.000000e+00 : f32
      %mul3A_584 = vector.broadcast %mul3A_583 : f32 to vector<16xf32>
      %mul3A_585 = arith.mulf %mul3A_584, %mul3A_582 : vector<16xf32>
      %mul3A_586 = arith.mulf %broadcast_in_dim3A_498, %broadcast_in_dim3A_558 : vector<16xf32>
      %div3A_587 = arith.divf %mul3A_585, %mul3A_586 : vector<16xf32>
      %add3A_588 = arith.addf %add3A_581, %div3A_587 : vector<16xf32>
      %mul3A_589 = arith.mulf %broadcast_in_dim3A_518, %broadcast_in_dim3A_518 : vector<16xf32>
      %mul3A_590 = arith.constant 2.000000e+00 : f32
      %mul3A_591 = vector.broadcast %mul3A_590 : f32 to vector<16xf32>
      %mul3A_592 = arith.mulf %mul3A_591, %mul3A_589 : vector<16xf32>
      %mul3A_593 = arith.mulf %broadcast_in_dim3A_498, %broadcast_in_dim3A_568 : vector<16xf32>
      %div3A_594 = arith.divf %mul3A_592, %mul3A_593 : vector<16xf32>
      %add3A_595 = arith.addf %add3A_588, %div3A_594 : vector<16xf32>
      %mul3A_596 = arith.mulf %broadcast_in_dim3A_528, %broadcast_in_dim3A_528 : vector<16xf32>
      %mul3A_597 = arith.constant 2.000000e+00 : f32
      %mul3A_598 = vector.broadcast %mul3A_597 : f32 to vector<16xf32>
      %mul3A_599 = arith.mulf %mul3A_598, %mul3A_596 : vector<16xf32>
      %mul3A_600 = arith.mulf %broadcast_in_dim3A_523, %broadcast_in_dim3A_543 : vector<16xf32>
      %div3A_601 = arith.divf %mul3A_599, %mul3A_600 : vector<16xf32>
      %add3A_602 = arith.addf %add3A_595, %div3A_601 : vector<16xf32>
      %mul3A_603 = arith.mulf %broadcast_in_dim3A_533, %broadcast_in_dim3A_533 : vector<16xf32>
      %mul3A_604 = arith.constant 2.000000e+00 : f32
      %mul3A_605 = vector.broadcast %mul3A_604 : f32 to vector<16xf32>
      %mul3A_606 = arith.mulf %mul3A_605, %mul3A_603 : vector<16xf32>
      %mul3A_607 = arith.mulf %broadcast_in_dim3A_523, %broadcast_in_dim3A_558 : vector<16xf32>
      %div3A_608 = arith.divf %mul3A_606, %mul3A_607 : vector<16xf32>
      %add3A_609 = arith.addf %add3A_602, %div3A_608 : vector<16xf32>
      %mul3A_610 = arith.mulf %broadcast_in_dim3A_538, %broadcast_in_dim3A_538 : vector<16xf32>
      %mul3A_611 = arith.constant 2.000000e+00 : f32
      %mul3A_612 = vector.broadcast %mul3A_611 : f32 to vector<16xf32>
      %mul3A_613 = arith.mulf %mul3A_612, %mul3A_610 : vector<16xf32>
      %mul3A_614 = arith.mulf %broadcast_in_dim3A_523, %broadcast_in_dim3A_568 : vector<16xf32>
      %div3A_615 = arith.divf %mul3A_613, %mul3A_614 : vector<16xf32>
      %add3A_616 = arith.addf %add3A_609, %div3A_615 : vector<16xf32>
      %mul3A_617 = arith.mulf %broadcast_in_dim3A_548, %broadcast_in_dim3A_548 : vector<16xf32>
      %mul3A_618 = arith.constant 2.000000e+00 : f32
      %mul3A_619 = vector.broadcast %mul3A_618 : f32 to vector<16xf32>
      %mul3A_620 = arith.mulf %mul3A_619, %mul3A_617 : vector<16xf32>
      %mul3A_621 = arith.mulf %broadcast_in_dim3A_543, %broadcast_in_dim3A_558 : vector<16xf32>
      %div3A_622 = arith.divf %mul3A_620, %mul3A_621 : vector<16xf32>
      %add3A_623 = arith.addf %add3A_616, %div3A_622 : vector<16xf32>
      %mul3A_624 = arith.mulf %broadcast_in_dim3A_553, %broadcast_in_dim3A_553 : vector<16xf32>
      %mul3A_625 = arith.constant 2.000000e+00 : f32
      %mul3A_626 = vector.broadcast %mul3A_625 : f32 to vector<16xf32>
      %mul3A_627 = arith.mulf %mul3A_626, %mul3A_624 : vector<16xf32>
      %mul3A_628 = arith.mulf %broadcast_in_dim3A_543, %broadcast_in_dim3A_568 : vector<16xf32>
      %div3A_629 = arith.divf %mul3A_627, %mul3A_628 : vector<16xf32>
      %add3A_630 = arith.addf %add3A_623, %div3A_629 : vector<16xf32>
      %mul3A_631 = arith.mulf %broadcast_in_dim3A_563, %broadcast_in_dim3A_563 : vector<16xf32>
      %mul3A_632 = arith.constant 2.000000e+00 : f32
      %mul3A_633 = vector.broadcast %mul3A_632 : f32 to vector<16xf32>
      %mul3A_634 = arith.mulf %mul3A_633, %mul3A_631 : vector<16xf32>
      %mul3A_635 = arith.mulf %broadcast_in_dim3A_558, %broadcast_in_dim3A_568 : vector<16xf32>
      %div3A_636 = arith.divf %mul3A_634, %mul3A_635 : vector<16xf32>
      %add3A_637 = arith.addf %add3A_630, %div3A_636 : vector<16xf32>
      %div3A_638 = arith.constant 2.500000e+01 : f32
      %div3A_639 = vector.broadcast %div3A_638 : f32 to vector<16xf32>
      %div3A_640 = arith.divf %add3A_637, %div3A_639 : vector<16xf32>
      %mul3A_641 = arith.constant 9.99999997E-7 : f32
      %mul3A_642 = vector.broadcast %mul3A_641 : f32 to vector<16xf32>
      %mul3A_643 = arith.mulf %div3A_640, %mul3A_642 : vector<16xf32>
      %scan3A_644 = arith.constant 0 : i32
      %scan3A_645 = arith.constant 48 : i32
      %scan3A_646 = arith.addi %scan3A_644, %scan3A_645 : i32
      %scan3A_647 = arith.constant 1 : i32
      %scan3A_648:15 = scf.for %scan3A_813 = %scan3A_644 to %scan3A_646 step %scan3A_647 iter_args(%scan3A_814 = %broadcast_in_dim3A_0, %scan3A_815 = %broadcast_in_dim3A_0, %scan3A_816 = %broadcast_in_dim3A_0, %scan3A_817 = %broadcast_in_dim3A_0, %scan3A_818 = %broadcast_in_dim3A_0, %scan3A_819 = %broadcast_in_dim3A_0, %scan3A_820 = %broadcast_in_dim3A_0, %scan3A_821 = %broadcast_in_dim3A_0, %scan3A_822 = %broadcast_in_dim3A_0, %scan3A_823 = %broadcast_in_dim3A_0, %scan3A_824 = %broadcast_in_dim3A_0, %scan3A_825 = %broadcast_in_dim3A_0, %scan3A_826 = %broadcast_in_dim3A_0, %scan3A_827 = %broadcast_in_dim3A_0, %scan3A_828 = %broadcast_in_dim3A_0) -> (vector<16xf32>, vector<16xf32>, vector<16xf32>, vector<16xf32>, vector<16xf32>, vector<16xf32>, vector<16xf32>, vector<16xf32>, vector<16xf32>, vector<16xf32>, vector<16xf32>, vector<16xf32>, vector<16xf32>, vector<16xf32>, vector<16xf32>)  : i32 {
        %mul3A_829 = arith.constant 16 : i32
        %mul3A_830 = arith.muli %scan3A_813, %mul3A_829 : i32
        %get3A_831 = arith.constant 0 : i32
        %get3A_832 = arith.index_cast %get3A_831 : i32 to index
        %get3A_833 = arith.index_cast %mul3A_830 : i32 to index
        %get3A_834 = tpu.vector_load %arg8[%get3A_832, %get3A_833] {strides = array<i32>} : memref<5x768xf32, #tpu.memory_space<vmem>>, vector<16xf32>,
        %get3A_835 = arith.constant 1 : i32
        %get3A_836 = arith.index_cast %get3A_835 : i32 to index
        %get3A_837 = arith.index_cast %mul3A_830 : i32 to index
        %get3A_838 = tpu.vector_load %arg8[%get3A_836, %get3A_837] {strides = array<i32>} : memref<5x768xf32, #tpu.memory_space<vmem>>, vector<16xf32>,
        %get3A_839 = arith.constant 2 : i32
        %get3A_840 = arith.index_cast %get3A_839 : i32 to index
        %get3A_841 = arith.index_cast %mul3A_830 : i32 to index
        %get3A_842 = tpu.vector_load %arg8[%get3A_840, %get3A_841] {strides = array<i32>} : memref<5x768xf32, #tpu.memory_space<vmem>>, vector<16xf32>,
        %get3A_843 = arith.constant 3 : i32
        %get3A_844 = arith.index_cast %get3A_843 : i32 to index
        %get3A_845 = arith.index_cast %mul3A_830 : i32 to index
        %get3A_846 = tpu.vector_load %arg8[%get3A_844, %get3A_845] {strides = array<i32>} : memref<5x768xf32, #tpu.memory_space<vmem>>, vector<16xf32>,
        %get3A_847 = arith.constant 4 : i32
        %get3A_848 = arith.index_cast %get3A_847 : i32 to index
        %get3A_849 = arith.index_cast %mul3A_830 : i32 to index
        %get3A_850 = tpu.vector_load %arg8[%get3A_848, %get3A_849] {strides = array<i32>} : memref<5x768xf32, #tpu.memory_space<vmem>>, vector<16xf32>,
        %mul3A_851 = arith.mulf %get3A_834, %get3A_834 : vector<16xf32>
        %add3A_852 = arith.addf %scan3A_814, %mul3A_851 : vector<16xf32>
        %mul3A_853 = arith.mulf %get3A_834, %get3A_838 : vector<16xf32>
        %add3A_854 = arith.addf %scan3A_815, %mul3A_853 : vector<16xf32>
        %mul3A_855 = arith.mulf %get3A_834, %get3A_842 : vector<16xf32>
        %add3A_856 = arith.addf %scan3A_816, %mul3A_855 : vector<16xf32>
        %mul3A_857 = arith.mulf %get3A_834, %get3A_846 : vector<16xf32>
        %add3A_858 = arith.addf %scan3A_817, %mul3A_857 : vector<16xf32>
        %mul3A_859 = arith.mulf %get3A_834, %get3A_850 : vector<16xf32>
        %add3A_860 = arith.addf %scan3A_818, %mul3A_859 : vector<16xf32>
        %mul3A_861 = arith.mulf %get3A_838, %get3A_838 : vector<16xf32>
        %add3A_862 = arith.addf %scan3A_819, %mul3A_861 : vector<16xf32>
        %mul3A_863 = arith.mulf %get3A_838, %get3A_842 : vector<16xf32>
        %add3A_864 = arith.addf %scan3A_820, %mul3A_863 : vector<16xf32>
        %mul3A_865 = arith.mulf %get3A_838, %get3A_846 : vector<16xf32>
        %add3A_866 = arith.addf %scan3A_821, %mul3A_865 : vector<16xf32>
        %mul3A_867 = arith.mulf %get3A_838, %get3A_850 : vector<16xf32>
        %add3A_868 = arith.addf %scan3A_822, %mul3A_867 : vector<16xf32>
        %mul3A_869 = arith.mulf %get3A_842, %get3A_842 : vector<16xf32>
        %add3A_870 = arith.addf %scan3A_823, %mul3A_869 : vector<16xf32>
        %mul3A_871 = arith.mulf %get3A_842, %get3A_846 : vector<16xf32>
        %add3A_872 = arith.addf %scan3A_824, %mul3A_871 : vector<16xf32>
        %mul3A_873 = arith.mulf %get3A_842, %get3A_850 : vector<16xf32>
        %add3A_874 = arith.addf %scan3A_825, %mul3A_873 : vector<16xf32>
        %mul3A_875 = arith.mulf %get3A_846, %get3A_846 : vector<16xf32>
        %add3A_876 = arith.addf %scan3A_826, %mul3A_875 : vector<16xf32>
        %mul3A_877 = arith.mulf %get3A_846, %get3A_850 : vector<16xf32>
        %add3A_878 = arith.addf %scan3A_827, %mul3A_877 : vector<16xf32>
        %mul3A_879 = arith.mulf %get3A_850, %get3A_850 : vector<16xf32>
        %add3A_880 = arith.addf %scan3A_828, %mul3A_879 : vector<16xf32>
        scf.yield %add3A_852, %add3A_854, %add3A_856, %add3A_858, %add3A_860, %add3A_862, %add3A_864, %add3A_866, %add3A_868, %add3A_870, %add3A_872, %add3A_874, %add3A_876, %add3A_878, %add3A_880 : vector<16xf32>, vector<16xf32>, vector<16xf32>, vector<16xf32>, vector<16xf32>, vector<16xf32>, vector<16xf32>, vector<16xf32>, vector<16xf32>, vector<16xf32>, vector<16xf32>, vector<16xf32>, vector<16xf32>, vector<16xf32>, vector<16xf32>
      }
      %scan3A_649 = arith.constant 48 : i32
      %reduce_sum3A_650 = arith.constant true
      %reduce_sum3A_651 = vector.broadcast %reduce_sum3A_650 : i1 to vector<16xi1>
      %reduce_sum3A_652 = tpu.scan <sum>, %scan3A_648#0 masked %reduce_sum3A_651 : vector<16xf32>, vector<16xi1> -> vector<16xf32>
      %reduce_sum3A_653 = vector.extract %reduce_sum3A_652[15] : f32 from vector<16xf32>
      %broadcast_in_dim3A_654 = vector.broadcast %reduce_sum3A_653 : f32 to vector<16xf32>
      %reduce_sum3A_655 = arith.constant true
      %reduce_sum3A_656 = vector.broadcast %reduce_sum3A_655 : i1 to vector<16xi1>
      %reduce_sum3A_657 = tpu.scan <sum>, %scan3A_648#1 masked %reduce_sum3A_656 : vector<16xf32>, vector<16xi1> -> vector<16xf32>
      %reduce_sum3A_658 = vector.extract %reduce_sum3A_657[15] : f32 from vector<16xf32>
      %broadcast_in_dim3A_659 = vector.broadcast %reduce_sum3A_658 : f32 to vector<16xf32>
      %reduce_sum3A_660 = arith.constant true
      %reduce_sum3A_661 = vector.broadcast %reduce_sum3A_660 : i1 to vector<16xi1>
      %reduce_sum3A_662 = tpu.scan <sum>, %scan3A_648#2 masked %reduce_sum3A_661 : vector<16xf32>, vector<16xi1> -> vector<16xf32>
      %reduce_sum3A_663 = vector.extract %reduce_sum3A_662[15] : f32 from vector<16xf32>
      %broadcast_in_dim3A_664 = vector.broadcast %reduce_sum3A_663 : f32 to vector<16xf32>
      %reduce_sum3A_665 = arith.constant true
      %reduce_sum3A_666 = vector.broadcast %reduce_sum3A_665 : i1 to vector<16xi1>
      %reduce_sum3A_667 = tpu.scan <sum>, %scan3A_648#3 masked %reduce_sum3A_666 : vector<16xf32>, vector<16xi1> -> vector<16xf32>
      %reduce_sum3A_668 = vector.extract %reduce_sum3A_667[15] : f32 from vector<16xf32>
      %broadcast_in_dim3A_669 = vector.broadcast %reduce_sum3A_668 : f32 to vector<16xf32>
      %reduce_sum3A_670 = arith.constant true
      %reduce_sum3A_671 = vector.broadcast %reduce_sum3A_670 : i1 to vector<16xi1>
      %reduce_sum3A_672 = tpu.scan <sum>, %scan3A_648#4 masked %reduce_sum3A_671 : vector<16xf32>, vector<16xi1> -> vector<16xf32>
      %reduce_sum3A_673 = vector.extract %reduce_sum3A_672[15] : f32 from vector<16xf32>
      %broadcast_in_dim3A_674 = vector.broadcast %reduce_sum3A_673 : f32 to vector<16xf32>
      %reduce_sum3A_675 = arith.constant true
      %reduce_sum3A_676 = vector.broadcast %reduce_sum3A_675 : i1 to vector<16xi1>
      %reduce_sum3A_677 = tpu.scan <sum>, %scan3A_648#5 masked %reduce_sum3A_676 : vector<16xf32>, vector<16xi1> -> vector<16xf32>
      %reduce_sum3A_678 = vector.extract %reduce_sum3A_677[15] : f32 from vector<16xf32>
      %broadcast_in_dim3A_679 = vector.broadcast %reduce_sum3A_678 : f32 to vector<16xf32>
      %reduce_sum3A_680 = arith.constant true
      %reduce_sum3A_681 = vector.broadcast %reduce_sum3A_680 : i1 to vector<16xi1>
      %reduce_sum3A_682 = tpu.scan <sum>, %scan3A_648#6 masked %reduce_sum3A_681 : vector<16xf32>, vector<16xi1> -> vector<16xf32>
      %reduce_sum3A_683 = vector.extract %reduce_sum3A_682[15] : f32 from vector<16xf32>
      %broadcast_in_dim3A_684 = vector.broadcast %reduce_sum3A_683 : f32 to vector<16xf32>
      %reduce_sum3A_685 = arith.constant true
      %reduce_sum3A_686 = vector.broadcast %reduce_sum3A_685 : i1 to vector<16xi1>
      %reduce_sum3A_687 = tpu.scan <sum>, %scan3A_648#7 masked %reduce_sum3A_686 : vector<16xf32>, vector<16xi1> -> vector<16xf32>
      %reduce_sum3A_688 = vector.extract %reduce_sum3A_687[15] : f32 from vector<16xf32>
      %broadcast_in_dim3A_689 = vector.broadcast %reduce_sum3A_688 : f32 to vector<16xf32>
      %reduce_sum3A_690 = arith.constant true
      %reduce_sum3A_691 = vector.broadcast %reduce_sum3A_690 : i1 to vector<16xi1>
      %reduce_sum3A_692 = tpu.scan <sum>, %scan3A_648#8 masked %reduce_sum3A_691 : vector<16xf32>, vector<16xi1> -> vector<16xf32>
      %reduce_sum3A_693 = vector.extract %reduce_sum3A_692[15] : f32 from vector<16xf32>
      %broadcast_in_dim3A_694 = vector.broadcast %reduce_sum3A_693 : f32 to vector<16xf32>
      %reduce_sum3A_695 = arith.constant true
      %reduce_sum3A_696 = vector.broadcast %reduce_sum3A_695 : i1 to vector<16xi1>
      %reduce_sum3A_697 = tpu.scan <sum>, %scan3A_648#9 masked %reduce_sum3A_696 : vector<16xf32>, vector<16xi1> -> vector<16xf32>
      %reduce_sum3A_698 = vector.extract %reduce_sum3A_697[15] : f32 from vector<16xf32>
      %broadcast_in_dim3A_699 = vector.broadcast %reduce_sum3A_698 : f32 to vector<16xf32>
      %reduce_sum3A_700 = arith.constant true
      %reduce_sum3A_701 = vector.broadcast %reduce_sum3A_700 : i1 to vector<16xi1>
      %reduce_sum3A_702 = tpu.scan <sum>, %scan3A_648#10 masked %reduce_sum3A_701 : vector<16xf32>, vector<16xi1> -> vector<16xf32>
      %reduce_sum3A_703 = vector.extract %reduce_sum3A_702[15] : f32 from vector<16xf32>
      %broadcast_in_dim3A_704 = vector.broadcast %reduce_sum3A_703 : f32 to vector<16xf32>
      %reduce_sum3A_705 = arith.constant true
      %reduce_sum3A_706 = vector.broadcast %reduce_sum3A_705 : i1 to vector<16xi1>
      %reduce_sum3A_707 = tpu.scan <sum>, %scan3A_648#11 masked %reduce_sum3A_706 : vector<16xf32>, vector<16xi1> -> vector<16xf32>
      %reduce_sum3A_708 = vector.extract %reduce_sum3A_707[15] : f32 from vector<16xf32>
      %broadcast_in_dim3A_709 = vector.broadcast %reduce_sum3A_708 : f32 to vector<16xf32>
      %reduce_sum3A_710 = arith.constant true
      %reduce_sum3A_711 = vector.broadcast %reduce_sum3A_710 : i1 to vector<16xi1>
      %reduce_sum3A_712 = tpu.scan <sum>, %scan3A_648#12 masked %reduce_sum3A_711 : vector<16xf32>, vector<16xi1> -> vector<16xf32>
      %reduce_sum3A_713 = vector.extract %reduce_sum3A_712[15] : f32 from vector<16xf32>
      %broadcast_in_dim3A_714 = vector.broadcast %reduce_sum3A_713 : f32 to vector<16xf32>
      %reduce_sum3A_715 = arith.constant true
      %reduce_sum3A_716 = vector.broadcast %reduce_sum3A_715 : i1 to vector<16xi1>
      %reduce_sum3A_717 = tpu.scan <sum>, %scan3A_648#13 masked %reduce_sum3A_716 : vector<16xf32>, vector<16xi1> -> vector<16xf32>
      %reduce_sum3A_718 = vector.extract %reduce_sum3A_717[15] : f32 from vector<16xf32>
      %broadcast_in_dim3A_719 = vector.broadcast %reduce_sum3A_718 : f32 to vector<16xf32>
      %reduce_sum3A_720 = arith.constant true
      %reduce_sum3A_721 = vector.broadcast %reduce_sum3A_720 : i1 to vector<16xi1>
      %reduce_sum3A_722 = tpu.scan <sum>, %scan3A_648#14 masked %reduce_sum3A_721 : vector<16xf32>, vector<16xi1> -> vector<16xf32>
      %reduce_sum3A_723 = vector.extract %reduce_sum3A_722[15] : f32 from vector<16xf32>
      %broadcast_in_dim3A_724 = vector.broadcast %reduce_sum3A_723 : f32 to vector<16xf32>
      %mul3A_725 = arith.mulf %broadcast_in_dim3A_659, %broadcast_in_dim3A_659 : vector<16xf32>
      %mul3A_726 = arith.constant 2.000000e+00 : f32
      %mul3A_727 = vector.broadcast %mul3A_726 : f32 to vector<16xf32>
      %mul3A_728 = arith.mulf %mul3A_727, %mul3A_725 : vector<16xf32>
      %mul3A_729 = arith.mulf %broadcast_in_dim3A_654, %broadcast_in_dim3A_679 : vector<16xf32>
      %div3A_730 = arith.divf %mul3A_728, %mul3A_729 : vector<16xf32>
      %add3A_731 = arith.addf %broadcast_in_dim3A_0, %div3A_730 : vector<16xf32>
      %mul3A_732 = arith.mulf %broadcast_in_dim3A_664, %broadcast_in_dim3A_664 : vector<16xf32>
      %mul3A_733 = arith.constant 2.000000e+00 : f32
      %mul3A_734 = vector.broadcast %mul3A_733 : f32 to vector<16xf32>
      %mul3A_735 = arith.mulf %mul3A_734, %mul3A_732 : vector<16xf32>
      %mul3A_736 = arith.mulf %broadcast_in_dim3A_654, %broadcast_in_dim3A_699 : vector<16xf32>
      %div3A_737 = arith.divf %mul3A_735, %mul3A_736 : vector<16xf32>
      %add3A_738 = arith.addf %add3A_731, %div3A_737 : vector<16xf32>
      %mul3A_739 = arith.mulf %broadcast_in_dim3A_669, %broadcast_in_dim3A_669 : vector<16xf32>
      %mul3A_740 = arith.constant 2.000000e+00 : f32
      %mul3A_741 = vector.broadcast %mul3A_740 : f32 to vector<16xf32>
      %mul3A_742 = arith.mulf %mul3A_741, %mul3A_739 : vector<16xf32>
      %mul3A_743 = arith.mulf %broadcast_in_dim3A_654, %broadcast_in_dim3A_714 : vector<16xf32>
      %div3A_744 = arith.divf %mul3A_742, %mul3A_743 : vector<16xf32>
      %add3A_745 = arith.addf %add3A_738, %div3A_744 : vector<16xf32>
      %mul3A_746 = arith.mulf %broadcast_in_dim3A_674, %broadcast_in_dim3A_674 : vector<16xf32>
      %mul3A_747 = arith.constant 2.000000e+00 : f32
      %mul3A_748 = vector.broadcast %mul3A_747 : f32 to vector<16xf32>
      %mul3A_749 = arith.mulf %mul3A_748, %mul3A_746 : vector<16xf32>
      %mul3A_750 = arith.mulf %broadcast_in_dim3A_654, %broadcast_in_dim3A_724 : vector<16xf32>
      %div3A_751 = arith.divf %mul3A_749, %mul3A_750 : vector<16xf32>
      %add3A_752 = arith.addf %add3A_745, %div3A_751 : vector<16xf32>
      %mul3A_753 = arith.mulf %broadcast_in_dim3A_684, %broadcast_in_dim3A_684 : vector<16xf32>
      %mul3A_754 = arith.constant 2.000000e+00 : f32
      %mul3A_755 = vector.broadcast %mul3A_754 : f32 to vector<16xf32>
      %mul3A_756 = arith.mulf %mul3A_755, %mul3A_753 : vector<16xf32>
      %mul3A_757 = arith.mulf %broadcast_in_dim3A_679, %broadcast_in_dim3A_699 : vector<16xf32>
      %div3A_758 = arith.divf %mul3A_756, %mul3A_757 : vector<16xf32>
      %add3A_759 = arith.addf %add3A_752, %div3A_758 : vector<16xf32>
      %mul3A_760 = arith.mulf %broadcast_in_dim3A_689, %broadcast_in_dim3A_689 : vector<16xf32>
      %mul3A_761 = arith.constant 2.000000e+00 : f32
      %mul3A_762 = vector.broadcast %mul3A_761 : f32 to vector<16xf32>
      %mul3A_763 = arith.mulf %mul3A_762, %mul3A_760 : vector<16xf32>
      %mul3A_764 = arith.mulf %broadcast_in_dim3A_679, %broadcast_in_dim3A_714 : vector<16xf32>
      %div3A_765 = arith.divf %mul3A_763, %mul3A_764 : vector<16xf32>
      %add3A_766 = arith.addf %add3A_759, %div3A_765 : vector<16xf32>
      %mul3A_767 = arith.mulf %broadcast_in_dim3A_694, %broadcast_in_dim3A_694 : vector<16xf32>
      %mul3A_768 = arith.constant 2.000000e+00 : f32
      %mul3A_769 = vector.broadcast %mul3A_768 : f32 to vector<16xf32>
      %mul3A_770 = arith.mulf %mul3A_769, %mul3A_767 : vector<16xf32>
      %mul3A_771 = arith.mulf %broadcast_in_dim3A_679, %broadcast_in_dim3A_724 : vector<16xf32>
      %div3A_772 = arith.divf %mul3A_770, %mul3A_771 : vector<16xf32>
      %add3A_773 = arith.addf %add3A_766, %div3A_772 : vector<16xf32>
      %mul3A_774 = arith.mulf %broadcast_in_dim3A_704, %broadcast_in_dim3A_704 : vector<16xf32>
      %mul3A_775 = arith.constant 2.000000e+00 : f32
      %mul3A_776 = vector.broadcast %mul3A_775 : f32 to vector<16xf32>
      %mul3A_777 = arith.mulf %mul3A_776, %mul3A_774 : vector<16xf32>
      %mul3A_778 = arith.mulf %broadcast_in_dim3A_699, %broadcast_in_dim3A_714 : vector<16xf32>
      %div3A_779 = arith.divf %mul3A_777, %mul3A_778 : vector<16xf32>
      %add3A_780 = arith.addf %add3A_773, %div3A_779 : vector<16xf32>
      %mul3A_781 = arith.mulf %broadcast_in_dim3A_709, %broadcast_in_dim3A_709 : vector<16xf32>
      %mul3A_782 = arith.constant 2.000000e+00 : f32
      %mul3A_783 = vector.broadcast %mul3A_782 : f32 to vector<16xf32>
      %mul3A_784 = arith.mulf %mul3A_783, %mul3A_781 : vector<16xf32>
      %mul3A_785 = arith.mulf %broadcast_in_dim3A_699, %broadcast_in_dim3A_724 : vector<16xf32>
      %div3A_786 = arith.divf %mul3A_784, %mul3A_785 : vector<16xf32>
      %add3A_787 = arith.addf %add3A_780, %div3A_786 : vector<16xf32>
      %mul3A_788 = arith.mulf %broadcast_in_dim3A_719, %broadcast_in_dim3A_719 : vector<16xf32>
      %mul3A_789 = arith.constant 2.000000e+00 : f32
      %mul3A_790 = vector.broadcast %mul3A_789 : f32 to vector<16xf32>
      %mul3A_791 = arith.mulf %mul3A_790, %mul3A_788 : vector<16xf32>
      %mul3A_792 = arith.mulf %broadcast_in_dim3A_714, %broadcast_in_dim3A_724 : vector<16xf32>
      %div3A_793 = arith.divf %mul3A_791, %mul3A_792 : vector<16xf32>
      %add3A_794 = arith.addf %add3A_787, %div3A_793 : vector<16xf32>
      %div3A_795 = arith.constant 2.500000e+01 : f32
      %div3A_796 = vector.broadcast %div3A_795 : f32 to vector<16xf32>
      %div3A_797 = arith.divf %add3A_794, %div3A_796 : vector<16xf32>
      %mul3A_798 = arith.constant 9.99999997E-7 : f32
      %mul3A_799 = vector.broadcast %mul3A_798 : f32 to vector<16xf32>
      %mul3A_800 = arith.mulf %div3A_797, %mul3A_799 : vector<16xf32>
      %add3A_801 = arith.addf %mul3A_643, %mul3A_800 : vector<16xf32>
      %broadcast_in_dim3A_802 = vector.broadcast %arg0 : i32 to vector<16xi32>
      %eq3A_803 = arith.constant 0 : i32
      %eq3A_804 = vector.broadcast %eq3A_803 : i32 to vector<16xi32>
      %eq3A_805 = arith.cmpi eq, %broadcast_in_dim3A_802, %eq3A_804 : vector<16xi32>
      %select_n3A = arith.select %eq3A_805, %add3A_801, %broadcast_in_dim3A_0 : vector<16xi1>, vector<16xf32>
      %eq3A_806 = arith.constant 0 : i32
      %eq3A_807 = vector.broadcast %eq3A_806 : i32 to vector<16xi32>
      %eq3A_808 = arith.cmpi eq, %iota3A, %eq3A_807 : vector<16xi32>
      %select_n3A_809 = arith.select %eq3A_808, %select_n3A, %broadcast_in_dim3A_0 : vector<16xi1>, vector<16xf32>
      %swap3A = arith.constant 0 : index
      %swap3A_810 = tpu.vector_load %arg13[%swap3A] {strides = array<i32>} : memref<128xf32, #tpu.memory_space<vmem>>, vector<16xf32>,
      tpu.vector_store %arg13[%swap3A], %add3A_487 {strides = array<i32>} : memref<128xf32, #tpu.memory_space<vmem>>, vector<16xf32>,
      %swap3A_811 = arith.constant 16 : index
      %swap3A_812 = tpu.vector_load %arg13[%swap3A_811] {strides = array<i32>} : memref<128xf32, #tpu.memory_space<vmem>>, vector<16xf32>,
      tpu.vector_store %arg13[%swap3A_811], %select_n3A_809 {strides = array<i32>} : memref<128xf32, #tpu.memory_space<vmem>>, vector<16xf32>,
      "tpu.region"() ({
        %run_scoped3A = tpu.sem_alloc : memref<!tpu.dma_semaphore, #tpu.memory_space<semaphore_mem>>
        %dma_start3A = arith.constant 0 : i32
        %dma_start3A_813 = tpu.memref_slice %arg16[%arg1, %dma_start3A] : memref<16x128xf32, #tpu.memory_space<vmem_shared>> -> memref<1x128xf32, #tpu.memory_space<vmem_shared>>
        %dma_start3A_814 = tpu.memref_squeeze %dma_start3A_813 : memref<1x128xf32, #tpu.memory_space<vmem_shared>> -> memref<128xf32, #tpu.memory_space<vmem_shared>>
        %dma_start3A_815 = arith.constant 0 : i32
        %dma_start3A_816 = tpu.memref_slice %arg16[%arg1, %dma_start3A_815] : memref<16x128xf32, #tpu.memory_space<vmem_shared>> -> memref<1x128xf32, #tpu.memory_space<vmem_shared>>
        %dma_start3A_817 = tpu.memref_squeeze %dma_start3A_816 : memref<1x128xf32, #tpu.memory_space<vmem_shared>> -> memref<128xf32, #tpu.memory_space<vmem_shared>>
        tpu.enqueue_dma source(%arg13 : memref<128xf32, #tpu.memory_space<vmem>>) target(%dma_start3A_817 : memref<128xf32, #tpu.memory_space<vmem_shared>>) target_semaphore(%run_scoped3A : memref<!tpu.dma_semaphore, #tpu.memory_space<semaphore_mem>>)
        %dma_wait3A = arith.constant 0 : i32
        %dma_wait3A_818 = tpu.memref_slice %arg16[%arg1, %dma_wait3A] : memref<16x128xf32, #tpu.memory_space<vmem_shared>> -> memref<1x128xf32, #tpu.memory_space<vmem_shared>>
        %dma_wait3A_819 = tpu.memref_squeeze %dma_wait3A_818 : memref<1x128xf32, #tpu.memory_space<vmem_shared>> -> memref<128xf32, #tpu.memory_space<vmem_shared>>
        %dma_wait3A_820 = arith.constant 0 : i32
        %dma_wait3A_821 = tpu.memref_slice %arg16[%arg1, %dma_wait3A_820] : memref<16x128xf32, #tpu.memory_space<vmem_shared>> -> memref<1x128xf32, #tpu.memory_space<vmem_shared>>
        %dma_wait3A_822 = tpu.memref_squeeze %dma_wait3A_821 : memref<1x128xf32, #tpu.memory_space<vmem_shared>> -> memref<128xf32, #tpu.memory_space<vmem_shared>>
        tpu.wait_dma2 semaphore(%run_scoped3A : memref<!tpu.dma_semaphore, #tpu.memory_space<semaphore_mem>>) src(%arg13 : memref<128xf32, #tpu.memory_space<vmem>>) dst(%dma_wait3A_822 : memref<128xf32, #tpu.memory_space<vmem_shared>>)
        tpu.yield
      }) : () -> ()
    } else {
    }
    %barrier3A = arith.constant 0 : index
    tpu.barrier barrier_id(%barrier3A)
    %eq3A = arith.constant 0 : i32
    %eq3A_3 = arith.cmpi eq, %arg1, %eq3A : i32
    %convert_element_type3A_4 = arith.extui %eq3A_3 : i1 to i32
    %cond3A_5 = arith.constant 0 : i32
    %cond3A_6 = arith.cmpi ne, %convert_element_type3A_4, %cond3A_5 : i32
    scf.if %cond3A_6 {
      "tpu.region"() ({
        %run_scoped3A = tpu.sem_alloc : memref<!tpu.dma_semaphore, #tpu.memory_space<semaphore_mem>>
        tpu.enqueue_dma source(%arg16 : memref<16x128xf32, #tpu.memory_space<vmem_shared>>) target(%arg14 : memref<16x128xf32, #tpu.memory_space<vmem>>) target_semaphore(%run_scoped3A : memref<!tpu.dma_semaphore, #tpu.memory_space<semaphore_mem>>)
        tpu.wait_dma2 semaphore(%run_scoped3A : memref<!tpu.dma_semaphore, #tpu.memory_space<semaphore_mem>>) src(%arg16 : memref<16x128xf32, #tpu.memory_space<vmem_shared>>) dst(%arg14 : memref<16x128xf32, #tpu.memory_space<vmem>>)
        tpu.yield
      }) : () -> ()
      %get3A = arith.constant 0 : i32
      %get3A_7 = arith.index_cast %get3A : i32 to index
      %get3A_8 = arith.constant 0 : index
      %get3A_9 = tpu.vector_load %arg14[%get3A_7, %get3A_8] {strides = array<i32>} : memref<16x128xf32, #tpu.memory_space<vmem>>, vector<16xf32>,
      %add3A = arith.addf %broadcast_in_dim3A_0, %get3A_9 : vector<16xf32>
      %get3A_10 = arith.constant 0 : i32
      %get3A_11 = arith.index_cast %get3A_10 : i32 to index
      %get3A_12 = arith.constant 16 : index
      %get3A_13 = tpu.vector_load %arg14[%get3A_11, %get3A_12] {strides = array<i32>} : memref<16x128xf32, #tpu.memory_space<vmem>>, vector<16xf32>,
      %add3A_14 = arith.addf %broadcast_in_dim3A_0, %get3A_13 : vector<16xf32>
      %get3A_15 = arith.constant 1 : i32
      %get3A_16 = arith.index_cast %get3A_15 : i32 to index
      %get3A_17 = arith.constant 0 : index
      %get3A_18 = tpu.vector_load %arg14[%get3A_16, %get3A_17] {strides = array<i32>} : memref<16x128xf32, #tpu.memory_space<vmem>>, vector<16xf32>,
      %add3A_19 = arith.addf %add3A, %get3A_18 : vector<16xf32>
      %get3A_20 = arith.constant 1 : i32
      %get3A_21 = arith.index_cast %get3A_20 : i32 to index
      %get3A_22 = arith.constant 16 : index
      %get3A_23 = tpu.vector_load %arg14[%get3A_21, %get3A_22] {strides = array<i32>} : memref<16x128xf32, #tpu.memory_space<vmem>>, vector<16xf32>,
      %add3A_24 = arith.addf %add3A_14, %get3A_23 : vector<16xf32>
      %get3A_25 = arith.constant 2 : i32
      %get3A_26 = arith.index_cast %get3A_25 : i32 to index
      %get3A_27 = arith.constant 0 : index
      %get3A_28 = tpu.vector_load %arg14[%get3A_26, %get3A_27] {strides = array<i32>} : memref<16x128xf32, #tpu.memory_space<vmem>>, vector<16xf32>,
      %add3A_29 = arith.addf %add3A_19, %get3A_28 : vector<16xf32>
      %get3A_30 = arith.constant 2 : i32
      %get3A_31 = arith.index_cast %get3A_30 : i32 to index
      %get3A_32 = arith.constant 16 : index
      %get3A_33 = tpu.vector_load %arg14[%get3A_31, %get3A_32] {strides = array<i32>} : memref<16x128xf32, #tpu.memory_space<vmem>>, vector<16xf32>,
      %add3A_34 = arith.addf %add3A_24, %get3A_33 : vector<16xf32>
      %get3A_35 = arith.constant 3 : i32
      %get3A_36 = arith.index_cast %get3A_35 : i32 to index
      %get3A_37 = arith.constant 0 : index
      %get3A_38 = tpu.vector_load %arg14[%get3A_36, %get3A_37] {strides = array<i32>} : memref<16x128xf32, #tpu.memory_space<vmem>>, vector<16xf32>,
      %add3A_39 = arith.addf %add3A_29, %get3A_38 : vector<16xf32>
      %get3A_40 = arith.constant 3 : i32
      %get3A_41 = arith.index_cast %get3A_40 : i32 to index
      %get3A_42 = arith.constant 16 : index
      %get3A_43 = tpu.vector_load %arg14[%get3A_41, %get3A_42] {strides = array<i32>} : memref<16x128xf32, #tpu.memory_space<vmem>>, vector<16xf32>,
      %add3A_44 = arith.addf %add3A_34, %get3A_43 : vector<16xf32>
      %get3A_45 = arith.constant 4 : i32
      %get3A_46 = arith.index_cast %get3A_45 : i32 to index
      %get3A_47 = arith.constant 0 : index
      %get3A_48 = tpu.vector_load %arg14[%get3A_46, %get3A_47] {strides = array<i32>} : memref<16x128xf32, #tpu.memory_space<vmem>>, vector<16xf32>,
      %add3A_49 = arith.addf %add3A_39, %get3A_48 : vector<16xf32>
      %get3A_50 = arith.constant 4 : i32
      %get3A_51 = arith.index_cast %get3A_50 : i32 to index
      %get3A_52 = arith.constant 16 : index
      %get3A_53 = tpu.vector_load %arg14[%get3A_51, %get3A_52] {strides = array<i32>} : memref<16x128xf32, #tpu.memory_space<vmem>>, vector<16xf32>,
      %add3A_54 = arith.addf %add3A_44, %get3A_53 : vector<16xf32>
      %get3A_55 = arith.constant 5 : i32
      %get3A_56 = arith.index_cast %get3A_55 : i32 to index
      %get3A_57 = arith.constant 0 : index
      %get3A_58 = tpu.vector_load %arg14[%get3A_56, %get3A_57] {strides = array<i32>} : memref<16x128xf32, #tpu.memory_space<vmem>>, vector<16xf32>,
      %add3A_59 = arith.addf %add3A_49, %get3A_58 : vector<16xf32>
      %get3A_60 = arith.constant 5 : i32
      %get3A_61 = arith.index_cast %get3A_60 : i32 to index
      %get3A_62 = arith.constant 16 : index
      %get3A_63 = tpu.vector_load %arg14[%get3A_61, %get3A_62] {strides = array<i32>} : memref<16x128xf32, #tpu.memory_space<vmem>>, vector<16xf32>,
      %add3A_64 = arith.addf %add3A_54, %get3A_63 : vector<16xf32>
      %get3A_65 = arith.constant 6 : i32
      %get3A_66 = arith.index_cast %get3A_65 : i32 to index
      %get3A_67 = arith.constant 0 : index
      %get3A_68 = tpu.vector_load %arg14[%get3A_66, %get3A_67] {strides = array<i32>} : memref<16x128xf32, #tpu.memory_space<vmem>>, vector<16xf32>,
      %add3A_69 = arith.addf %add3A_59, %get3A_68 : vector<16xf32>
      %get3A_70 = arith.constant 6 : i32
      %get3A_71 = arith.index_cast %get3A_70 : i32 to index
      %get3A_72 = arith.constant 16 : index
      %get3A_73 = tpu.vector_load %arg14[%get3A_71, %get3A_72] {strides = array<i32>} : memref<16x128xf32, #tpu.memory_space<vmem>>, vector<16xf32>,
      %add3A_74 = arith.addf %add3A_64, %get3A_73 : vector<16xf32>
      %get3A_75 = arith.constant 7 : i32
      %get3A_76 = arith.index_cast %get3A_75 : i32 to index
      %get3A_77 = arith.constant 0 : index
      %get3A_78 = tpu.vector_load %arg14[%get3A_76, %get3A_77] {strides = array<i32>} : memref<16x128xf32, #tpu.memory_space<vmem>>, vector<16xf32>,
      %add3A_79 = arith.addf %add3A_69, %get3A_78 : vector<16xf32>
      %get3A_80 = arith.constant 7 : i32
      %get3A_81 = arith.index_cast %get3A_80 : i32 to index
      %get3A_82 = arith.constant 16 : index
      %get3A_83 = tpu.vector_load %arg14[%get3A_81, %get3A_82] {strides = array<i32>} : memref<16x128xf32, #tpu.memory_space<vmem>>, vector<16xf32>,
      %add3A_84 = arith.addf %add3A_74, %get3A_83 : vector<16xf32>
      %get3A_85 = arith.constant 8 : i32
      %get3A_86 = arith.index_cast %get3A_85 : i32 to index
      %get3A_87 = arith.constant 0 : index
      %get3A_88 = tpu.vector_load %arg14[%get3A_86, %get3A_87] {strides = array<i32>} : memref<16x128xf32, #tpu.memory_space<vmem>>, vector<16xf32>,
      %add3A_89 = arith.addf %add3A_79, %get3A_88 : vector<16xf32>
      %get3A_90 = arith.constant 8 : i32
      %get3A_91 = arith.index_cast %get3A_90 : i32 to index
      %get3A_92 = arith.constant 16 : index
      %get3A_93 = tpu.vector_load %arg14[%get3A_91, %get3A_92] {strides = array<i32>} : memref<16x128xf32, #tpu.memory_space<vmem>>, vector<16xf32>,
      %add3A_94 = arith.addf %add3A_84, %get3A_93 : vector<16xf32>
      %get3A_95 = arith.constant 9 : i32
      %get3A_96 = arith.index_cast %get3A_95 : i32 to index
      %get3A_97 = arith.constant 0 : index
      %get3A_98 = tpu.vector_load %arg14[%get3A_96, %get3A_97] {strides = array<i32>} : memref<16x128xf32, #tpu.memory_space<vmem>>, vector<16xf32>,
      %add3A_99 = arith.addf %add3A_89, %get3A_98 : vector<16xf32>
      %get3A_100 = arith.constant 9 : i32
      %get3A_101 = arith.index_cast %get3A_100 : i32 to index
      %get3A_102 = arith.constant 16 : index
      %get3A_103 = tpu.vector_load %arg14[%get3A_101, %get3A_102] {strides = array<i32>} : memref<16x128xf32, #tpu.memory_space<vmem>>, vector<16xf32>,
      %add3A_104 = arith.addf %add3A_94, %get3A_103 : vector<16xf32>
      %get3A_105 = arith.constant 10 : i32
      %get3A_106 = arith.index_cast %get3A_105 : i32 to index
      %get3A_107 = arith.constant 0 : index
      %get3A_108 = tpu.vector_load %arg14[%get3A_106, %get3A_107] {strides = array<i32>} : memref<16x128xf32, #tpu.memory_space<vmem>>, vector<16xf32>,
      %add3A_109 = arith.addf %add3A_99, %get3A_108 : vector<16xf32>
      %get3A_110 = arith.constant 10 : i32
      %get3A_111 = arith.index_cast %get3A_110 : i32 to index
      %get3A_112 = arith.constant 16 : index
      %get3A_113 = tpu.vector_load %arg14[%get3A_111, %get3A_112] {strides = array<i32>} : memref<16x128xf32, #tpu.memory_space<vmem>>, vector<16xf32>,
      %add3A_114 = arith.addf %add3A_104, %get3A_113 : vector<16xf32>
      %get3A_115 = arith.constant 11 : i32
      %get3A_116 = arith.index_cast %get3A_115 : i32 to index
      %get3A_117 = arith.constant 0 : index
      %get3A_118 = tpu.vector_load %arg14[%get3A_116, %get3A_117] {strides = array<i32>} : memref<16x128xf32, #tpu.memory_space<vmem>>, vector<16xf32>,
      %add3A_119 = arith.addf %add3A_109, %get3A_118 : vector<16xf32>
      %get3A_120 = arith.constant 11 : i32
      %get3A_121 = arith.index_cast %get3A_120 : i32 to index
      %get3A_122 = arith.constant 16 : index
      %get3A_123 = tpu.vector_load %arg14[%get3A_121, %get3A_122] {strides = array<i32>} : memref<16x128xf32, #tpu.memory_space<vmem>>, vector<16xf32>,
      %add3A_124 = arith.addf %add3A_114, %get3A_123 : vector<16xf32>
      %reduce_sum3A = arith.constant true
      %reduce_sum3A_125 = vector.broadcast %reduce_sum3A : i1 to vector<16xi1>
      %reduce_sum3A_126 = tpu.scan <sum>, %add3A_119 masked %reduce_sum3A_125 : vector<16xf32>, vector<16xi1> -> vector<16xf32>
      %reduce_sum3A_127 = vector.extract %reduce_sum3A_126[15] : f32 from vector<16xf32>
      %broadcast_in_dim3A_128 = vector.broadcast %reduce_sum3A_127 : f32 to vector<16xf32>
      %reduce_sum3A_129 = arith.constant true
      %reduce_sum3A_130 = vector.broadcast %reduce_sum3A_129 : i1 to vector<16xi1>
      %reduce_sum3A_131 = tpu.scan <sum>, %add3A_124 masked %reduce_sum3A_130 : vector<16xf32>, vector<16xi1> -> vector<16xf32>
      %reduce_sum3A_132 = vector.extract %reduce_sum3A_131[15] : f32 from vector<16xf32>
      %broadcast_in_dim3A_133 = vector.broadcast %reduce_sum3A_132 : f32 to vector<16xf32>
      %sub3A = arith.constant 1.920000e+03 : f32
      %sub3A_134 = vector.broadcast %sub3A : f32 to vector<16xf32>
      %sub3A_135 = arith.subf %sub3A_134, %broadcast_in_dim3A_128 : vector<16xf32>
      %mul3A = arith.constant 5.000000e-01 : f32
      %mul3A_136 = vector.broadcast %mul3A : f32 to vector<16xf32>
      %mul3A_137 = arith.mulf %mul3A_136, %sub3A_135 : vector<16xf32>
      %mul3A_138 = arith.constant 1.000000e-01 : f32
      %mul3A_139 = vector.broadcast %mul3A_138 : f32 to vector<16xf32>
      %mul3A_140 = arith.mulf %mul3A_139, %broadcast_in_dim3A_133 : vector<16xf32>
      %iota3A = tpu.iota {dimensions = array<i32: 0>} : vector<16xi32>
      %eq3A_141 = arith.constant 0 : i32
      %eq3A_142 = vector.broadcast %eq3A_141 : i32 to vector<16xi32>
      %eq3A_143 = arith.cmpi eq, %iota3A, %eq3A_142 : vector<16xi32>
      %eq3A_144 = arith.constant 1 : i32
      %eq3A_145 = vector.broadcast %eq3A_144 : i32 to vector<16xi32>
      %eq3A_146 = arith.cmpi eq, %iota3A, %eq3A_145 : vector<16xi32>
      %select_n3A = arith.select %eq3A_146, %mul3A_140, %broadcast_in_dim3A_0 : vector<16xi1>, vector<16xf32>
      %select_n3A_147 = arith.select %eq3A_143, %mul3A_137, %select_n3A : vector<16xi1>, vector<16xf32>
      %swap3A = arith.constant 0 : index
      %swap3A_148 = tpu.vector_load %arg15[%swap3A] {strides = array<i32>} : memref<16xf32, #tpu.memory_space<vmem>>, vector<16xf32>,
      tpu.vector_store %arg15[%swap3A], %select_n3A_147 {strides = array<i32>} : memref<16xf32, #tpu.memory_space<vmem>>, vector<16xf32>,
      "tpu.region"() ({
        %run_scoped3A = tpu.sem_alloc : memref<!tpu.dma_semaphore, #tpu.memory_space<semaphore_mem>>
        %dma_start3A = arith.constant 0 : i32
        %dma_start3A_149 = tpu.memref_slice %arg5[%arg0, %dma_start3A] : memref<2x16xf32, #tpu.memory_space<hbm>> -> memref<1x16xf32, #tpu.memory_space<hbm>>
        %dma_start3A_150 = tpu.memref_squeeze %dma_start3A_149 : memref<1x16xf32, #tpu.memory_space<hbm>> -> memref<16xf32, #tpu.memory_space<hbm>>
        %dma_start3A_151 = arith.constant 0 : i32
        %dma_start3A_152 = tpu.memref_slice %arg5[%arg0, %dma_start3A_151] : memref<2x16xf32, #tpu.memory_space<hbm>> -> memref<1x16xf32, #tpu.memory_space<hbm>>
        %dma_start3A_153 = tpu.memref_squeeze %dma_start3A_152 : memref<1x16xf32, #tpu.memory_space<hbm>> -> memref<16xf32, #tpu.memory_space<hbm>>
        tpu.enqueue_dma source(%arg15 : memref<16xf32, #tpu.memory_space<vmem>>) target(%dma_start3A_153 : memref<16xf32, #tpu.memory_space<hbm>>) target_semaphore(%run_scoped3A : memref<!tpu.dma_semaphore, #tpu.memory_space<semaphore_mem>>)
        %dma_wait3A = arith.constant 0 : i32
        %dma_wait3A_154 = tpu.memref_slice %arg5[%arg0, %dma_wait3A] : memref<2x16xf32, #tpu.memory_space<hbm>> -> memref<1x16xf32, #tpu.memory_space<hbm>>
        %dma_wait3A_155 = tpu.memref_squeeze %dma_wait3A_154 : memref<1x16xf32, #tpu.memory_space<hbm>> -> memref<16xf32, #tpu.memory_space<hbm>>
        %dma_wait3A_156 = arith.constant 0 : i32
        %dma_wait3A_157 = tpu.memref_slice %arg5[%arg0, %dma_wait3A_156] : memref<2x16xf32, #tpu.memory_space<hbm>> -> memref<1x16xf32, #tpu.memory_space<hbm>>
        %dma_wait3A_158 = tpu.memref_squeeze %dma_wait3A_157 : memref<1x16xf32, #tpu.memory_space<hbm>> -> memref<16xf32, #tpu.memory_space<hbm>>
        tpu.wait_dma2 semaphore(%run_scoped3A : memref<!tpu.dma_semaphore, #tpu.memory_space<semaphore_mem>>) src(%arg15 : memref<16xf32, #tpu.memory_space<vmem>>) dst(%dma_wait3A_158 : memref<16xf32, #tpu.memory_space<hbm>>)
        tpu.yield
      }) : () -> ()
    } else {
    }
    return
  }
}

module attributes {stable_mosaic.version = 14 : i64} {
  func.func @_bcast_body(%arg0: i32, %arg1: memref<1x1x5x8x768xf32, #tpu.memory_space<vmem>>, %arg2: memref<1x64x40x768xf32, #tpu.memory_space<vmem>>) attributes {dimension_semantics = [#tpu.dimension_semantics<arbitrary>], iteration_bounds = array<i64: 12>, scalar_prefetch = 0 : i64, scratch_operands = 0 : i64, tpu.core_type = #tpu.core_type<tc>, window_params = [{transform_indices = @transform_0, window_bounds = array<i64: 1, 1, 5, 8, 768>}, {transform_indices = @transform_1, window_bounds = array<i64: 1, 64, 40, 768>}]} {
    %get3A = arith.constant 0 : index
    %get3A_0 = arith.constant 0 : index
    %get3A_1 = arith.constant 0 : index
    %get3A_2 = arith.constant 0 : index
    %get3A_3 = arith.constant 0 : index
    %get3A_4 = vector.load %arg1[%get3A, %get3A_0, %get3A_1, %get3A_2, %get3A_3] : memref<1x1x5x8x768xf32, #tpu.memory_space<vmem>>, vector<1x1x5x8x768xf32>
    %get3A_5 = vector.shape_cast %get3A_4 : vector<1x1x5x8x768xf32> to vector<5x8x768xf32>
    %reshape3A = vector.shape_cast %get3A_5 : vector<5x8x768xf32> to vector<1x40x768xf32>
    %broadcast_in_dim3A = vector.shape_cast %reshape3A : vector<1x40x768xf32> to vector<1x1x40x768xf32>
    %broadcast_in_dim3A_6 = vector.broadcast %broadcast_in_dim3A : vector<1x1x40x768xf32> to vector<1x64x40x768xf32>
    %swap3A = arith.constant 0 : index
    %swap3A_7 = arith.constant 0 : index
    %swap3A_8 = arith.constant 0 : index
    %swap3A_9 = arith.constant 0 : index
    %swap3A_10 = vector.load %arg2[%swap3A, %swap3A_7, %swap3A_8, %swap3A_9] : memref<1x64x40x768xf32, #tpu.memory_space<vmem>>, vector<1x64x40x768xf32>
    tpu.vector_store %arg2[%swap3A, %swap3A_7, %swap3A_8, %swap3A_9], %broadcast_in_dim3A_6 {strides = array<i32>} : memref<1x64x40x768xf32, #tpu.memory_space<vmem>>, vector<1x64x40x768xf32>,
    return
  }
  func.func @transform_0(%arg0: i32) -> (i32, i32, i32, i32, i32) {
    %c0_i32 = arith.constant 0 : i32
    %c0_i32_0 = arith.constant 0 : i32
    %c0_i32_1 = arith.constant 0 : i32
    %c0_i32_2 = arith.constant 0 : i32
    %c0_i32_3 = arith.constant 0 : i32
    return %arg0, %c0_i32, %c0_i32_0, %c0_i32_1, %c0_i32_2 : i32, i32, i32, i32, i32
  }
  func.func @transform_1(%arg0: i32) -> (i32, i32, i32, i32) {
    %c0_i32 = arith.constant 0 : i32
    %c0_i32_0 = arith.constant 0 : i32
    %c0_i32_1 = arith.constant 0 : i32
    %c0_i32_2 = arith.constant 0 : i32
    return %arg0, %c0_i32, %c0_i32_0, %c0_i32_1 : i32, i32, i32, i32
  }
}

</mosaic_0001>

<sc_bundles>
// kernel: kernel.4.cloned.1.call-start
scs
__scs_entry_jumppad:
0x0: {  	(pc) =	sbr.rel $0x88, $3  }
0x1: {  	(tag) =	ssettag $0x0;
	lr =	simm.s32 $0x1  }
0x2: {  	[smem:$0x3F9D] =	sst lr;
	_ =	strace $0xD0000000  }
0x3: {  	_ = 	snop  }
0x4: {  	_ = 	snop  }
0x5: {  	_ = 	snop  }
0x6: {  	_ = 	snop  }
0x7: {  	_ = 	snop  }
__scs_overlays_trampoline_lowered:
0x8: {  	[smem:$0x3FAC] =	sst s0  }
0x9: {  	[smem:$0x3FAD] =	sst s1  }
0xa: {  	[smem:$0x3FAE] =	sst s2  }
0xb: {  	[smem:$0x3FAF] =	sst s3  }
0xc: {  	[smem:$0x3FB0] =	sst s4  }
0xd: {  	[smem:$0x3FB1] =	sst s5  }
0xe: {  	[smem:$0x3FB2] =	sst s6  }
0xf: {  	[smem:$0x3FB3] =	sst s7  }
0x10: {  	[smem:$0x3FB4] =	sst s8  }
0x11: {  	[smem:$0x3FB5] =	sst s9;
	s0 =	simm.s32 @!p0 $0x0  }
0x12: {  	s1 =	sld [smem:$0x3F9B];
	s0 =	simm.s32 @p0 $0x1  }
0x13: {  	[smem:$0x3FB6] =	sst s0;
	s0 =	simm.s32 @!p1 $0x0  }
0x14: {  	s2 =	sld [smem:$0x3F9A];
	s0 =	simm.s32 @p1 $0x1  }
0x15: {  	[smem:$0x3FB7] =	sst s0;
	s0 =	simm.s32 @!p2 $0x0  }
0x16: {  	s3 =	sld [smem:$0x3FDB];
	s0 =	simm.s32 @p2 $0x1  }
0x17: {  	s4 =	simm.s32 $0x1BF5;
	[smem:$0x3FB9] =	sst s0  }
0x18: {  	s0 =	sld [smem:$0x3F9C];
	_ =	swait.ge [sflag:s4], $0x0  }
0x19: {  	s7 =	sld [smem:$0x3F9D]  }
0x1a: {  	s8 =	sadd.s32 $0xFFFFE003, lr  }
0x1b: {  	s9 =	sadd.s32 $0xFFFFFEF7, lr;
	s5 =	simm.s32 $0xFFFFFFFF;
	p2 =	slt.u32 s8, $0xFFFFF086  }
0x1c: {  	p1 =	slt.u32 s9, $0xF7A;
	s5 =	simm.s32 @!p2 $0x0  }
0x1d: {  	s5 =	simm.s32 @p1 $0x1;
	p0 =	seq.s32 s7, s2  }
0x1e: {  	s7 =	smul.u32 @!p0 $0xF7A, s2;
	p2 =	seq.s32 @!p0 s5, $0x0  }
0x1f: {  	s9 =	smul.u32 $0xF7A, s1;
	s8 =	simm.s32 @!p0 $0x1BF5;
	p2 =	por !p2, p0  }
0x20: {  	[sflag:s8] =	ssyncset.s32 @!p0 $0xFFFFF086;
	s6 =	sadd.s32 @!p0 s3, s7;
	s7 =	simm.s32 @!p0 $0x108  }
0x21: {  	s3 =	sadd.s32 s3, s9;
	s6 =	sadd.s32 @!p0 $0x88, s6;
	s7 =	simm.s32 @p2 $0x1082  }
0x22: {  	[simem:s7], [sflag:s8] =	dma.local @!p0 [hbm:s6], $0xF7A  }
0x23: {  	s9 =	sor.u32 $0xD0000000, s2;
	s6 =	simm.s32 $0x108;
	_ =	swait.ge @!p0 [sflag:s8], $0x0  }
0x24: {  	s3 =	sadd.s32 $0x88, s3;
	s6 =	simm.s32 @!p1 $0x1082;
	[sflag:s4] =	ssyncset.s32 $0xFFFFF086  }
0x25: {  	[simem:s6], [sflag:s4] =	dma.local [hbm:s3], $0xF7A  }
0x26: {  	[smem:$0x3F9D] =	sst s1;
	(tag) =	ssettag s2;
	_ =	strace s9  }
0x27: {  	s1 =	sld [smem:$0x3FAD]  }
0x28: {  	s2 =	sld [smem:$0x3FAE]  }
0x29: {  	s4 =	sld [smem:$0x3FB0]  }
0x2a: {  	p0 =	seq.s32 s5, $0x0;
	s5 =	sld [smem:$0x3FB1]  }
0x2b: {  	s6 =	sld [smem:$0x3FB2]  }
0x2c: {  	s7 =	sld [smem:$0x3FB3]  }
0x2d: {  	s3 =	simm.s32 $0x108;
	s8 =	sld [smem:$0x3FB4]  }
0x2e: {  	s3 =	simm.s32 @!p0 $0x1082;
	s9 =	sld [smem:$0x3FB5]  }
0x2f: {  	lr =	sadd.s32 s0, s3;
	s0 =	sld [smem:$0x3FAC]  }
0x30: {  	s3 =	sld [smem:$0x3FAF]  }
0x31: {  	[smem:$0x3FB8] =	sst s10  }
0x32: {  	s10 =	sld [smem:$0x3FB6];
	_ =	sdelay $0x3  }
0x33: {  	p0 =	seq.s32 s10, $0x1;
	s10 =	sld [smem:$0x3FB8];
	_ =	sdelay $0x3  }
0x34: {  	[smem:$0x3FB8] =	sst s10  }
0x35: {  	s10 =	sld [smem:$0x3FB7];
	_ =	sdelay $0x3  }
0x36: {  	p1 =	seq.s32 s10, $0x1;
	s10 =	sld [smem:$0x3FB8];
	_ =	sdelay $0x3  }
0x37: {  	[smem:$0x3FB8] =	sst s10  }
0x38: {  	s10 =	sld [smem:$0x3FB9]  }
0x39: {  	_ = 	snop;
	(pc) =	sbr.ind lr, $3  }
0x3a: {  	_ = 	snop  }
0x3b: {  	_ = 	snop  }
0x3c: {  	p2 =	seq.s32 s10, $0x1;
	s10 =	sld [smem:$0x3FB8]  }
0x3d: {  	_ =	shalt  }
0x3e: {  	_ =	shalt  }
0x3f: {  	_ =	shalt  }
0x40: {  	_ =	shalt  }
0x41: {  	_ =	shalt  }
0x42: {  	_ =	shalt  }
0x43: {  	_ =	shalt  }
0x44: {  	_ =	shalt  }
0x45: {  	_ =	shalt  }
0x46: {  	_ =	shalt  }
0x47: {  	_ =	shalt  }
0x48: {  	_ =	shalt  }
0x49: {  	_ =	shalt  }
0x4a: {  	_ =	shalt  }
0x4b: {  	_ =	shalt  }
0x4c: {  	_ =	shalt  }
0x4d: {  	_ =	shalt  }
0x4e: {  	_ =	shalt  }
0x4f: {  	_ =	shalt  }
0x50: {  	_ =	shalt  }
0x51: {  	_ =	shalt  }
0x52: {  	_ =	shalt  }
0x53: {  	_ =	shalt  }
0x54: {  	_ =	shalt  }
0x55: {  	_ =	shalt  }
0x56: {  	_ =	shalt  }
0x57: {  	_ =	shalt  }
0x58: {  	_ =	shalt  }
0x59: {  	_ =	shalt  }
0x5a: {  	_ =	shalt  }
0x5b: {  	_ =	shalt  }
0x5c: {  	_ =	shalt  }
0x5d: {  	_ =	shalt  }
0x5e: {  	_ =	shalt  }
0x5f: {  	_ =	shalt  }
0x60: {  	_ =	shalt  }
0x61: {  	_ =	shalt  }
0x62: {  	_ =	shalt  }
0x63: {  	_ =	shalt  }
0x64: {  	_ =	shalt  }
0x65: {  	_ =	shalt  }
0x66: {  	_ =	shalt  }
0x67: {  	_ =	shalt  }
0x68: {  	_ =	shalt  }
0x69: {  	_ =	shalt  }
0x6a: {  	_ =	shalt  }
0x6b: {  	_ =	shalt  }
0x6c: {  	_ =	shalt  }
0x6d: {  	_ =	shalt  }
0x6e: {  	_ =	shalt  }
0x6f: {  	_ =	shalt  }
0x70: {  	_ =	shalt  }
0x71: {  	_ =	shalt  }
0x72: {  	_ =	shalt  }
0x73: {  	_ =	shalt  }
0x74: {  	_ =	shalt  }
0x75: {  	_ =	shalt  }
0x76: {  	_ =	shalt  }
0x77: {  	_ =	shalt  }
0x78: {  	_ =	shalt  }
0x79: {  	_ =	shalt  }
0x7a: {  	_ =	shalt  }
0x7b: {  	_ =	shalt  }
0x7c: {  	_ =	shalt  }
0x7d: {  	_ =	shalt  }
0x7e: {  	_ =	shalt  }
0x7f: {  	_ =	shalt  }
0x80: {  	_ =	shalt  }
0x81: {  	_ =	shalt  }
0x82: {  	_ =	shalt  }
0x83: {  	_ =	shalt  }
0x84: {  	_ =	shalt  }
0x85: {  	_ =	shalt  }
0x86: {  	_ =	shalt  }
0x87: {  	_ =	shalt  }
.Lfunc_end0:
.L_simem_size_0:
called_computation_lowered:
.L_overlay_start_0:
0x88: {  	s2 =	sld [smem:$0x3FD9]  }
0x89: {  	s3 =	sld [smem:$0x3FFE];
	_ =	sdelay $0x1  }
0x8a: {  	s1 =	srdreg.scid  }
0x8b: {  	s0 =	sand.u32 $0x1, s1  }
0x8c: {  	s16 =	sshll.u32 s0, $0xA;
	s2 =	sadd.s32 s3, s2  }
0x8d: {  	s2 =	sadd.s32 s2, s16  }
0x8e: {  	[smem:$0x3FC4] =	sst s2  }
0x8f: {  	_ = 	snop  }
0x90: {  	(tm) =	ssettm $0x1  }
0x91: {  	s17 =	sld [smem:$0x3FFB];
	_ =	sdelay $0x3  }
0x92: {  	_ =	strace s17  }
0x93: {  	s2 =	sld [smem:$0x3FFC];
	_ =	sdelay $0x3  }
0x94: {  	_ =	strace s2  }
0x95: {  	s2 =	sld [smem:$0x3FFD];
	_ =	sdelay $0x3  }
0x96: {  	_ =	strace s2  }
0x97: {  	_ =	strace $0x8FFFFFFF  }
0x98: {  	s18 =	sld [smem:$0x3FDB];
	_ =	sdelay $0x1  }
0x99: {  	s19 =	simm.s32 $_scs_section_size  }
0x9a: {  	s4 =	simm.s32 $_size__tile_overlayer_lowered;
	s5 =	simm.s32 $_tile_overlayer_lowered  }
0x9b: {  	s22 =	simm.s32 $0x1BFF;
	s21 =	sshll.u32 s5, $0x1;
	s2 =	sadd.s32 s19, s18  }
0x9c: {  	s6 =	simm.s32 $0x0;
	s20 =	sshll.u32 s4, $0x1;
	s4 =	sadd.s32 s21, s2  }
0x9d: {  	[timem:s6], [sflag:s22] =	dma.local [hbm:s4], s20  }
0x9e: {  	_ =	swait.ge [sflag:s22], s20  }
0x9f: {  	s3 =	ssub.s32 $0x0, s20;
	[sflag:s22] =	ssyncset.done $0x0  }
0xa0: {  	[sflag:s22] =	ssyncadd.s32 s3;
	_ =	sdelay $0x1  }
0xa1: {  	s23 =	simm.s32 $0x1B8B  }
0xa2: {  	_ =	swait.ge [sflag:s23], $0x1  }
0xa3: {  	[sflag:s23] =	ssyncset.done $0x0  }
0xa4: {  	s25 =	simm.s32 $0x1B8E;
	s24 =	sld [smem:$0x3FFE];
	[sflag:s23] =	ssyncadd.s32 $0xFFFFFFFF  }
0xa5: {  	s26 =	simm.s32 $execute0_lowered;
	[smem:$0x3FD2] =	sst s25  }
0xa6: {  	s4 =	sshll.u32 s26, $0x1;
	_ =	strace $0x80000046;
	[dreg:$0x1] =	wrdreg $0xFFFFFFFF  }
0xa7: {  	s28 =	simm.s32 $_size_execute0_lowered;
	s2 =	sadd.s32 s2, s4;
	[dreg:$0x0] =	wrdreg $0x0  }
0xa8: {  	s4 =	sshll.u32 s28, $0x1;
	[dreg:$0x2] =	wrdreg s2  }
0xa9: {  	[dreg:$0x3] =	wrdreg s4  }
0xaa: {  	[dreg:$0x4] =	wrdreg $0xC0  }
0xab: {  	_ =	task [dreg:s6], $0x5FFFF  }
0xac: {  	[dreg:$0x1] =	wrdreg $0xFFFFFFFF  }
0xad: {  	[dreg:$0x0] =	wrdreg $0x60  }
0xae: {  	[dreg:$0x2] =	wrdreg s24  }
0xaf: {  	[dreg:$0x3] =	wrdreg $0xCB000  }
0xb0: {  	[dreg:$0x4] =	wrdreg $0x9  }
0xb1: {  	_ =	task.clear_ibuf [dreg:s6], $0x5FFFF;
	_ =	strace $0x90000046  }
0xb2: {  	s29 =	simm.s32 $0x9;
	_ =	strace $0x80000048  }
0xb3: {  	_ =	swait.ge [sflag:s29], $0x1  }
0xb4: {  	[sflag:s29] =	ssyncadd.s32 $0xFFFFFFFF  }
0xb5: {  	_ =	strace $0x90000048  }
0xb6: {  	_ =	sfence  }
0xb7: {  	s30 =	sld [smem:$0x0];
	_ =	sdelay $0x2  }
0xb8: {  	s31 =	sshll.u32 s1, $0xD;
	s1 =	sshrl.u32 s1, $0x2  }
0xb9: {  	s3 =	sand.u32 $0x4000, s31;
	s1 =	sadd.s32 s1, s30  }
0xba: {  	s0 =	sor.u32 s3, s0;
	s1 =	sshll.u32 s1, $0x11  }
0xbb: {  	s0 =	sor.u32 s1, s0  }
0xbc: {  	s0 =	sadd.s32 $0x8F2B, s0  }
0xbd: {  	[sflag:s0] =	ssyncadd.remote.s32 $0x1  }
0xbe: {  	_ =	sfence.sel $0xFFFF  }
0xbf: {  	[dreg:$0x0] =	wrdreg $0xFFFFFFFF;
	(pc) =	sbr.abs _section_cstart, $3  }
0xc0: {  	[dreg:$0x1] =	wrdreg $0xFFFFFFFF  }
0xc1: {  	_ =	task.clear_ibuf [dreg:s6], $0x2FFFF;
	_ =	strace $0x9FFFFFFF  }
0xc2: {  	(tm) =	ssettm $0x7FFFFFFF  }
0xc3: {  	_ =	shalt  }
tec
execute0_lowered:
.L_overlay_start_1:
0x0: {  	(tag) =	ssettag $0x1  }
0x1: {  	s0 =	srdreg.scid;
	s4 =	rddreg [dreg:$0x0]  }
0x2: {  	s1 =	stileid.u32;
	s10 =	rddreg [dreg:$0x1];
	s5 =	simm.s32 $0x0  }
0x3: {  	s18 =	simm.s32 $0x5800;
	s20 =	simm.s32 $0x5C00;
	s22 =	simm.s32 $0x1  }
0x4: {  	s28 =	simm.s32 $0xC100;
	s29 =	simm.s32 $0xC200;
	s30 =	simm.s32 $0x0  }
0x5: {  	s0 =	sand.u32 $0x1, s0;
	s3 =	sshrl.u32 s1, $0x3;
	s6 =	sshll.u32 s1, $0x7  }
0x6: {  	[smem:$0x7FF] =	sst s5;
	s24 =	smul.u32 $0x300, s1;
	p0 =	slt.u32 s1, $0xC  }
0x7: {  	v0 =	vimm.f32 $2.500000000e+01;
	p1 =	sne.s32 s1, $0x0;
	s2 =	smul.u32 $0x60000, s0;
	_ =	strace $0x80000047  }
0x8: {  	s3 =	smul.u32 $0x1800, s3;
	s23 =	sand.u32 $0x380, s6;
	s25 =	ssub.s32 $0x2, s0;
	(erf) = vrcp.f32 v0  }
0x9: {  	s26 =	sshll.u32 s0, $0x4;
	s6 =	sadd.s32 s6, s10;
	s10 =	simm.s32 $0x3000  }
0xa: {  	p2 =	seq.s32 s0, $0x0;
	s7 =	sadd.s32 s24, s4;
	s8 =	sshrl.u32 s25, $0x1  }
0xb: {  	s9 =	sadd.s32 s26, s4;
	s24 =	simm.s32 $0x6000;
	s2 =	sor.u32 s2, s3  }
0xc: {  	s26 =	simm.s32 $0xC000;
	s8 =	ssub.s32 s25, s8;
	s2 =	sor.u32 s23, s2  }
0xd: {  	s5 =	sadd.s32 $0x18800, s7;
	s31 =	sadd.s32 $0x1D000, s9;
	s2 =	sshrl.u32 s2, $0x3  }
.Ltmp0:
0xe: {  	s9 =	simm.s32 $0x80;
	s2 =	sadd.s32 s2, s4;
	(pc) =	sbr.rel .LBB2_1-.Ltmp0, $4  }
0xf: {  	s25 =	simm.s32 $0x7800;
	[dreg:$0x3] =	wrdreg s31;
	s3 =	sadd.s32 $0x800, s2  }
0x10: {  	s8 =	smax.u32 s8, $0x1;
	s4 =	sadd.s32 $0x1AC00, s7;
	s11 =	sadd.s32 $0x80, s3  }
0x11: {  	vm0 =	vmxor vm0, vm0;
	vm1 =	vcmask $0x704;
	s13 =	sadd.s32 $0x100, s3;
	s15 =	sadd.s32 $0x180, s3;
	s17 =	sadd.s32 $0x200, s3;
	v0 =	vpop (erf)  }
0x12: {  	vm2 =	vcmask $0x3F04;
	vm3 =	vmmov $0x1;
	vm0 =	vmneg @p2 vm0;
	s19 =	sadd.s32 $0x280, s3;
	s21 =	sadd.s32 $0x3000, s3;
	s23 =	sadd.s32 $0x3080, s3;
	[tilespmem:$0x1FFF0] =	vst v0  }
.LBB2_2:
0x13: {  	[bflag:$0x0] =	sbarrier.arrive $0xFFFF  }
.LBB2_15:
0x14: {  	s30 =	sadd.s32 $0x1, s30  }
0x15: {  	p2 =	sne.s32 s30, s8  }
.Ltmp1:
0x16: {  	_ = 	snop;
	(pc) =	sbr.rel @!p2 .LBB2_16-.Ltmp1, $1  }
0x17: {  	_ =	sdelay $0x3  }
.LBB2_1:
.Ltmp2:
0x18: {  	(pc) =	sbr.rel @!p0 .LBB2_2-.Ltmp2, $1  }
0x19: {  	_ =	sdelay $0x3  }
0x1a: {  	s31 =	simm.s32 $0x0  }
0x1b: {  	[tilespmem:s31], [sflag:$0x1] =	stream.strided.gather [hbm4b:s3+s9], $0x400, s10, s9, $0x38;
	[tilespmem:$0xCB80] =	vst v63  }
0x1c: {  	s0 =	simm.s32 $0x400  }
0x1d: {  	[tilespmem:s0], [sflag:$0x1] =	stream.strided.gather [hbm4b:s11+s9], $0x400, s10, s9, $0x38;
	[tilespmem:$0xCB80] =	vst v63  }
0x1e: {  	s16 =	simm.s32 $0x800  }
0x1f: {  	[tilespmem:s16], [sflag:$0x1] =	stream.strided.gather [hbm4b:s13+s9], $0x400, s10, s9, $0x38;
	[tilespmem:$0xCB80] =	vst v63  }
0x20: {  	s1 =	simm.s32 $0xC00  }
0x21: {  	[tilespmem:s1], [sflag:$0x1] =	stream.strided.gather [hbm4b:s15+s9], $0x400, s10, s9, $0x38;
	[tilespmem:$0xCB80] =	vst v63  }
0x22: {  	s2 =	simm.s32 $0x1000  }
0x23: {  	[tilespmem:s2], [sflag:$0x1] =	stream.strided.gather [hbm4b:s17+s9], $0x400, s10, s9, $0x38;
	[tilespmem:$0xCB80] =	vst v63  }
0x24: {  	s7 =	simm.s32 $0x1400  }
0x25: {  	[tilespmem:s7], [sflag:$0x1] =	stream.strided.gather [hbm4b:s19+s9], $0x400, s10, s9, $0x38;
	[tilespmem:$0xCB80] =	vst v63  }
0x26: {  	s12 =	simm.s32 $0x1800  }
0x27: {  	[tilespmem:s12], [sflag:$0x1] =	stream.strided.gather [hbm4b:s21+s9], $0x400, s10, s9, $0x38;
	[tilespmem:$0xCB80] =	vst v63  }
0x28: {  	s14 =	simm.s32 $0x1C00  }
0x29: {  	[tilespmem:s14], [sflag:$0x1] =	stream.strided.gather [hbm4b:s23+s9], $0x400, s10, s9, $0x38;
	[tilespmem:$0xCB80] =	vst v63  }
0x2a: {  	s16 =	sadd.s32 $0x3100, s3;
	s1 =	simm.s32 $0x2000  }
0x2b: {  	[tilespmem:s1], [sflag:$0x1] =	stream.strided.gather [hbm4b:s16+s9], $0x400, s10, s9, $0x38;
	[tilespmem:$0xCB80] =	vst v63  }
0x2c: {  	s2 =	simm.s32 $0x2400;
	s1 =	sadd.s32 $0x3180, s3  }
0x2d: {  	[tilespmem:s2], [sflag:$0x1] =	stream.strided.gather [hbm4b:s1+s9], $0x400, s10, s9, $0x38;
	[tilespmem:$0xCB80] =	vst v63  }
0x2e: {  	s7 =	sadd.s32 $0x3200, s3;
	s12 =	simm.s32 $0x2800  }
0x2f: {  	[tilespmem:s12], [sflag:$0x1] =	stream.strided.gather [hbm4b:s7+s9], $0x400, s10, s9, $0x38;
	[tilespmem:$0xCB80] =	vst v63  }
0x30: {  	s14 =	sadd.s32 $0x3280, s3;
	s16 =	simm.s32 $0x2C00  }
0x31: {  	[tilespmem:s16], [sflag:$0x1] =	stream.strided.gather [hbm4b:s14+s9], $0x400, s10, s9, $0x38;
	[tilespmem:$0xCB80] =	vst v63  }
0x32: {  	s2 =	sadd.s32 $0x6000, s3  }
0x33: {  	[tilespmem:s10], [sflag:$0x1] =	stream.strided.gather [hbm4b:s2+s9], $0x400, s10, s9, $0x38;
	[tilespmem:$0xCB80] =	vst v63  }
0x34: {  	s7 =	sadd.s32 $0x6080, s3;
	s12 =	simm.s32 $0x3400  }
0x35: {  	[tilespmem:s12], [sflag:$0x1] =	stream.strided.gather [hbm4b:s7+s9], $0x400, s10, s9, $0x38;
	[tilespmem:$0xCB80] =	vst v63  }
0x36: {  	s14 =	sadd.s32 $0x6100, s3;
	s16 =	simm.s32 $0x3800  }
0x37: {  	[tilespmem:s16], [sflag:$0x1] =	stream.strided.gather [hbm4b:s14+s9], $0x400, s10, s9, $0x38;
	[tilespmem:$0xCB80] =	vst v63  }
0x38: {  	s1 =	sadd.s32 $0x6180, s3;
	s2 =	simm.s32 $0x3C00  }
0x39: {  	[tilespmem:s2], [sflag:$0x1] =	stream.strided.gather [hbm4b:s1+s9], $0x400, s10, s9, $0x38;
	[tilespmem:$0xCB80] =	vst v63  }
0x3a: {  	s7 =	sadd.s32 $0x6200, s3;
	s12 =	simm.s32 $0x4000  }
0x3b: {  	[tilespmem:s12], [sflag:$0x1] =	stream.strided.gather [hbm4b:s7+s9], $0x400, s10, s9, $0x38;
	[tilespmem:$0xCB80] =	vst v63  }
0x3c: {  	s14 =	sadd.s32 $0x6280, s3;
	s16 =	simm.s32 $0x4400  }
0x3d: {  	[tilespmem:s16], [sflag:$0x1] =	stream.strided.gather [hbm4b:s14+s9], $0x400, s10, s9, $0x38;
	[tilespmem:$0xCB80] =	vst v63  }
0x3e: {  	s1 =	sadd.s32 $0x9000, s3;
	s2 =	simm.s32 $0x4800  }
0x3f: {  	[tilespmem:s2], [sflag:$0x1] =	stream.strided.gather [hbm4b:s1+s9], $0x400, s10, s9, $0x38;
	[tilespmem:$0xCB80] =	vst v63  }
0x40: {  	s7 =	sadd.s32 $0x9080, s3;
	s12 =	simm.s32 $0x4C00  }
0x41: {  	[tilespmem:s12], [sflag:$0x1] =	stream.strided.gather [hbm4b:s7+s9], $0x400, s10, s9, $0x38;
	[tilespmem:$0xCB80] =	vst v63  }
0x42: {  	s14 =	sadd.s32 $0x9100, s3;
	s16 =	simm.s32 $0x5000  }
0x43: {  	[tilespmem:s16], [sflag:$0x1] =	stream.strided.gather [hbm4b:s14+s9], $0x400, s10, s9, $0x38;
	[tilespmem:$0xCB80] =	vst v63  }
0x44: {  	s1 =	sadd.s32 $0x9180, s3;
	s2 =	simm.s32 $0x5400  }
0x45: {  	[tilespmem:s2], [sflag:$0x1] =	stream.strided.gather [hbm4b:s1+s9], $0x400, s10, s9, $0x38;
	[tilespmem:$0xCB80] =	vst v63  }
0x46: {  	s7 =	sadd.s32 $0x9200, s3  }
0x47: {  	[tilespmem:s18], [sflag:$0x1] =	stream.strided.gather [hbm4b:s7+s9], $0x400, s10, s9, $0x38;
	[tilespmem:$0xCB80] =	vst v63  }
0x48: {  	s12 =	sadd.s32 $0x9280, s3  }
0x49: {  	[tilespmem:s20], [sflag:$0x1] =	stream.strided.gather [hbm4b:s12+s9], $0x400, s10, s9, $0x38;
	[tilespmem:$0xCB80] =	vst v63  }
0x4a: {  	_ =	swait.ge [sflag:s22], $0x6000  }
0x4b: {  	[sflag:s22] =	ssyncset.done $0x0  }
0x4c: {  	[sflag:s22] =	ssyncadd.s32 $0xFFFFA000  }
0x4d: {  	[tilespmem:s24], [sflag:$0x1] =	stream.linear.gather [hbm4b:s4+s31], $0x1800, $0x38;
	[tilespmem:$0xCB80] =	vst v63  }
0x4e: {  	_ =	swait.ge [sflag:s22], $0x1800  }
0x4f: {  	[sflag:s22] =	ssyncset.done $0x0  }
0x50: {  	[sflag:s22] =	ssyncadd.s32 $0xFFFFE800  }
0x51: {  	[tilespmem:s25], [sflag:$0x1] =	stream.linear.gather [hbm4b:s5+s31], $0x1800, $0x38;
	[tilespmem:$0xCB80] =	vst v63  }
0x52: {  	_ =	swait.ge [sflag:s22], $0x1800  }
0x53: {  	s14 =	sand.u32 $0x70, s31;
	s16 =	sand.u32 $0x1C00, s31;
	[sflag:s22] =	ssyncset.done $0x0  }
0x54: {  	s0 =	sor.u32 s14, s16;
	[sflag:s22] =	ssyncadd.s32 $0xFFFFE800  }
0x55: {  	v6 =	vld [tilespmem:s0+$0x6200]  }
0x56: {  	v1 =	vld [tilespmem:s0+$0x7800]  }
0x57: {  	v3 =	vld [tilespmem:s0+$0x6000]  }
0x58: {  	v13 =	vld [tilespmem:s0+$0x7880];
	_ =	sdelay $0x1  }
0x59: {  	v7 =	vld [tilespmem:s0+$0x6080]  }
0x5a: {  	v9 =	vld [tilespmem:s0+$0x7900];
	v4 =	vmul.f32 v6, v6  }
0x5b: {  	v2 =	vimm.f32 $0.0e+00;
	v8 =	vld [tilespmem:s0+$0x6100];
	v5 =	vmul.f32 v1, v1;
	v14 =	vmul.f32 v3, v1  }
0x5c: {  	s2 =	simm.s32 $0x10;
	s1 =	simm.s32 $0x80;
	v11 =	vld [tilespmem:s0+$0x7980];
	v10 =	vmul.f32 v3, v3;
	v15 =	vmul.f32 v13, v13;
	v3 =	vimm.f32 $0.0e+00  }
0x5d: {  	s7 =	sand.u32 $0x70, s2;
	s2 =	simm.s32 $0x20;
	s12 =	sand.u32 $0x1C00, s1;
	v12 =	vld [tilespmem:s0+$0x6180];
	v1 =	vadd.f32 v4, v2;
	[tilespmem:s0+$0xA800] =	vst v5;
	v5 =	vimm.f32 $0.0e+00;
	v4 =	vimm.f32 $0.0e+00  }
.LBB2_4:
0x5e: {  	p2 =	sne.s32 s2, $0x2F0;
	s7 =	sor.u32 s7, s12;
	[tilespmem:s0+$0x9000] =	vst v14;
	v2 =	vadd.f32 v10, v2;
	v10 =	vmul.f32 v7, v13;
	v7 =	vmul.f32 v7, v7;
	v14 =	vld [tilespmem:s0+$0x7A00]  }
0x5f: {  	v16 =	vld [tilespmem:s7+$0x6200];
	[tilespmem:s0+$0xA880] =	vst v15;
	v13 =	vmul.f32 v9, v9  }
0x60: {  	v15 =	vld [tilespmem:s7+$0x7800];
	[tilespmem:s0+$0x9080] =	vst v10;
	v5 =	vadd.f32 v7, v5;
	v7 =	vmul.f32 v8, v9;
	v8 =	vmul.f32 v8, v8  }
0x61: {  	v10 =	vld [tilespmem:s7+$0x6000];
	[tilespmem:s0+$0xA900] =	vst v13;
	v9 =	vmul.f32 v11, v11  }
0x62: {  	v13 =	vld [tilespmem:s7+$0x7880];
	[tilespmem:s0+$0x9100] =	vst v7;
	v4 =	vadd.f32 v8, v4;
	v8 =	vmul.f32 v12, v11;
	v11 =	vmul.f32 v12, v12  }
.Ltmp3:
0x63: {  	v7 =	vld [tilespmem:s7+$0x6080];
	[tilespmem:s0+$0xA980] =	vst v9;
	v12 =	vmul.f32 v6, v14;
	v17 =	vmul.f32 v14, v14;
	(pc) =	sbr.rel @p2 .LBB2_4-.Ltmp3, $4  }
0x64: {  	v9 =	vld [tilespmem:s7+$0x7900];
	v18 =	vmul.f32 v16, v16;
	[tilespmem:s0+$0x9180] =	vst v8;
	v3 =	vadd.f32 v11, v3;
	v6 =	vmov v16  }
0x65: {  	v16 =	vmul.f32 v15, v15;
	v8 =	vld [tilespmem:s7+$0x6100];
	[tilespmem:s0+$0x9200] =	vst v12  }
0x66: {  	s1 =	sadd.s32 $0x80, s1;
	v14 =	vmul.f32 v10, v15;
	v10 =	vmul.f32 v10, v10;
	v11 =	vld [tilespmem:s7+$0x7980];
	v1 =	vadd.f32 v18, v1;
	[tilespmem:s0+$0xAA00] =	vst v17;
	s0 =	smov.u32 s7  }
0x67: {  	s12 =	sand.u32 $0x1C00, s1;
	s7 =	sand.u32 $0x70, s2;
	s2 =	sadd.s32 $0x10, s2;
	[tilespmem:s0+$0xA800] =	vst v16;
	v15 =	vmul.f32 v13, v13;
	v12 =	vld [tilespmem:s0+$0x6180]  }
0x68: {  	[tilespmem:s0+$0x9000] =	vst v14;
	s1 =	sor.u32 s7, s12;
	v58 =	vld [tilespmem:s0+$0x7A00];
	v13 =	vmul.f32 v7, v13  }
0x69: {  	v16 =	vld [tilespmem:s1+$0x6200];
	[tilespmem:s0+$0xA880] =	vst v15;
	v17 =	vmul.f32 v9, v9  }
0x6a: {  	v15 =	vld [tilespmem:s1+$0x7800];
	[tilespmem:s0+$0x9080] =	vst v13;
	v9 =	vmul.f32 v8, v9  }
0x6b: {  	v13 =	vld [tilespmem:s1+$0x6000];
	[tilespmem:s0+$0xA900] =	vst v17;
	v18 =	vmul.f32 v11, v11  }
0x6c: {  	v17 =	vld [tilespmem:s1+$0x7880];
	[tilespmem:s0+$0x9100] =	vst v9;
	v11 =	vmul.f32 v12, v11  }
0x6d: {  	v9 =	vld [tilespmem:s1+$0x6080];
	[tilespmem:s0+$0xA980] =	vst v18;
	v6 =	vmul.f32 v6, v58  }
0x6e: {  	v14 =	vmul.f32 v58, v58;
	v18 =	vld [tilespmem:s1+$0x7900];
	[tilespmem:s0+$0x9180] =	vst v11  }
0x6f: {  	v2 =	vadd.f32 v10, v2;
	v10 =	vmul.f32 v16, v16;
	v11 =	vld [tilespmem:s1+$0x6100];
	[tilespmem:s0+$0x9200] =	vst v6;
	v6 =	vmul.f32 v15, v15  }
0x70: {  	v19 =	vld [tilespmem:s1+$0x7980];
	v15 =	vmul.f32 v13, v15;
	[tilespmem:s0+$0xAA00] =	vst v14  }
0x71: {  	v0 =	vadd.f32 v10, v1;
	[tilespmem:s1+$0xA800] =	vst v6  }
0x72: {  	v6 =	vmul.f32 v17, v17;
	v14 =	vld [tilespmem:s1+$0x6180];
	[tilespmem:s1+$0x9000] =	vst v15  }
0x73: {  	v7 =	vmul.f32 v7, v7;
	v60 =	vld [tilespmem:s1+$0x7A00];
	v59 =	vmul.f32 v9, v17;
	[tilespmem:$0x1FFE0] =	vst v0  }
0x74: {  	v8 =	vmul.f32 v8, v8;
	[tilespmem:s1+$0xA880] =	vst v6;
	v6 =	vmul.f32 v18, v18  }
0x75: {  	v61 =	vmul.f32 v12, v12;
	[tilespmem:s1+$0x9080] =	vst v59;
	v62 =	vmul.f32 v11, v18  }
0x76: {  	v5 =	vadd.f32 v7, v5;
	v7 =	vmul.f32 v13, v13;
	[tilespmem:s1+$0xA900] =	vst v6;
	v6 =	vmul.f32 v19, v19  }
0x77: {  	v4 =	vadd.f32 v8, v4;
	v9 =	vmul.f32 v9, v9;
	[tilespmem:s1+$0x9100] =	vst v62;
	v8 =	vmul.f32 v14, v19  }
0x78: {  	v11 =	vmul.f32 v11, v11;
	v63 =	vmul.f32 v60, v60;
	[tilespmem:s1+$0xA980] =	vst v6  }
0x79: {  	v3 =	vadd.f32 v61, v3;
	v10 =	vmul.f32 v14, v14;
	v6 =	vmul.f32 v16, v60;
	[tilespmem:s1+$0x9180] =	vst v8  }
0x7a: {  	v8 =	vadd.f32 v7, v2;
	v7 =	vadd.f32 v9, v5;
	[tilespmem:s1+$0xAA00] =	vst v63  }
0x7b: {  	v5 =	vadd.f32 v10, v3;
	[tilespmem:s1+$0x9200] =	vst v6;
	v6 =	vadd.f32 v11, v4  }
.LBB2_6:
0x7c: {  	s0 =	sshrl.u32 s31, $0x2  }
0x7d: {  	s1 =	simm.s32 $0x0;
	s0 =	smul.u32 $0x6000, s0  }
0x7e: {  	s2 =	sshll.u32 s31, $0x8;
	s7 =	sand.u32 $0x1C00, s1  }
0x7f: {  	s1 =	sand.u32 $0x70, s1;
	s2 =	sand.u32 $0x300, s2;
	s0 =	sshra.s32 s0, $0x2  }
0x80: {  	s12 =	sor.u32 s1, s7;
	s0 =	sor.u32 s2, s0  }
0x81: {  	v9 =	vld [tilespmem:s12+$0x9100];
	s2 =	sadd.s32 s7, s0  }
0x82: {  	v2 =	vld [tilespmem:s12+$0x9180];
	s1 =	sadd.s32 s1, s2  }
0x83: {  	v12 =	vld [tilespmem:s1+$0x0]  }
0x84: {  	v14 =	vld [tilespmem:s1+$0x80]  }
0x85: {  	v3 =	vld [tilespmem:s12+$0x9200]  }
0x86: {  	v16 =	vld [tilespmem:s12+$0x9000]  }
0x87: {  	v15 =	vld [tilespmem:s12+$0x9080]  }
0x88: {  	v18 =	vmul.f32 v12, v12  }
0x89: {  	v17 =	vld [tilespmem:s12+$0xAA00];
	v4 =	vmul.f32 v2, v12;
	v2 =	vmul.f32 v2, v14  }
0x8a: {  	v19 =	vld [tilespmem:s12+$0xA900];
	v20 =	vmul.f32 v3, v12;
	v11 =	vmul.f32 v9, v14  }
0x8b: {  	v24 =	vld [tilespmem:s12+$0xA980];
	v3 =	vmul.f32 v3, v14;
	v21 =	vmul.f32 v16, v12  }
0x8c: {  	v10 =	vimm.f32 $0.0e+00;
	v23 =	vld [tilespmem:s12+$0xA800];
	v27 =	vmul.f32 v15, v12;
	v31 =	vmul.f32 v14, v14  }
0x8d: {  	s14 =	simm.s32 $0x80;
	v36 =	vimm.f32 $0.0e+00;
	v28 =	vld [tilespmem:s12+$0xA880];
	s7 =	simm.s32 $0x10;
	v16 =	vmul.f32 v16, v14;
	v14 =	vmul.f32 v15, v14  }
0x8e: {  	s2 =	sand.u32 $0x1C00, s14;
	s16 =	sand.u32 $0x70, s7;
	v22 =	vmul.f32 v9, v12;
	v13 =	vadd.f32 v2, v10;
	v11 =	vadd.f32 v11, v10  }
0x8f: {  	s1 =	sor.u32 s16, s2;
	v4 =	vadd.f32 v4, v10;
	v2 =	vadd.f32 v3, v10;
	v32 =	vmul.f32 v17, v18  }
0x90: {  	s2 =	sadd.s32 s2, s0;
	v33 =	vld [tilespmem:s1+$0x9180];
	v3 =	vadd.f32 v20, v10;
	v29 =	vmul.f32 v17, v31;
	v26 =	vadd.f32 v21, v10  }
0x91: {  	s2 =	sadd.s32 s16, s2;
	v30 =	vld [tilespmem:s1+$0x9200];
	v25 =	vadd.f32 v16, v10;
	v9 =	vmul.f32 v23, v31;
	v12 =	vmul.f32 v24, v18  }
0x92: {  	v16 =	vld [tilespmem:s2+$0x0];
	v17 =	vadd.f32 v14, v10;
	v15 =	vmul.f32 v28, v31;
	v14 =	vmul.f32 v19, v18  }
0x93: {  	v21 =	vld [tilespmem:s2+$0x80];
	v20 =	vadd.f32 v27, v10;
	v38 =	vmul.f32 v23, v18;
	v18 =	vmul.f32 v28, v18  }
0x94: {  	v35 =	vld [tilespmem:s1+$0x9080];
	v34 =	vmul.f32 v19, v31;
	v27 =	vadd.f32 v9, v10;
	v14 =	vadd.f32 v14, v10  }
0x95: {  	v28 =	vld [tilespmem:s1+$0x9100];
	v40 =	vmul.f32 v24, v31;
	v9 =	vadd.f32 v12, v10;
	v23 =	vadd.f32 v18, v10  }
0x96: {  	v39 =	vld [tilespmem:s1+$0x9000];
	v31 =	vimm.f32 $0.0e+00;
	v19 =	vadd.f32 v15, v10;
	v15 =	vadd.f32 v34, v10  }
0x97: {  	v24 =	vld [tilespmem:s1+$0xA900];
	v12 =	vadd.f32 v32, v10;
	v18 =	vmul.f32 v16, v16;
	v37 =	vmul.f32 v33, v16  }
0x98: {  	s7 =	simm.s32 $0x100;
	s2 =	simm.s32 $0x20;
	v32 =	vimm.f32 $0.0e+00;
	v41 =	vmul.f32 v33, v21;
	v34 =	vmul.f32 v30, v16;
	v33 =	vld [tilespmem:s1+$0xAA00]  }
.LBB2_7:
0x99: {  	s12 =	sand.u32 $0x1C00, s7  }
0x9a: {  	p2 =	sne.s32 s2, $0x2F0;
	v42 =	vld [tilespmem:s1+$0xA880];
	v43 =	vmul.f32 v28, v21;
	v30 =	vmul.f32 v30, v21;
	v10 =	vadd.f32 v40, v10;
	s14 =	smov.u32 s2;
	s2 =	sadd.s32 $0x10, s2  }
0x9b: {  	v32 =	vadd.f32 v29, v32;
	s14 =	sand.u32 $0x70, s14;
	s16 =	sadd.s32 s12, s0;
	v40 =	vmul.f32 v39, v16;
	v44 =	vld [tilespmem:s1+$0xA980];
	v13 =	vadd.f32 v41, v13  }
0x9c: {  	v45 =	vmul.f32 v35, v16;
	v36 =	vadd.f32 v38, v36;
	s16 =	sadd.s32 s14, s16;
	v41 =	vld [tilespmem:s1+$0xA800];
	s1 =	sor.u32 s14, s12;
	v11 =	vadd.f32 v43, v11  }
0x9d: {  	v4 =	vadd.f32 v37, v4;
	v31 =	vadd.f32 v22, v31;
	v43 =	vmul.f32 v21, v21;
	v38 =	vld [tilespmem:s1+$0x9100]  }
0x9e: {  	v22 =	vmul.f32 v39, v21;
	v2 =	vadd.f32 v30, v2;
	v37 =	vld [tilespmem:s1+$0x9080];
	v46 =	vmul.f32 v33, v18  }
0x9f: {  	v3 =	vadd.f32 v34, v3;
	v21 =	vmul.f32 v35, v21;
	v29 =	vmul.f32 v33, v43;
	v47 =	vld [tilespmem:s1+$0x9180]  }
0xa0: {  	v26 =	vadd.f32 v40, v26;
	v25 =	vadd.f32 v22, v25;
	v22 =	vmul.f32 v28, v16;
	v30 =	vld [tilespmem:s1+$0x9200]  }
0xa1: {  	v17 =	vadd.f32 v21, v17;
	v34 =	vmul.f32 v44, v18;
	v16 =	vld [tilespmem:s16+$0x0];
	v33 =	vmul.f32 v41, v43  }
0xa2: {  	v20 =	vadd.f32 v45, v20;
	v45 =	vmul.f32 v24, v18;
	v40 =	vmul.f32 v42, v43;
	v21 =	vld [tilespmem:s16+$0x80];
	v28 =	vmovc v38  }
.Ltmp4:
0xa3: {  	v38 =	vmul.f32 v41, v18;
	v18 =	vmul.f32 v42, v18;
	v27 =	vadd.f32 v33, v27;
	v35 =	vmovc v37;
	(pc) =	sbr.rel @p2 .LBB2_7-.Ltmp4, $4  }
0xa4: {  	v14 =	vadd.f32 v45, v14;
	v9 =	vadd.f32 v34, v9;
	v33 =	vmul.f32 v24, v43;
	v39 =	vld [tilespmem:s1+$0x9000]  }
0xa5: {  	v19 =	vadd.f32 v40, v19;
	v40 =	vmul.f32 v44, v43;
	v23 =	vadd.f32 v18, v23  }
0xa6: {  	v15 =	vadd.f32 v33, v15;
	v18 =	vmul.f32 v16, v16;
	v24 =	vld [tilespmem:s1+$0xA900];
	v37 =	vmul.f32 v47, v16  }
0xa7: {  	s7 =	sadd.s32 $0x80, s7;
	v12 =	vadd.f32 v46, v12;
	v34 =	vmul.f32 v30, v16;
	v41 =	vmul.f32 v47, v21;
	v33 =	vld [tilespmem:s1+$0xAA00]  }
0xa8: {  	v42 =	vld [tilespmem:s1+$0xA800];
	_ =	sdelay $0x2  }
0xa9: {  	v43 =	vmul.f32 v39, v16  }
0xaa: {  	v45 =	vmul.f32 v21, v21;
	v55 =	vmul.f32 v39, v21  }
0xab: {  	v44 =	vld [tilespmem:s1+$0xA880];
	v36 =	vadd.f32 v38, v36;
	v26 =	vadd.f32 v43, v26;
	v56 =	vmul.f32 v42, v18  }
0xac: {  	v25 =	vadd.f32 v55, v25;
	v42 =	vmul.f32 v42, v45  }
0xad: {  	v58 =	vmul.f32 v35, v16;
	(xrf2) =	vadd.scan.msk.f32 $0xffff, v26;
	v36 =	vadd.f32 v56, v36  }
0xae: {  	(xrf2) =	vadd.scan.msk.f32 $0xffff, v25;
	v27 =	vadd.f32 v42, v27  }
0xaf: {  	v59 =	vmul.f32 v35, v21;
	v20 =	vadd.f32 v58, v20;
	(xrf2) =	vadd.scan.msk.f32 $0xffff, v36  }
0xb0: {  	v57 =	vmul.f32 v28, v21;
	v10 =	vadd.f32 v40, v10;
	v61 =	vmul.f32 v44, v18;
	(xrf2) =	vadd.scan.msk.f32 $0xffff, v27  }
0xb1: {  	v60 =	vadd.f32 v29, v32;
	v17 =	vadd.f32 v59, v17;
	v62 =	vmul.f32 v44, v45;
	(xrf2) =	vadd.scan.msk.f32 $0xffff, v20  }
0xb2: {  	v63 =	vld [tilespmem:s1+$0xA980];
	v22 =	vadd.f32 v22, v31;
	v28 =	vmul.f32 v28, v16;
	s0 =	sshll.u32 s31, $0x1;
	v23 =	vadd.f32 v61, v23  }
0xb3: {  	v29 =	vmul.f32 v30, v21;
	v31 =	vmov s0;
	v19 =	vadd.f32 v62, v19;
	(xrf2) =	vadd.scan.msk.f32 $0xffff, v17  }
0xb4: {  	v16 =	vadd.f32 v28, v22;
	v21 =	vbroadcast v31, $0x0;
	v30 =	vmul.f32 v24, v18;
	(xrf2) =	vadd.scan.msk.f32 $0xffff, v23  }
0xb5: {  	v4 =	vadd.f32 v37, v4;
	s12 =	sshllo.u32 s31, $0x1;
	s14 =	sor.u32 $0x20, s0;
	v11 =	vadd.f32 v57, v11;
	v32 =	vmul.f32 v24, v45;
	(xrf2) =	vadd.scan.msk.f32 $0xffff, v19  }
0xb6: {  	v37 =	vmov s12;
	v40 =	vmov s14;
	v14 =	vadd.f32 v30, v14;
	(xrf2) =	vadd.scan.msk.f32 $0xffff, v16  }
0xb7: {  	v43 =	vbroadcast v40, $0x0;
	v15 =	vadd.f32 v32, v15;
	v38 =	vmul.f32 v63, v45;
	v39, _, _ =	vpop (xrf2);
	(xrf2) =	vadd.scan.msk.f32 $0xffff, v11  }
0xb8: {  	v13 =	vadd.f32 v41, v13;
	v36 =	vmul.f32 v63, v18;
	v41 =	vbroadcast v39, $0xF;
	v42, _, _ =	vpop (xrf2);
	(xrf2) =	vadd.scan.msk.f32 $0xffff, v14  }
0xb9: {  	v11 =	vmul.f32 v33, v45;
	v44 =	vbroadcast v42, $0xF;
	(xrf2) =	vadd.scan.msk.f32 $0xffff, v15;
	v45, _, _ =	vpop (xrf2)  }
0xba: {  	s16 =	sor.u32 $0x21, s0;
	v9 =	vadd.f32 v36, v9;
	[tilespmem:v21+s26+$0x0] =	vst.idx.msk $0x1, v41;
	(xrf2) =	vadd.scan.msk.f32 $0xffff, v4;
	v4 =	vbroadcast v45, $0xF;
	v46, _, _ =	vpop (xrf2)  }
0xbb: {  	v47 =	vmov s16;
	v35 =	vmul.f32 v33, v18;
	[tilespmem:v37+s26+$0x0] =	vst.idx.msk $0x1, v44;
	v49, _, _ =	vpop (xrf2)  }
0xbc: {  	s2 =	sor.u32 $0x40, s0;
	v10 =	vadd.f32 v38, v10;
	(xrf2) =	vadd.scan.msk.f32 $0xffff, v13;
	[tilespmem:v21+s28+$0x0] =	vst.idx.msk $0x1, v4;
	v4 =	vbroadcast v49, $0xF  }
0xbd: {  	v3 =	vadd.f32 v34, v3;
	v50 =	vmov s2;
	v48 =	vbroadcast v46, $0xF;
	(xrf2) =	vadd.scan.msk.f32 $0xffff, v9  }
0xbe: {  	v2 =	vadd.f32 v29, v2;
	v51 =	vbroadcast v50, $0x0;
	v12 =	vadd.f32 v35, v12;
	v9, _, _ =	vpop (xrf2);
	(xrf2) =	vadd.scan.msk.f32 $0xffff, v10  }
0xbf: {  	s7 =	sor.u32 $0x41, s0;
	v10 =	vadd.f32 v11, v60;
	[tilespmem:v37+s28+$0x0] =	vst.idx.msk $0x1, v48;
	v9 =	vbroadcast v9, $0xF;
	v11, _, _ =	vpop (xrf2);
	(xrf2) =	vadd.scan.msk.f32 $0xffff, v3  }
0xc0: {  	s12 =	sor.u32 $0x60, s0;
	[tilespmem:v43+s26+$0x0] =	vst.idx.msk $0x1, v4;
	v3 =	vbroadcast v11, $0xF;
	v11 =	vmov s7;
	v4, _, _ =	vpop (xrf2);
	(xrf2) =	vadd.scan.msk.f32 $0xffff, v2  }
0xc1: {  	[tilespmem:v47+s26+$0x0] =	vst.idx.msk $0x1, v9;
	v9 =	vmov s12;
	v52 =	vbroadcast v4, $0xF;
	v4, _, _ =	vpop (xrf2);
	(xrf2) =	vadd.scan.msk.f32 $0xffff, v12  }
0xc2: {  	[tilespmem:v43+s28+$0x0] =	vst.idx.msk $0x1, v3;
	v9 =	vbroadcast v9, $0x0;
	v3 =	vbroadcast v4, $0xF;
	v4, _, _ =	vpop (xrf2);
	(xrf2) =	vadd.scan.msk.f32 $0xffff, v10  }
0xc3: {  	s14 =	sor.u32 $0x61, s0;
	v10, _, _ =	vpop (xrf2);
	[tilespmem:v47+s28+$0x0] =	vst.idx.msk $0x1, v52;
	v53 =	vbroadcast v4, $0xF  }
0xc4: {  	s16 =	sor.u32 $0x80, s0;
	v4, _, _ =	vpop (xrf2);
	[tilespmem:v51+s26+$0x0] =	vst.idx.msk $0x1, v3;
	v3 =	vbroadcast v10, $0xF;
	v10 =	vmov s14  }
0xc5: {  	v54, _, _ =	vpop (xrf2);
	[tilespmem:v11+s26+$0x0] =	vst.idx.msk $0x1, v53;
	v55 =	vbroadcast v4, $0xF;
	v4 =	vmov s16  }
0xc6: {  	v56, _, _ =	vpop (xrf2);
	[tilespmem:v51+s28+$0x0] =	vst.idx.msk $0x1, v3;
	v3 =	vbroadcast v54, $0xF;
	v4 =	vbroadcast v4, $0x0  }
0xc7: {  	s0 =	sor.u32 $0x81, s0;
	v57, _, _ =	vpop (xrf2);
	[tilespmem:v11+s28+$0x0] =	vst.idx.msk $0x1, v55;
	v58 =	vbroadcast v56, $0xF  }
0xc8: {  	v59 =	vmov s0;
	v11, _, _ =	vpop (xrf2);
	[tilespmem:v9+s26+$0x0] =	vst.idx.msk $0x1, v3;
	v3 =	vbroadcast v57, $0xF  }
0xc9: {  	s31 =	sadd.s32 $0x1, s31;
	v60, _, _ =	vpop (xrf2);
	[tilespmem:v10+s26+$0x0] =	vst.idx.msk $0x1, v58;
	v61 =	vbroadcast v11, $0xF  }
0xca: {  	p2 =	sne.s32 s31, $0x10;
	v11, _, _ =	vpop (xrf2);
	[tilespmem:v9+s28+$0x0] =	vst.idx.msk $0x1, v3;
	v3 =	vbroadcast v60, $0xF  }
.Ltmp5:
0xcb: {  	v9, _, _ =	vpop (xrf2);
	[tilespmem:v10+s28+$0x0] =	vst.idx.msk $0x1, v61;
	v62 =	vbroadcast v11, $0xF;
	(pc) =	sbr.rel @p2 .LBB2_6-.Ltmp5, $4  }
0xcc: {  	[tilespmem:v4+s26+$0x0] =	vst.idx.msk $0x1, v3;
	v3 =	vbroadcast v9, $0xF;
	v9, _, _ =	vpop (xrf2)  }
0xcd: {  	[tilespmem:v59+s26+$0x0] =	vst.idx.msk $0x1, v62;
	v63 =	vbroadcast v9, $0xF  }
0xce: {  	[tilespmem:v4+s28+$0x0] =	vst.idx.msk $0x1, v3  }
0xcf: {  	[tilespmem:v59+s28+$0x0] =	vst.idx.msk $0x1, v63  }
0xd0: {  	v40 =	vld [tilespmem:$0xC000]  }
0xd1: {  	v57 =	vld [tilespmem:$0xC100]  }
0xd2: {  	v26 =	vld [tilespmem:$0xC010]  }
0xd3: {  	v53 =	vld [tilespmem:$0xC110]  }
0xd4: {  	v25 =	vld [tilespmem:$0xC020]  }
0xd5: {  	v50 =	vld [tilespmem:$0xC120]  }
0xd6: {  	v12 =	vld [tilespmem:$0xC030]  }
0xd7: {  	v47 =	vld [tilespmem:$0xC130]  }
0xd8: {  	v13 =	vld [tilespmem:$0xC040]  }
0xd9: {  	v43 =	vld [tilespmem:$0xC140]  }
0xda: {  	v10 =	vld [tilespmem:$0xC050]  }
0xdb: {  	v41 =	vld [tilespmem:$0xC150]  }
0xdc: {  	v11 =	vld [tilespmem:$0xC060]  }
0xdd: {  	v38 =	vld [tilespmem:$0xC160]  }
0xde: {  	s0 =	simm.s32 $0x0;
	v0 =	vld [tilespmem:$0xC070]  }
0xdf: {  	v62 =	vld [tilespmem:$0xC080];
	s1 =	sand.u32 $0x70, s0;
	s0 =	sand.u32 $0x1C00, s0  }
0xe0: {  	v63 =	vld [tilespmem:$0xC090];
	s0 =	sor.u32 s1, s0  }
0xe1: {  	v14 =	vld [tilespmem:s0+$0x6100]  }
0xe2: {  	v9 =	vimm.f32 $0.0e+00;
	v37 =	vimm.f32 $0.0e+00;
	v30 =	vld [tilespmem:s0+$0x6180]  }
0xe3: {  	v39 =	vimm.f32 $0.0e+00;
	v22 =	vimm.f32 $0.0e+00;
	v36 =	vimm.f32 $0.0e+00;
	v17 =	vld [tilespmem:s0+$0x6000]  }
0xe4: {  	v19 =	vld [tilespmem:$0xC170];
	v21 =	vimm.f32 $0.0e+00;
	v35 =	vimm.f32 $0.0e+00;
	v31 =	vimm.f32 $0.0e+00  }
0xe5: {  	v24 =	vimm.f32 $0.0e+00;
	v29 =	vimm.f32 $0.0e+00;
	v27 =	vimm.f32 $0.0e+00;
	v23 =	vld [tilespmem:s0+$0x6080]  }
0xe6: {  	v16 =	vld [tilespmem:$0xC180];
	v28 =	vimm.f32 $0.0e+00;
	v33 =	vimm.f32 $0.0e+00;
	[tilespmem:$0x1FFB0] =	vst v0;
	v4 =	vmul.f32 v14, v14  }
0xe7: {  	v34 =	vimm.f32 $0.0e+00;
	v32 =	vimm.f32 $0.0e+00;
	v42 =	vld [tilespmem:s0+$0x6200];
	[tilespmem:$0x1FFC0] =	vst v62;
	v44 =	vmul.f32 v30, v30  }
0xe8: {  	v15 =	vld [tilespmem:$0xC190];
	s2 =	simm.s32 $0x10;
	s1 =	simm.s32 $0x80;
	[tilespmem:$0x1FFD0] =	vst v63;
	v45 =	vmul.f32 v17, v17;
	v18 =	vmul.f32 v30, v14;
	v20 =	vadd.f32 v4, v9  }
.LBB2_10:
0xe9: {  	s14 =	smov.u32 s2  }
0xea: {  	s7 =	sand.u32 $0x70, s2;
	s12 =	sand.u32 $0x1C00, s1;
	v46 =	vmul.f32 v23, v17;
	v48 =	vmul.f32 v14, v17;
	v37 =	vadd.f32 v44, v37;
	v44 =	vmovc v23;
	s14 =	sadd.s32 $0x10, s2  }
0xeb: {  	p2 =	sne.s32 s2, $0x2F0;
	s7 =	sor.u32 s7, s12;
	v39 =	vadd.f32 v45, v39;
	v45 =	vmul.f32 v30, v17;
	v49 =	vmul.f32 v30, v44  }
0xec: {  	v22 =	vadd.f32 v46, v22;
	v36 =	vadd.f32 v48, v36;
	v46 =	vmul.f32 v42, v14;
	v51 =	vld [tilespmem:s7+$0x6100]  }
0xed: {  	v21 =	vadd.f32 v45, v21;
	v35 =	vadd.f32 v49, v35;
	v45 =	vmul.f32 v42, v42;
	v48 =	vld [tilespmem:s7+$0x6180]  }
0xee: {  	v30 =	vmul.f32 v42, v30;
	v49 =	vmul.f32 v42, v17;
	v31 =	vadd.f32 v46, v31;
	v17 =	vld [tilespmem:s7+$0x6000]  }
.Ltmp6:
0xef: {  	v52 =	vmul.f32 v42, v44;
	v46 =	vmul.f32 v23, v44;
	v24 =	vadd.f32 v45, v24;
	v23 =	vld [tilespmem:s7+$0x6080];
	(pc) =	sbr.rel @p2 .LBB2_10-.Ltmp6, $4  }
0xf0: {  	v27 =	vadd.f32 v30, v27;
	v29 =	vadd.f32 v49, v29;
	v45 =	vmul.f32 v14, v44;
	v42 =	vld [tilespmem:s7+$0x6200]  }
0xf1: {  	v33 =	vadd.f32 v52, v33;
	v28 =	vadd.f32 v46, v28;
	v49 =	vmul.f32 v51, v51;
	v14 =	vmovc v51  }
0xf2: {  	v32 =	vadd.f32 v18, v32;
	v34 =	vadd.f32 v45, v34;
	v44 =	vmul.f32 v48, v48;
	v30 =	vmovc v48  }
0xf3: {  	s1 =	sadd.s32 $0x80, s1;
	s2 =	smov.u32 s14;
	v45 =	vmul.f32 v17, v17;
	v20 =	vadd.f32 v49, v20;
	v18 =	vmul.f32 v30, v14  }
0xf4: {  	v46 =	vmul.f32 v23, v17;
	v48 =	vmul.f32 v14, v17  }
0xf5: {  	v63 =	vmul.f32 v30, v17;
	v0 =	vmul.f32 v30, v23  }
0xf6: {  	v44 =	vadd.f32 v44, v37;
	v1 =	vmul.f32 v42, v14;
	v2 =	vmul.f32 v42, v42  }
0xf7: {  	v37 =	vimm.f32 $0.0e+00;
	v17 =	vmul.f32 v42, v17;
	v30 =	vmul.f32 v42, v30  }
0xf8: {  	v58 =	vadd.f32 v45, v39;
	v54 =	vmul.f32 v42, v23;
	v14 =	vmul.f32 v14, v23  }
0xf9: {  	v52 =	vadd.f32 v18, v32;
	v39 =	vimm.f32 $0.0e+00;
	v18 =	vimm.f32 $0.0e+00  }
0xfa: {  	v55 =	vld [tilespmem:s0+$0x7800];
	v32 =	vimm.f32 $0.0e+00;
	v59 =	vadd.f32 v46, v22;
	v56 =	vadd.f32 v48, v36  }
0xfb: {  	v22 =	vld [tilespmem:s0+$0x7900];
	v60 =	vadd.f32 v63, v21;
	v51 =	vadd.f32 v0, v35;
	v36 =	vimm.f32 $0.0e+00  }
0xfc: {  	v21 =	vld [tilespmem:s0+$0x7980];
	v35 =	vimm.f32 $0.0e+00;
	v46 =	vadd.f32 v1, v31;
	v42 =	vadd.f32 v2, v24  }
0xfd: {  	v31 =	vmul.f32 v23, v23;
	v63 =	vadd.f32 v17, v29;
	v45 =	vadd.f32 v30, v27  }
0xfe: {  	v54 =	vadd.f32 v54, v33;
	v61 =	vadd.f32 v14, v34;
	v33 =	vimm.f32 $0.0e+00;
	v30 =	vld [tilespmem:s0+$0x7880]  }
0xff: {  	v27 =	vimm.f32 $0.0e+00;
	v34 =	vimm.f32 $0.0e+00;
	v29 =	vimm.f32 $0.0e+00  }
0x100: {  	v62 =	vadd.f32 v31, v28;
	v48 =	vmul.f32 v55, v55;
	v14 =	vmul.f32 v22, v22  }
0x101: {  	v24 =	vld [tilespmem:s0+$0x7A00];
	v31 =	vimm.f32 $0.0e+00;
	v28 =	vimm.f32 $0.0e+00;
	v49 =	vmul.f32 v21, v21  }
0x102: {  	s1 =	simm.s32 $0x10;
	s0 =	simm.s32 $0x80;
	v23 =	vmul.f32 v21, v22;
	v17 =	vadd.f32 v14, v9;
	v14 =	vimm.f32 $0.0e+00  }
.LBB2_12:
0x103: {  	v0 =	vmul.f32 v30, v55;
	v1 =	vmul.f32 v22, v55;
	s12 =	smov.u32 s1  }
0x104: {  	s2 =	sand.u32 $0x70, s1;
	s7 =	sand.u32 $0x1C00, s0;
	v9 =	vadd.f32 v49, v9;
	v49 =	vmovc v30;
	s12 =	sadd.s32 $0x10, s1;
	v39 =	vadd.f32 v48, v39;
	v48 =	vmul.f32 v21, v55  }
0x105: {  	p2 =	sne.s32 s1, $0x2F0;
	s2 =	sor.u32 s2, s7;
	v2 =	vmul.f32 v21, v49;
	v37 =	vadd.f32 v0, v37  }
0x106: {  	v36 =	vadd.f32 v1, v36;
	v0 =	vmul.f32 v24, v22;
	v3 =	vld [tilespmem:s2+$0x7900];
	v35 =	vadd.f32 v48, v35  }
0x107: {  	v33 =	vadd.f32 v2, v33;
	v2 =	vmul.f32 v24, v24;
	v48 =	vmul.f32 v24, v55;
	v1 =	vld [tilespmem:s2+$0x7980]  }
0x108: {  	v27 =	vadd.f32 v0, v27;
	v0 =	vmul.f32 v24, v21;
	v21 =	vmul.f32 v30, v49;
	v55 =	vld [tilespmem:s2+$0x7800]  }
.Ltmp7:
0x109: {  	v4 =	vmul.f32 v24, v49;
	v14 =	vadd.f32 v2, v14;
	v30 =	vld [tilespmem:s2+$0x7880];
	(pc) =	sbr.rel @p2 .LBB2_12-.Ltmp7, $4  }
0x10a: {  	v34 =	vadd.f32 v48, v34;
	v2 =	vmul.f32 v22, v49;
	v18 =	vadd.f32 v0, v18;
	v24 =	vld [tilespmem:s2+$0x7A00]  }
0x10b: {  	v29 =	vadd.f32 v4, v29;
	v31 =	vadd.f32 v21, v31;
	v0 =	vmul.f32 v3, v3;
	v22 =	vmovc v3  }
0x10c: {  	v28 =	vadd.f32 v23, v28;
	v32 =	vadd.f32 v2, v32;
	v49 =	vmul.f32 v1, v1;
	v21 =	vmovc v1  }
0x10d: {  	s0 =	sadd.s32 $0x80, s0;
	s1 =	smov.u32 s12;
	v48 =	vmul.f32 v55, v55;
	v17 =	vadd.f32 v0, v17;
	v23 =	vmul.f32 v21, v22  }
0x10e: {  	(xrf2) =	vadd.scan.msk.f32 $0xffff, v8;
	_ =	sdelay $0x9  }
0x10f: {  	v0, _, _ =	vpop (xrf2)  }
0x110: {  	v0 =	vbroadcast v0, $0xF;
	_ =	sdelay $0x1  }
0x111: {  	v1 =	vmul.f32 v57, v0;
	_ =	sdelay $0x1  }
0x112: {  	v1 =	vmax.f32 v1, $1.000000020e-24  }
0x113: {  	v2 =	vshrl.u32 v1, $0x1;
	v1 =	vmul.f32 $5.000000000e-01, v1  }
0x114: {  	(xrf2) =	vadd.scan.msk.f32 $0xffff, v7;
	v2 =	vsub.s32 $0x5F3759DF, v2  }
0x115: {  	v3 =	vmul.f32 v2, v1;
	_ =	sdelay $0x1  }
0x116: {  	v0 =	vmul.f32 v53, v0;
	v3 =	vmul.f32 v2, v3;
	_ =	sdelay $0x1  }
0x117: {  	v0 =	vmax.f32 v0, $1.000000020e-24;
	v3 =	vsub.f32 $1.500000000e+00, v3  }
0x118: {  	v4 =	vshrl.u32 v0, $0x1;
	v0 =	vmul.f32 $5.000000000e-01, v0  }
0x119: {  	v2 =	vmul.f32 v2, v3;
	v3 =	vsub.s32 $0x5F3759DF, v4  }
0x11a: {  	v4 =	vmul.f32 v3, v0  }
0x11b: {  	v53 =	vmul.f32 v2, v1  }
0x11c: {  	v57, _, _ =	vpop (xrf2);
	v4 =	vmul.f32 v3, v4  }
0x11d: {  	v8 =	vbroadcast v57, $0xF;
	v7 =	vmul.f32 v53, v2  }
0x11e: {  	(xrf2) =	vadd.scan.msk.f32 $0xffff, v6;
	v4 =	vsub.f32 $1.500000000e+00, v4  }
0x11f: {  	v50 =	vmul.f32 v50, v8;
	v7 =	vsub.f32 $1.500000000e+00, v7  }
0x120: {  	v3 =	vmul.f32 v3, v4  }
0x121: {  	v4 =	vmax.f32 v50, $1.000000020e-24;
	v2 =	vmul.f32 v7, v2  }
0x122: {  	v57 =	vshrl.u32 v4, $0x1;
	v4 =	vmul.f32 $5.000000000e-01, v4;
	v53 =	vmul.f32 v3, v0  }
0x123: {  	v8 =	vmul.f32 v47, v8;
	v7 =	vsub.s32 $0x5F3759DF, v57;
	v1 =	vmul.f32 v2, v1  }
0x124: {  	v50 =	vmul.f32 v7, v4;
	v6 =	vmul.f32 v53, v3  }
0x125: {  	v1 =	vmul.f32 v1, v2  }
0x126: {  	v8 =	vmax.f32 v8, $1.000000020e-24;
	v47 =	vmul.f32 v7, v50;
	v6 =	vsub.f32 $1.500000000e+00, v6  }
0x127: {  	v53 =	vshrl.u32 v8, $0x1;
	v1 =	vsub.f32 $1.500000000e+00, v1  }
0x128: {  	v8 =	vmul.f32 $5.000000000e-01, v8;
	v57 =	vsub.f32 $1.500000000e+00, v47;
	v50, _, _ =	vpop (xrf2);
	v3 =	vmul.f32 v6, v3  }
0x129: {  	(xrf2) =	vadd.scan.msk.f32 $0xffff, v5;
	v6 =	vsub.s32 $0x5F3759DF, v53;
	v5 =	vbroadcast v50, $0xF;
	v1 =	vmul.f32 v1, v2  }
0x12a: {  	v53 =	vmul.f32 v6, v8;
	v2 =	vmul.f32 v7, v57  }
0x12b: {  	v43 =	vmul.f32 v43, v5  }
0x12c: {  	v47 =	vmul.f32 v6, v53;
	v57 =	vmul.f32 v2, v4  }
0x12d: {  	v0 =	vmul.f32 v3, v0  }
0x12e: {  	v43 =	vmax.f32 v43, $1.000000020e-24;
	v47 =	vsub.f32 $1.500000000e+00, v47;
	v50 =	vmul.f32 v57, v2  }
0x12f: {  	v7 =	vmul.f32 v1, v40;
	v0 =	vmul.f32 v0, v3;
	v53 =	vshrl.u32 v43, $0x1  }
0x130: {  	v43 =	vmul.f32 $5.000000000e-01, v43;
	v1 =	vmul.f32 v6, v47;
	v57 =	vsub.f32 $1.500000000e+00, v50  }
0x131: {  	v0 =	vsub.f32 $1.500000000e+00, v0;
	v6 =	vsub.s32 $0x5F3759DF, v53;
	v53 =	vmul.f32 v41, v5  }
0x132: {  	v50 =	vmul.f32 v6, v43;
	v40 =	vmul.f32 v1, v8  }
0x133: {  	v0 =	vmul.f32 v0, v3;
	v2 =	vmul.f32 v57, v2  }
0x134: {  	v3 =	vmax.f32 v53, $1.000000020e-24;
	v50 =	vmul.f32 v6, v50;
	v57, _, _ =	vpop (xrf2);
	v40 =	vmul.f32 v40, v1  }
0x135: {  	v53 =	vshrl.u32 v3, $0x1;
	v4 =	vmul.f32 v2, v4;
	v5 =	vbroadcast v57, $0xF  }
0x136: {  	v3 =	vmul.f32 $5.000000000e-01, v3;
	v41 =	vsub.f32 $1.500000000e+00, v50;
	v40 =	vsub.f32 $1.500000000e+00, v40  }
0x137: {  	v4 =	vmul.f32 v4, v2;
	v38 =	vmul.f32 v38, v5  }
0x138: {  	v6 =	vmul.f32 v6, v41;
	v1 =	vmul.f32 v40, v1;
	v40 =	vsub.s32 $0x5F3759DF, v53  }
0x139: {  	v57 =	vmul.f32 v40, v3  }
0x13a: {  	v4 =	vsub.f32 $1.500000000e+00, v4;
	v38 =	vmax.f32 v38, $1.000000020e-24;
	v47 =	vmul.f32 v6, v43  }
0x13b: {  	v53 =	vshrl.u32 v38, $0x1;
	v50 =	vmul.f32 $5.000000000e-01, v38;
	v38 =	vmul.f32 v40, v57;
	v57 =	vld [tilespmem:$0x1FFE0]  }
0x13c: {  	v8 =	vmul.f32 v1, v8  }
0x13d: {  	v2 =	vmul.f32 v4, v2;
	v41 =	vsub.s32 $0x5F3759DF, v53;
	v4 =	vmul.f32 v47, v6  }
0x13e: {  	v53 =	vmul.f32 v41, v50;
	v8 =	vmul.f32 v8, v1;
	v38 =	vsub.f32 $1.500000000e+00, v38  }
0x13f: {  	v26 =	vmul.f32 v0, v26;
	v5 =	vmul.f32 v19, v5;
	v4 =	vsub.f32 $1.500000000e+00, v4  }
0x140: {  	v0 =	vmul.f32 v40, v38;
	v40 =	vsub.f32 $1.500000000e+00, v8;
	(xrf2) =	vadd.scan.msk.f32 $0xffff, v57;
	v57 =	vmul.f32 v41, v53  }
0x141: {  	v25 =	vmul.f32 v2, v25;
	v4 =	vmul.f32 v4, v6  }
0x142: {  	v53 =	vmul.f32 v0, v3;
	v1 =	vmul.f32 v40, v1;
	v47 =	vsub.f32 $1.500000000e+00, v57  }
0x143: {  	(xrf2) =	vadd.scan.msk.f32 $0xffff, v58;
	v58 =	vmul.f32 v4, v43;
	v40 =	vmul.f32 v30, v55  }
0x144: {  	(xrf2) =	vadd.scan.msk.f32 $0xffff, v59;
	v6 =	vmul.f32 v53, v0;
	v57 =	vmul.f32 v41, v47  }
0x145: {  	v43 =	vmul.f32 v21, v55;
	(xrf2) =	vadd.scan.msk.f32 $0xffff, v56;
	v8 =	vmul.f32 v58, v4  }
0x146: {  	v53 =	vmul.f32 v24, v55;
	v6 =	vsub.f32 $1.500000000e+00, v6;
	v59 =	vmul.f32 v57, v50  }
0x147: {  	(xrf2) =	vadd.scan.msk.f32 $0xffff, v60;
	v41 =	vmul.f32 v22, v55;
	v47 =	vmul.f32 v21, v30;
	v8 =	vsub.f32 $1.500000000e+00, v8  }
0x148: {  	v58 =	vmax.f32 v5, $1.000000020e-24;
	(xrf2) =	vadd.scan.msk.f32 $0xffff, v63;
	v0 =	vmul.f32 v6, v0;
	v38 =	vmul.f32 v59, v57  }
0x149: {  	v5 =	vmul.f32 $5.000000000e-01, v58;
	(xrf2) =	vadd.scan.msk.f32 $0xffff, v62;
	v33 =	vadd.f32 v47, v33;
	v4 =	vmul.f32 v8, v4  }
0x14a: {  	v47 =	vmul.f32 v24, v24;
	(xrf2) =	vadd.scan.msk.f32 $0xffff, v61;
	v3 =	vmul.f32 v0, v3;
	v63, _, _ =	vpop (xrf2);
	v38 =	vsub.f32 $1.500000000e+00, v38  }
0x14b: {  	(xrf2) =	vadd.scan.msk.f32 $0xffff, v51;
	v59 =	vshrl.u32 v58, $0x1;
	v19 =	vmul.f32 v4, v13;
	v6 =	vbroadcast v63, $0xF  }
0x14c: {  	(xrf2) =	vadd.scan.msk.f32 $0xffff, v54;
	v56 =	vmul.f32 v3, v0;
	v3 =	vsub.s32 $0x5F3759DF, v59;
	v2 =	vmul.f32 v38, v57  }
0x14d: {  	(xrf2) =	vadd.scan.msk.f32 $0xffff, v20;
	v8, _, _ =	vpop (xrf2);
	v38 =	vmul.f32 v1, v12;
	v12 =	vmul.f32 v3, v5  }
0x14e: {  	v37 =	vadd.f32 v40, v37;
	(xrf2) =	vadd.scan.msk.f32 $0xffff, v52;
	v20, _, _ =	vpop (xrf2);
	v60 =	vmul.f32 v16, v6;
	v6 =	vmul.f32 v15, v6  }
0x14f: {  	(xrf2) =	vadd.scan.msk.f32 $0xffff, v46;
	v61 =	vsub.f32 $1.500000000e+00, v56;
	v46, _, _ =	vpop (xrf2);
	v20 =	vmul.f32 v20, v20;
	v57 =	vmul.f32 v2, v50  }
0x150: {  	v36 =	vadd.f32 v41, v36;
	v12 =	vmul.f32 v3, v12;
	v40 =	vmul.f32 v46, v46  }
0x151: {  	(xrf2) =	vadd.scan.msk.f32 $0xffff, v44;
	v44, _, _ =	vpop (xrf2);
	v4 =	vmax.f32 v60, $1.000000020e-24;
	v6 =	vmax.f32 v6, $1.000000020e-24;
	v0 =	vmul.f32 v61, v0  }
0x152: {  	v41 =	vmul.f32 v44, v44;
	v20 =	vadd.f32 v20, v20;
	v62 =	vmul.f32 v57, v2  }
0x153: {  	v57 =	vshrl.u32 v4, $0x1;
	v1 =	vmul.f32 $5.000000000e-01, v4;
	v60 =	vshrl.u32 v6, $0x1  }
0x154: {  	v6 =	vmul.f32 $5.000000000e-01, v6;
	v58 =	vsub.s32 $0x5F3759DF, v57;
	v63 =	vsub.f32 $1.500000000e+00, v62  }
0x155: {  	v49 =	vadd.f32 v49, v9;
	v20 =	vbroadcast v20, $0xF;
	v4, _, _ =	vpop (xrf2);
	v16 =	vmul.f32 v58, v1  }
0x156: {  	v59, _, _ =	vpop (xrf2);
	(xrf2) =	vadd.scan.msk.f32 $0xffff, v45;
	v45 =	vsub.s32 $0x5F3759DF, v60;
	v4 =	vmul.f32 v4, v4;
	v2 =	vmul.f32 v63, v2  }
0x157: {  	v12 =	vsub.f32 $1.500000000e+00, v12;
	v54, _, _ =	vpop (xrf2);
	v61 =	vmul.f32 v58, v16;
	v62 =	vmul.f32 v45, v6  }
0x158: {  	v16 =	vmul.f32 v0, v10;
	v52, _, _ =	vpop (xrf2);
	(xrf2) =	vadd.scan.msk.f32 $0xffff, v42;
	v42 =	vbroadcast v59, $0xF;
	v4 =	vadd.f32 v4, v4  }
0x159: {  	v15 =	vmul.f32 v2, v11;
	v2 =	vmul.f32 v3, v12;
	v56 =	vsub.f32 $1.500000000e+00, v61  }
0x15a: {  	v39 =	vadd.f32 v48, v39;
	v55, _, _ =	vpop (xrf2);
	v57 =	vmul.f32 v45, v62;
	v11 =	vbroadcast v8, $0xF  }
0x15b: {  	v7 =	vadd.f32 $0.0e+00, v7;
	v63, _, _ =	vpop (xrf2);
	v4 =	vbroadcast v4, $0xF;
	v3 =	vmul.f32 v58, v56  }
0x15c: {  	v58 =	vsub.f32 $1.500000000e+00, v57;
	v0 =	vbroadcast v63, $0xF;
	v60 =	vmul.f32 v42, v11  }
0x15d: {  	v7 =	vadd.f32 v26, v7;
	v12, _, _ =	vpop (xrf2);
	v63 =	vmul.f32 v30, v30;
	v51 =	vmul.f32 v2, v5  }
0x15e: {  	v23 =	vadd.f32 v23, v28;
	v12 =	vmul.f32 v12, v12;
	v9 =	vmul.f32 v45, v58  }
0x15f: {  	v7 =	vadd.f32 v25, v7;
	v61 =	vmul.f32 v0, v11;
	(erf) = vrcp.f32 v60  }
0x160: {  	v28 =	vadd.f32 v40, v40;
	v45 =	vmul.f32 v22, v30;
	v56 =	vmul.f32 v3, v1  }
0x161: {  	v35 =	vadd.f32 v43, v35;
	(xrf2) =	vadd.scan.msk.f32 $0xffff, v39;
	v13, _, _ =	vpop (xrf2);
	v58 =	vmul.f32 v51, v2;
	v60 =	vmul.f32 v0, v42  }
0x162: {  	v34 =	vadd.f32 v53, v34;
	v59, _, _ =	vpop (xrf2);
	v51 =	vbroadcast v28, $0xF;
	v13 =	vmul.f32 v13, v13  }
0x163: {  	(xrf2) =	vadd.scan.msk.f32 $0xffff, v37;
	v31 =	vadd.f32 v63, v31;
	v50 =	vbroadcast v59, $0xF;
	(erf) = vrcp.f32 v61  }
0x164: {  	v12 =	vadd.f32 v12, v12;
	v57 =	vmul.f32 v9, v6;
	v10 =	vmul.f32 v56, v3  }
0x165: {  	(xrf2) =	vadd.scan.msk.f32 $0xffff, v36;
	v32 =	vadd.f32 v45, v32;
	v61 =	vmul.f32 v24, v22;
	v62 =	vmul.f32 v50, v11  }
0x166: {  	(xrf2) =	vadd.scan.msk.f32 $0xffff, v35;
	v36 =	vsub.f32 $1.500000000e+00, v58;
	v45 =	vmul.f32 v24, v21;
	v8, _, _ =	vpop (xrf2);
	v12 =	vbroadcast v12, $0xF  }
0x167: {  	(xrf2) =	vadd.scan.msk.f32 $0xffff, v34;
	v13 =	vadd.f32 v13, v13;
	v59 =	vmul.f32 v57, v9;
	(erf) = vrcp.f32 v62;
	v48, _, _ =	vpop (xrf2)  }
0x168: {  	v10 =	vsub.f32 $1.500000000e+00, v10;
	v62 =	vmul.f32 v24, v30;
	v43 =	vbroadcast v48, $0xF  }
0x169: {  	(xrf2) =	vadd.scan.msk.f32 $0xffff, v31;
	v22 =	vadd.f32 v61, v27;
	v61 =	vmul.f32 v50, v42;
	v13 =	vbroadcast v13, $0xF  }
0x16a: {  	(xrf2) =	vadd.scan.msk.f32 $0xffff, v32;
	v8 =	vmul.f32 v8, v8;
	v37 =	vadd.f32 v62, v29;
	v11 =	vmul.f32 v43, v11  }
0x16b: {  	(xrf2) =	vadd.scan.msk.f32 $0xffff, v33;
	v63 =	vsub.f32 $1.500000000e+00, v59;
	v10 =	vmul.f32 v10, v3;
	v46, _, _ =	vpop (xrf2);
	v48 =	vmul.f32 v54, v54  }
0x16c: {  	v7 =	vadd.f32 v38, v7;
	(xrf2) =	vadd.scan.msk.f32 $0xffff, v37;
	(erf) = vrcp.f32 v11;
	v11 =	vmul.f32 v36, v2;
	v36 =	vpop (erf)  }
0x16d: {  	v29 =	vadd.f32 v41, v41;
	v3 =	vbroadcast v46, $0xF;
	v9 =	vmul.f32 v63, v9;
	(xrf2) =	vadd.scan.msk.f32 $0xffff, v17;
	v17, _, _ =	vpop (xrf2)  }
0x16e: {  	v56 =	vadd.f32 v48, v48;
	v35 =	vmul.f32 v43, v42;
	v41 =	vmul.f32 v43, v50;
	v39 =	vpop (erf)  }
0x16f: {  	v1 =	vmul.f32 v10, v1;
	(erf) = vrcp.f32 v60;
	(xrf2) =	vadd.scan.msk.f32 $0xffff, v23;
	v23, _, _ =	vpop (xrf2)  }
0x170: {  	v7 =	vadd.f32 v19, v7;
	v53 =	vbroadcast v29, $0xF;
	v58 =	vbroadcast v56, $0xF;
	(xrf2) =	vadd.scan.msk.f32 $0xffff, v22;
	v22, _, _ =	vpop (xrf2)  }
0x171: {  	v18 =	vadd.f32 v45, v18;
	v1 =	vmul.f32 v1, v10;
	v2 =	vmul.f32 v36, v20;
	v59, _, _ =	vpop (xrf2)  }
0x172: {  	v14 =	vadd.f32 v47, v14;
	v60 =	vmul.f32 v52, v52;
	v36 =	vmul.f32 v50, v0;
	(xrf2) =	vadd.scan.msk.f32 $0xffff, v49;
	v44 =	vpop (erf)  }
0x173: {  	v7 =	vadd.f32 v16, v7;
	v0 =	vmul.f32 v43, v0;
	v21 =	vmul.f32 v39, v51;
	(xrf2) =	vadd.scan.msk.f32 $0xffff, v18;
	v62, _, _ =	vpop (xrf2)  }
0x174: {  	(erf) = vrcp.f32 v61;
	v39 =	vmul.f32 v55, v55;
	(xrf2) =	vadd.scan.msk.f32 $0xffff, v14;
	v63, _, _ =	vpop (xrf2)  }
0x175: {  	v7 =	vadd.f32 v15, v7;
	v23 =	vmul.f32 v23, v23;
	v5 =	vmul.f32 v11, v5;
	v31, _, _ =	vpop (xrf2)  }
0x176: {  	(erf) = vrcp.f32 v35;
	v49 =	vmul.f32 v17, v17;
	v18 =	vadd.f32 v60, v60;
	v54 =	vpop (erf)  }
0x177: {  	(erf) = vrcp.f32 v36;
	v48 =	vadd.f32 v39, v39;
	v24 =	vmul.f32 v44, v53;
	v26, _, _ =	vpop (xrf2)  }
0x178: {  	v30 =	vbroadcast v62, $0xF;
	v15 =	vadd.f32 v49, v49;
	v18 =	vbroadcast v18, $0xF;
	v57 =	vpop (erf)  }
0x179: {  	v50 =	vbroadcast v48, $0xF;
	v14 =	vmul.f32 v63, v63;
	v37, _, _ =	vpop (xrf2)  }
0x17a: {  	v42 =	vmul.f32 v30, v3;
	v15 =	vbroadcast v15, $0xF;
	v29, _, _ =	vpop (xrf2)  }
0x17b: {  	v36 =	vmul.f32 v31, v31;
	(erf) = vrcp.f32 v0;
	v0, _, _ =	vpop (xrf2)  }
0x17c: {  	v4 =	vmul.f32 v54, v4;
	v27 =	vbroadcast v37, $0xF;
	v40, _, _ =	vpop (xrf2)  }
0x17d: {  	(erf) = vrcp.f32 v41;
	v32 =	vbroadcast v40, $0xF;
	v35, _, _ =	vpop (xrf2)  }
0x17e: {  	(erf) = vrcp.f32 v42;
	v43 =	vmul.f32 v27, v3;
	v44, _, _ =	vpop (xrf2)  }
0x17f: {  	v56 =	vadd.f32 v23, v23;
	v45 =	vmul.f32 v32, v3;
	v47 =	vbroadcast v44, $0xF  }
0x180: {  	v14 =	vadd.f32 v14, v14;
	v54 =	vmul.f32 v22, v22;
	(erf) = vrcp.f32 v43  }
0x181: {  	v46 =	vpop (erf);
	(erf) = vrcp.f32 v45;
	v3 =	vmul.f32 v47, v3  }
0x182: {  	v2 =	vadd.f32 $0.0e+00, v2;
	v22 =	vbroadcast v56, $0xF;
	v14 =	vbroadcast v14, $0xF  }
0x183: {  	v52 =	vpop (erf);
	v51 =	vmul.f32 v27, v30;
	(erf) = vrcp.f32 v3  }
0x184: {  	v2 =	vadd.f32 v21, v2;
	v20 =	vmul.f32 v57, v58;
	v57 =	vmul.f32 v59, v59;
	v53 =	vpop (erf)  }
0x185: {  	v8 =	vadd.f32 v8, v8;
	v58 =	vmul.f32 v32, v30;
	v55 =	vpop (erf);
	(erf) = vrcp.f32 v51  }
0x186: {  	v2 =	vadd.f32 v24, v2;
	v16 =	vmul.f32 v46, v18;
	v17 =	vmul.f32 v52, v50;
	v23 =	vpop (erf)  }
0x187: {  	v21 =	vadd.f32 v54, v54;
	v0 =	vmul.f32 v0, v0;
	v59 =	vpop (erf);
	(erf) = vrcp.f32 v58  }
0x188: {  	v39 =	vadd.f32 v36, v36;
	v33 =	vmul.f32 v47, v30;
	v15 =	vmul.f32 v59, v15  }
0x189: {  	v25 =	vadd.f32 v57, v57;
	v21 =	vbroadcast v21, $0xF;
	v37 =	vmul.f32 v32, v27;
	v60 =	vpop (erf)  }
0x18a: {  	v15 =	vadd.f32 $0.0e+00, v15;
	v22 =	vmul.f32 v60, v22;
	v61 =	vpop (erf);
	(erf) = vrcp.f32 v33  }
0x18b: {  	v2 =	vadd.f32 v4, v2;
	v63 =	vbroadcast v25, $0xF;
	v41 =	vmul.f32 v47, v27  }
0x18c: {  	v15 =	vadd.f32 v22, v15;
	v62 =	vmul.f32 v61, v21;
	v34 =	vpop (erf);
	(erf) = vrcp.f32 v37  }
0x18d: {  	v2 =	vadd.f32 v2, v20;
	v43 =	vmul.f32 v26, v26;
	v19 =	vmul.f32 v47, v32  }
0x18e: {  	v20 =	vmul.f32 v34, v63;
	v38 =	vpop (erf);
	v4 =	vadd.f32 v62, v15;
	(erf) = vrcp.f32 v41  }
0x18f: {  	v40 =	vbroadcast v39, $0xF;
	v44 =	vadd.f32 v43, v43;
	v45 =	vmul.f32 v29, v29  }
0x190: {  	v14 =	vmul.f32 v38, v14;
	v42 =	vpop (erf);
	(erf) = vrcp.f32 v19;
	v4 =	vadd.f32 v20, v4  }
0x191: {  	v0 =	vadd.f32 v0, v0;
	v2 =	vadd.f32 v2, v16;
	v46 =	vbroadcast v44, $0xF  }
0x192: {  	v48 =	vadd.f32 v45, v45;
	v15 =	vmul.f32 v42, v40;
	v4 =	vadd.f32 v4, v14  }
0x193: {  	v2 =	vadd.f32 v2, v17;
	v3 =	vmul.f32 v53, v12;
	v51 =	vmul.f32 v35, v35;
	v47 =	vpop (erf)  }
0x194: {  	v49 =	vbroadcast v48, $0xF;
	v4 =	vadd.f32 v4, v15;
	v12 =	vmul.f32 v47, v46  }
0x195: {  	v5 =	vmul.f32 v5, v11;
	v0 =	vbroadcast v0, $0xF;
	v2 =	vadd.f32 v2, v3;
	v50 =	vpop (erf)  }
0x196: {  	v53 =	vadd.f32 v51, v51;
	v4 =	vadd.f32 v4, v12;
	v3 =	vmul.f32 v50, v49  }
0x197: {  	v13 =	vmul.f32 v55, v13;
	v55 =	vbroadcast v8, $0xF;
	v52 =	vpop (erf)  }
0x198: {  	v59 =	vld [tilespmem:$0x1FFB0];
	v56 =	vbroadcast v53, $0xF;
	v0 =	vmul.f32 v52, v0;
	v3 =	vadd.f32 v4, v3  }
0x199: {  	v6 =	vmul.f32 v9, v6;
	v54 =	vsub.f32 $1.500000000e+00, v5;
	v5 =	vmul.f32 v23, v55;
	v61 =	vld [tilespmem:$0x1FFF0];
	v57 =	vpop (erf)  }
0x19a: {  	v2 =	vadd.f32 v2, v13;
	v62 =	vld [tilespmem:$0x1FFC0];
	v58 =	vmul.f32 v57, v56;
	v0 =	vadd.f32 v3, v0  }
0x19b: {  	v1 =	vsub.f32 $1.500000000e+00, v1;
	v6 =	vmul.f32 v6, v9;
	v4 =	vmul.f32 v54, v11  }
0x19c: {  	v2 =	vadd.f32 v2, v5;
	v63 =	vld [tilespmem:$0x1FFD0];
	v0 =	vadd.f32 v0, v58  }
0x19d: {  	v1 =	vmul.f32 v1, v10;
	v60 =	vsub.f32 $1.500000000e+00, v6;
	v3 =	vmul.f32 v4, v59  }
0x19e: {  	v2 =	vmul.f32 v2, v61;
	v0 =	vmul.f32 v0, v61  }
0x19f: {  	v1 =	vmul.f32 v1, v62;
	v4 =	vmul.f32 v60, v9;
	v3 =	vadd.f32 v3, v7  }
0x1a0: {  	v2 =	vmul.f32 $9.999999970e-07, v2;
	v0 =	vmul.f32 $9.999999970e-07, v0  }
0x1a1: {  	v1 =	vadd.f32 v1, v3;
	v3 =	vmul.f32 v4, v63  }
0x1a2: {  	v0 =	vadd.f32 v0, v2  }
0x1a3: {  	v1 =	vadd.f32 v3, v1  }
0x1a4: {  	v0 =	vnsel vm0, $0x0, v0  }
0x1a5: {  	[tilespmem:$0xC200] =	vst v1;
	v0 =	vnsel vm3, $0x0, v0  }
0x1a6: {  	[tilespmem:$0xC210] =	vst v0  }
0x1a7: {  	[spmem:s6] =	stream.linear.scatter [tilespmem:s29], [sflag:$0x1], $0x80, $0x38;
	[tilespmem:$0xCB80] =	vst v63  }
.Ltmp8:
0x1a8: {  	_ =	swait.ge [sflag:s22], $0x80;
	(pc) =	sbr.rel @p1 .LBB2_15-.Ltmp8, $3  }
0x1a9: {  	[sflag:s22] =	ssyncset.done $0x0  }
0x1aa: {  	[sflag:s22] =	ssyncadd.s32 $0xFFFFFF80  }
0x1ab: {  	[bflag:$0x0] =	sbarrier.arrive $0xFFFF;
	_ =	sdelay $0x1  }
0x1ac: {  	s0 =	rddreg [dreg:$0x1];
	s1 =	simm.s32 $0xC280  }
0x1ad: {  	[tilespmem:s1], [sflag:$0x1] =	stream.linear.gather [spmem:s0], $0x800, $0x38;
	[tilespmem:$0xCB80] =	vst v63  }
0x1ae: {  	_ =	swait.ge [sflag:s22], $0x800  }
0x1af: {  	[sflag:s22] =	ssyncset.done $0x0  }
0x1b0: {  	[sflag:s22] =	ssyncadd.s32 $0xFFFFF800  }
0x1b1: {  	v0 =	vld [tilespmem:$0xC280]  }
0x1b2: {  	v1 =	vld [tilespmem:$0xC290]  }
0x1b3: {  	v2 =	vld [tilespmem:$0xC300]  }
0x1b4: {  	v3 =	vld [tilespmem:$0xC310]  }
0x1b5: {  	v4 =	vld [tilespmem:$0xC380]  }
0x1b6: {  	v5 =	vld [tilespmem:$0xC390];
	v0 =	vadd.f32 $0.0e+00, v0  }
0x1b7: {  	v6 =	vld [tilespmem:$0xC400];
	v1 =	vadd.f32 $0.0e+00, v1  }
0x1b8: {  	v47 =	vld [tilespmem:$0xC410];
	v0 =	vadd.f32 v2, v0  }
0x1b9: {  	v48 =	vld [tilespmem:$0xC480];
	v1 =	vadd.f32 v3, v1  }
0x1ba: {  	v49 =	vld [tilespmem:$0xC490];
	v0 =	vadd.f32 v4, v0  }
0x1bb: {  	v50 =	vld [tilespmem:$0xC500];
	v1 =	vadd.f32 v5, v1  }
0x1bc: {  	v51 =	vld [tilespmem:$0xC510];
	v0 =	vadd.f32 v6, v0  }
0x1bd: {  	v52 =	vld [tilespmem:$0xC580];
	v1 =	vadd.f32 v47, v1  }
0x1be: {  	v53 =	vld [tilespmem:$0xC590];
	v0 =	vadd.f32 v48, v0  }
0x1bf: {  	v54 =	vld [tilespmem:$0xC600];
	v1 =	vadd.f32 v49, v1  }
0x1c0: {  	v55 =	vld [tilespmem:$0xC610];
	v0 =	vadd.f32 v50, v0  }
0x1c1: {  	v56 =	vld [tilespmem:$0xC680];
	v1 =	vadd.f32 v51, v1  }
0x1c2: {  	v57 =	vld [tilespmem:$0xC690];
	v0 =	vadd.f32 v52, v0  }
0x1c3: {  	v58 =	vld [tilespmem:$0xC700];
	v1 =	vadd.f32 v53, v1  }
0x1c4: {  	v59 =	vld [tilespmem:$0xC710];
	v0 =	vadd.f32 v54, v0  }
0x1c5: {  	v60 =	vld [tilespmem:$0xC780];
	v1 =	vadd.f32 v55, v1  }
0x1c6: {  	v61 =	vld [tilespmem:$0xC790];
	v0 =	vadd.f32 v56, v0  }
0x1c7: {  	v62 =	vld [tilespmem:$0xC800];
	v1 =	vadd.f32 v57, v1  }
0x1c8: {  	v63 =	vld [tilespmem:$0xC810];
	v0 =	vadd.f32 v58, v0  }
0x1c9: {  	v1 =	vadd.f32 v59, v1  }
0x1ca: {  	v0 =	vadd.f32 v60, v0  }
0x1cb: {  	v1 =	vadd.f32 v61, v1  }
0x1cc: {  	v0 =	vadd.f32 v62, v0  }
0x1cd: {  	v1 =	vadd.f32 v63, v1  }
0x1ce: {  	(xrf2) =	vadd.scan.msk.f32 $0xffff, v0  }
0x1cf: {  	(xrf2) =	vadd.scan.msk.f32 $0xffff, v1;
	_ =	sdelay $0x8  }
0x1d0: {  	v0, _, _ =	vpop (xrf2)  }
0x1d1: {  	v1, _, _ =	vpop (xrf2);
	v0 =	vsub.f32 $1.920000000e+03, v0  }
0x1d2: {  	v1 =	vmul.f32 $1.000000010e-01, v1  }
0x1d3: {  	v0 =	vmul.f32 $5.000000000e-01, v0  }
0x1d4: {  	v1 =	vbroadcast v1, $0xF  }
0x1d5: {  	v0 =	vbroadcast v0, $0xF  }
0x1d6: {  	v1 =	vnsel vm1, $0x0, v1  }
0x1d7: {  	s16 =	simm.s32 $0x0;
	v0 =	vsel vm2, v1, v0  }
.Ltmp9:
0x1d8: {  	s2 =	simm.s32 $0xCA80;
	s31 =	rddreg [dreg:$0x3];
	[tilespmem:$0xCA80] =	vst v0;
	(pc) =	sbr.rel .LBB2_15-.Ltmp9, $4  }
0x1d9: {  	[hbm4b:s31+s16] =	stream.linear.scatter [tilespmem:s2], [sflag:$0x1], $0x80, $0x38;
	[tilespmem:$0xCB80] =	vst v63  }
0x1da: {  	_ =	swait.ge [sflag:s22], $0x80  }
0x1db: {  	[sflag:s22] =	ssyncset.done $0x0  }
0x1dc: {  	[sflag:s22] =	ssyncadd.s32 $0xFFFFFF80  }
.LBB2_16:
0x1dd: {  	_ =	sfence.sel $0x180000  }
0x1de: {  	[bflag:$0x0] =	sbarrier.arrive $0xFFFF  }
0x1df: {  	_ =	strace $0x90000047  }
0x1e0: {  	[bflag:$0x2] =	sbarrier.arrive $0xFFFF  }
0x1e1: {  	s0 =	rddreg [dreg:$0x2]  }
0x1e2: {  	s0 =	sadd.s32 @!p1 $0x100000, s0  }
0x1e3: {  	[sflag:s0] =	ssyncadd.tile.s32 @!p1 $0x1;
	_ =	shalt  }
.Lfunc_end2:
_tile_overlayer_lowered:
.L_overlay_start_2:
0x1e4: {  	(tag) =	ssettag $0x2  }
0x1e5: {  	s0 =	rddreg [dreg:$0x0];
	s2 =	stileid.u32  }
0x1e6: {  	s1 =	rddreg [dreg:$0x1];
	p0 =	sne.s32 s2, $0x0  }
0x1e7: {  	s3 =	rddreg [dreg:$0x2];
	[bflag:$0x3] =	sbarrier.arrive $0xFFFF;
	s2 =	simm.s32 @!p0 $0x1C01  }
0x1e8: {  	[timem:s3], [sflag:s2] =	dma.local @!p0 [hbm:s0], s1  }
0x1e9: {  	s0 =	simm.s32 @!p0 $0x1  }
0x1ea: {  	_ =	swait.ge @!p0 [sflag:s0], s1  }
0x1eb: {  	s1 =	ssub.s32 @!p0 $0x0, s1;
	[sflag:s0] =	ssyncset.done @!p0 $0x0  }
0x1ec: {  	[sflag:s0] =	ssyncadd.s32 @!p0 s1  }
0x1ed: {  	[bflag:$0x3] =	sbarrier.arrive $0xFFFF  }
0x1ee: {  	_ =	shalt  }

</sc_bundles>
